<compile_context>
chip_gen: v7x
topology: tpu7x:2x2x1
jax: 0.10.2.dev20260603
libtpu: 0.0.44.dev20260713+nightly
codegen_flags: <defaults>
</compile_context>

<pallas_src>
import jax
import jax.numpy as jnp
from jax import lax
from jax.experimental import pallas as pl
from jax.experimental.pallas import tpu as pltpu
from jax.experimental.pallas import tpu_sc as plsc

N_NODES = 10000
D = 128
E = 320000
K = 64
NC = 2
NS = 16
NW = NC * NS
EPT = 10000
NCH = 160
PAD = NCH * K - EPT
HALF = NCH // 2
NB = 4
DROWS = 64
ROWS_ACC = N_NODES + DROWS
NCT = 10
CW = N_NODES // NCT
BM = 5000



def _make_sc_agg(with_deg: bool):
    mesh = plsc.VectorSubcoreMesh(core_axis_name="c", subcore_axis_name="s")
    agg_t = jax.ShapeDtypeStruct((NC * N_NODES, D), jnp.float32)
    out_type = ([agg_t, jax.ShapeDtypeStruct((NC * N_NODES,), jnp.float32)]
                if with_deg else agg_t)
    scratch = (
        [pltpu.VMEM_SHARED((ROWS_ACC, D), jnp.float32)]
        + [pltpu.VMEM((HALF, 2 * K), jnp.int32)]
        + [pltpu.VMEM((K, D), jnp.float32)] * NB
        + [pltpu.SemaphoreType.DMA] * (2 * NB)
    )
    if with_deg:
        scratch += [
            pltpu.VMEM_SHARED((ROWS_ACC,), jnp.float32),
            pltpu.VMEM((K,), jnp.float32),
            pltpu.VMEM((CW,), jnp.float32),
        ]

    def body(y_hbm, z128_hbm, z1_hbm, ed_hbm, agg_out, *rest):
        if with_deg:
            deg_out = rest[0]
            rest = rest[1:]
        acc_sh, ed_v = rest[0], rest[1]
        rows = rest[2:2 + NB]
        semg = rest[2 + NB:2 + 2 * NB]
        sems = rest[2 + 2 * NB:2 + 3 * NB]
        if with_deg:
            deg_sh, ones_v, bounce_v = rest[2 + 3 * NB:]
        c = lax.axis_index("c")
        s = lax.axis_index("s")
        w = c * NS + s

        if with_deg:
            ov = jnp.ones((16,), jnp.float32)
            for j in range(K // 16):
                ones_v[pl.ds(j * 16, 16)] = ov

        @pl.when(s < NCT)
        def _zero():
            pltpu.sync_copy(z128_hbm, acc_sh.at[pl.ds(s * CW, CW)])
            if with_deg:
                pltpu.sync_copy(z1_hbm, bounce_v)
                pltpu.sync_copy(bounce_v, deg_sh.at[pl.ds(s * CW, CW)])

        def gather(g, b):
            pltpu.async_copy(y_hbm.at[ed_v.at[g, pl.ds(K, K)]],
                             rows[b], semg[b])

        def gather_wait(g, b):
            pltpu.make_async_copy(y_hbm.at[ed_v.at[g, pl.ds(K, K)]],
                                  rows[b], semg[b]).wait()

        def scatter(g, b):
            didx = ed_v.at[g, pl.ds(0, K)]
            pltpu.async_copy(rows[b], acc_sh.at[didx], sems[b], add=True)
            if with_deg:
                pltpu.async_copy(ones_v, deg_sh.at[didx], sems[b], add=True)

        def scatter_wait(g, b):
            didx = ed_v.at[g, pl.ds(0, K)]
            pltpu.make_async_copy(rows[b], acc_sh.at[didx], sems[b]).wait()
            if with_deg:
                pltpu.make_async_copy(ones_v, deg_sh.at[didx],
                                      sems[b]).wait()

        pltpu.sync_copy(ed_hbm.at[pl.ds(w * NCH, HALF)], ed_v)
        gather(0, 0)
        gather(1, 1)
        gather(2, 2)
        plsc.subcore_barrier()
        for h in range(2):
            if h:
                pltpu.sync_copy(ed_hbm.at[pl.ds(w * NCH + HALF, HALF)], ed_v)
                gather(0, 0)
                gather(1, 1)
                gather(2, 2)

            def quad(q, carry):
                for b in range(NB):
                    g = NB * q + b

                    @pl.when(g >= 1)
                    def _drain():
                        scatter_wait(g - 1, (b + 3) % NB)

                    @pl.when(g + 3 < HALF)
                    def _ahead():
                        gather(g + 3, (b + 3) % NB)

                    gather_wait(g, b)
                    scatter(g, b)
                return carry

            lax.fori_loop(0, HALF // NB, quad, 0)
            scatter_wait(HALF - 1, (HALF - 1) % NB)

        plsc.subcore_barrier()

        @pl.when(s < NCT)
        def _copy_out():
            base = c * N_NODES + s * CW
            pltpu.sync_copy(acc_sh.at[pl.ds(s * CW, CW)],
                            agg_out.at[pl.ds(base, CW)])
            if with_deg:
                pltpu.sync_copy(deg_sh.at[pl.ds(s * CW, CW)], bounce_v)
                pltpu.sync_copy(bounce_v, deg_out.at[pl.ds(base, CW)])

    return pl.kernel(body, out_type=out_type, mesh=mesh,
                     scratch_types=scratch)


_sc_agg_deg = _make_sc_agg(True)
_sc_agg = _make_sc_agg(False)



def _tc_pre_body(x_ref, wl_ref, wr_ref, b_ref, y_ref, r_ref):
    x = x_ref[...]
    y_ref[...] = jnp.dot(x, wl_ref[...], preferred_element_type=jnp.float32)
    r_ref[...] = (jnp.dot(x, wr_ref[...], preferred_element_type=jnp.float32)
                  + b_ref[...])


def _tc_pre(x, wl, wr, b):
    return pl.pallas_call(
        _tc_pre_body,
        grid=(N_NODES // BM,),
        in_specs=[pl.BlockSpec((BM, D), lambda i: (i, 0)),
                  pl.BlockSpec((D, D), lambda i: (0, 0)),
                  pl.BlockSpec((D, D), lambda i: (0, 0)),
                  pl.BlockSpec((1, D), lambda i: (0, 0))],
        out_specs=[pl.BlockSpec((BM, D), lambda i: (i, 0))] * 2,
        out_shape=[jax.ShapeDtypeStruct((N_NODES, D), jnp.float32)] * 2,
    )(x, wl, wr, b)


def _deg_col(d0_ref, d1_ref):
    d = d0_ref[0, 0, :] + d1_ref[0, 0, :]
    return jnp.maximum(d, 1.0).reshape(BM, 1)


def _tc_mid_body(a0_ref, a1_ref, d0_ref, d1_ref, r1_ref, wl_ref, wr_ref,
                 b_ref, y_ref, r_ref):
    agg = a0_ref[...] + a1_ref[...]
    h = jnp.maximum(agg / _deg_col(d0_ref, d1_ref) + r1_ref[...], 0.0)
    y_ref[...] = jnp.dot(h, wl_ref[...], preferred_element_type=jnp.float32)
    r_ref[...] = (jnp.dot(h, wr_ref[...], preferred_element_type=jnp.float32)
                  + b_ref[...])


def _tc_mid(agg, deg3, r1, wl, wr, b):
    nb = N_NODES // BM
    return pl.pallas_call(
        _tc_mid_body,
        grid=(nb,),
        in_specs=[pl.BlockSpec((BM, D), lambda i: (i, 0)),
                  pl.BlockSpec((BM, D), lambda i: (i + nb, 0)),
                  pl.BlockSpec((1, 1, BM), lambda i: (i, 0, 0)),
                  pl.BlockSpec((1, 1, BM), lambda i: (i + nb, 0, 0)),
                  pl.BlockSpec((BM, D), lambda i: (i, 0)),
                  pl.BlockSpec((D, D), lambda i: (0, 0)),
                  pl.BlockSpec((D, D), lambda i: (0, 0)),
                  pl.BlockSpec((1, D), lambda i: (0, 0))],
        out_specs=[pl.BlockSpec((BM, D), lambda i: (i, 0))] * 2,
        out_shape=[jax.ShapeDtypeStruct((N_NODES, D), jnp.float32)] * 2,
    )(agg, agg, deg3, deg3, r1, wl, wr, b)


def _tc_fin_body(a0_ref, a1_ref, d0_ref, d1_ref, r2_ref, o_ref):
    agg = a0_ref[...] + a1_ref[...]
    o_ref[...] = agg / _deg_col(d0_ref, d1_ref) + r2_ref[...]


def _tc_fin(agg, deg3, r2):
    nb = N_NODES // BM
    return pl.pallas_call(
        _tc_fin_body,
        grid=(nb,),
        in_specs=[pl.BlockSpec((BM, D), lambda i: (i, 0)),
                  pl.BlockSpec((BM, D), lambda i: (i + nb, 0)),
                  pl.BlockSpec((1, 1, BM), lambda i: (i, 0, 0)),
                  pl.BlockSpec((1, 1, BM), lambda i: (i + nb, 0, 0)),
                  pl.BlockSpec((BM, D), lambda i: (i, 0))],
        out_specs=pl.BlockSpec((BM, D), lambda i: (i, 0)),
        out_shape=jax.ShapeDtypeStruct((N_NODES, D), jnp.float32),
    )(agg, agg, deg3, deg3, r2)



def _pad_edges(idx, pad_vals):
    per_tile = idx.reshape(NW, EPT)
    padded = jnp.concatenate([per_tile, pad_vals], axis=1)
    return padded.reshape(NW, NCH, K)


def kernel(x, edge_index, W1_l, b1_l, W1_r, b1_r, W2_l, b2_l, W2_r, b2_r):
    src = edge_index[0].astype(jnp.int32)
    dst = edge_index[1].astype(jnp.int32)
    lane = jnp.arange(PAD, dtype=jnp.int32)[None, :]
    tile = jnp.arange(NW, dtype=jnp.int32)[:, None]
    src_pad = (tile * PAD + lane) % N_NODES
    dst_pad = N_NODES + (tile + lane) % DROWS
    src3 = _pad_edges(src, src_pad)
    dst3 = _pad_edges(dst, dst_pad)
    ed = jnp.concatenate([dst3, src3], axis=-1).reshape(NW * NCH, 2 * K)
    b1 = (b1_l + b1_r).reshape(1, D)
    b2 = (b2_l + b2_r).reshape(1, D)
    z128 = jnp.zeros((CW, D), jnp.float32)
    z1 = jnp.zeros((CW,), jnp.float32)

    y1, r1 = _tc_pre(x, W1_l, W1_r, b1)
    agg1, deg = _sc_agg_deg(y1, z128, z1, ed)
    deg3 = deg.reshape(NC * (N_NODES // BM), 1, BM)
    y2, r2 = _tc_mid(agg1, deg3, r1, W2_l, W2_r, b2)
    agg2 = _sc_agg(y2, z128, z1, ed)
    return _tc_fin(agg2, deg3, r2)

# --- scband reference (transcript-rebuilt; emitter-appended) ---
"""Pipeline reference for scband-sage-18554258719492 (READ-ONLY COPY).

The authoritative reference and input builder live on the scoring server;
editing this copy changes nothing except your own understanding.
"""

import jax, jax.numpy as jnp
import numpy as np

N_NODES = 10000
N_EDGES = 320000
D_FEAT = 128
HIDDEN = 128


def setup_inputs(seed: int = 0) -> dict:
    key = jax.random.key(seed)
    ks = jax.random.split(key, 12)
    x = jax.random.normal(ks[0], (N_NODES, D_FEAT), dtype=jnp.float32)
    edge_index = jax.random.randint(ks[1], (2, N_EDGES), 0, N_NODES, dtype=jnp.int64)
    s1 = 1.0 / np.sqrt(D_FEAT)
    s2 = 1.0 / np.sqrt(HIDDEN)
    W1_l = jax.random.uniform(ks[2], (D_FEAT, HIDDEN), jnp.float32, -s1, s1)
    b1_l = jax.random.uniform(ks[3], (HIDDEN,), jnp.float32, -s1, s1)
    W1_r = jax.random.uniform(ks[4], (D_FEAT, HIDDEN), jnp.float32, -s1, s1)
    b1_r = jax.random.uniform(ks[5], (HIDDEN,), jnp.float32, -s1, s1)
    W2_l = jax.random.uniform(ks[6], (HIDDEN, HIDDEN), jnp.float32, -s2, s2)
    b2_l = jax.random.uniform(ks[7], (HIDDEN,), jnp.float32, -s2, s2)
    W2_r = jax.random.uniform(ks[8], (HIDDEN, HIDDEN), jnp.float32, -s2, s2)
    b2_r = jax.random.uniform(ks[9], (HIDDEN,), jnp.float32, -s2, s2)
    return {"x": x, "edge_index": edge_index, "W1_l": W1_l, "b1_l": b1_l,
            "W1_r": W1_r, "b1_r": b1_r, "W2_l": W2_l, "b2_l": b2_l,
            "W2_r": W2_r, "b2_r": b2_r}


def _sage_conv(x, edge_index, W_l, b_l, W_r, b_r):
    # SAGEConv with mean aggregation: out = lin_l(mean_j x_j) + lin_r(x_i)
    src = edge_index[0]
    dst = edge_index[1]
    msgs = jnp.take(x, src, axis=0)                       # gather  [E, d]
    agg = jax.ops.segment_sum(msgs, dst, num_segments=N_NODES)  # scatter-add
    deg = jax.ops.segment_sum(jnp.ones((msgs.shape[0],), dtype=x.dtype), dst,
                              num_segments=N_NODES)
    mean = agg / jnp.clip(deg, 1.0)[:, None]
    return mean @ W_l + b_l + x @ W_r + b_r


def reference(x, edge_index, W1_l, b1_l, W1_r, b1_r, W2_l, b2_l, W2_r, b2_r):
    # full_forward: conv1 -> relu -> (dropout inactive in eval) -> conv2
    h = _sage_conv(x, edge_index, W1_l, b1_l, W1_r, b1_r)
    h = jax.nn.relu(h)
    out = _sage_conv(h, edge_index, W2_l, b2_l, W2_r, b2_r)
    return out

if __name__ == "__main__":
    import jax
    _d = setup_inputs()
    print(jax.jit(kernel)(*tuple(_d.values())))

</pallas_src>

<mosaic_0001>
#map = affine_map<(d0, d1) -> (0, 0)>
#map1 = affine_map<(d0, d1) -> (0)>
module attributes {stable_mosaic.version = 14 : i64} {
  func.func @body(%arg0: i32, %arg1: i32, %arg2: memref<10000x128xf32, #tpu.memory_space<hbm>>, %arg3: memref<1000x128xf32, #tpu.memory_space<hbm>>, %arg4: memref<1000xf32, #tpu.memory_space<hbm>>, %arg5: memref<5120x128xi32, #tpu.memory_space<hbm>>, %arg6: memref<20000x128xf32, #tpu.memory_space<hbm>>, %arg7: memref<20000xf32, #tpu.memory_space<hbm>>, %arg8: memref<10064x128xf32, #tpu.memory_space<vmem_shared>>, %arg9: memref<80x128xi32, #tpu.memory_space<vmem>>, %arg10: memref<64x128xf32, #tpu.memory_space<vmem>>, %arg11: memref<64x128xf32, #tpu.memory_space<vmem>>, %arg12: memref<64x128xf32, #tpu.memory_space<vmem>>, %arg13: memref<64x128xf32, #tpu.memory_space<vmem>>, %arg14: memref<!tpu.dma_semaphore, #tpu.memory_space<semaphore_mem>>, %arg15: memref<!tpu.dma_semaphore, #tpu.memory_space<semaphore_mem>>, %arg16: memref<!tpu.dma_semaphore, #tpu.memory_space<semaphore_mem>>, %arg17: memref<!tpu.dma_semaphore, #tpu.memory_space<semaphore_mem>>, %arg18: memref<!tpu.dma_semaphore, #tpu.memory_space<semaphore_mem>>, %arg19: memref<!tpu.dma_semaphore, #tpu.memory_space<semaphore_mem>>, %arg20: memref<!tpu.dma_semaphore, #tpu.memory_space<semaphore_mem>>, %arg21: memref<!tpu.dma_semaphore, #tpu.memory_space<semaphore_mem>>, %arg22: memref<10064xf32, #tpu.memory_space<vmem_shared>>, %arg23: memref<64xf32, #tpu.memory_space<vmem>>, %arg24: memref<1000xf32, #tpu.memory_space<vmem>>) attributes {dimension_semantics = [#tpu.dimension_semantics<core_parallel>, #tpu.dimension_semantics<subcore_parallel>], iteration_bounds = array<i64: 2, 16>, scalar_prefetch = 0 : i64, scratch_operands = 17 : i64, tpu.core_type = #tpu.core_type<sc_vector_subcore>, window_params = [{transform_indices = #map}, {transform_indices = #map}, {transform_indices = #map1}, {transform_indices = #map}, {transform_indices = #map}, {transform_indices = #map1}]} {
    %mul3A = arith.constant 16 : i32
    %mul3A_0 = arith.muli %arg0, %mul3A : i32
    %add3A = arith.addi %mul3A_0, %arg1 : i32
    %broadcast_in_dim3A = arith.constant 1.000000e+00 : f32
    %broadcast_in_dim3A_1 = vector.broadcast %broadcast_in_dim3A : f32 to vector<16xf32>
    %swap3A = arith.constant 0 : index
    %swap3A_2 = tpu.vector_load %arg23[%swap3A] {strides = array<i32>} : memref<64xf32, #tpu.memory_space<vmem>>, vector<16xf32>,
    %swap3A_3 = vector.shape_cast %swap3A_2 : vector<16xf32> to vector<16xf32>
    %swap3A_4 = vector.shape_cast %broadcast_in_dim3A_1 : vector<16xf32> to vector<16xf32>
    tpu.vector_store %arg23[%swap3A], %swap3A_4 {strides = array<i32>} : memref<64xf32, #tpu.memory_space<vmem>>, vector<16xf32>,
    %swap3A_5 = arith.constant 16 : index
    %swap3A_6 = tpu.vector_load %arg23[%swap3A_5] {strides = array<i32>} : memref<64xf32, #tpu.memory_space<vmem>>, vector<16xf32>,
    %swap3A_7 = vector.shape_cast %swap3A_6 : vector<16xf32> to vector<16xf32>
    %swap3A_8 = vector.shape_cast %broadcast_in_dim3A_1 : vector<16xf32> to vector<16xf32>
    tpu.vector_store %arg23[%swap3A_5], %swap3A_8 {strides = array<i32>} : memref<64xf32, #tpu.memory_space<vmem>>, vector<16xf32>,
    %swap3A_9 = arith.constant 32 : index
    %swap3A_10 = tpu.vector_load %arg23[%swap3A_9] {strides = array<i32>} : memref<64xf32, #tpu.memory_space<vmem>>, vector<16xf32>,
    %swap3A_11 = vector.shape_cast %swap3A_10 : vector<16xf32> to vector<16xf32>
    %swap3A_12 = vector.shape_cast %broadcast_in_dim3A_1 : vector<16xf32> to vector<16xf32>
    tpu.vector_store %arg23[%swap3A_9], %swap3A_12 {strides = array<i32>} : memref<64xf32, #tpu.memory_space<vmem>>, vector<16xf32>,
    %swap3A_13 = arith.constant 48 : index
    %swap3A_14 = tpu.vector_load %arg23[%swap3A_13] {strides = array<i32>} : memref<64xf32, #tpu.memory_space<vmem>>, vector<16xf32>,
    %swap3A_15 = vector.shape_cast %swap3A_14 : vector<16xf32> to vector<16xf32>
    %swap3A_16 = vector.shape_cast %broadcast_in_dim3A_1 : vector<16xf32> to vector<16xf32>
    tpu.vector_store %arg23[%swap3A_13], %swap3A_16 {strides = array<i32>} : memref<64xf32, #tpu.memory_space<vmem>>, vector<16xf32>,
    %lt3A = arith.constant 10 : i32
    %lt3A_17 = arith.cmpi slt, %arg1, %lt3A : i32
    %convert_element_type3A = arith.extui %lt3A_17 : i1 to i32
    %cond3A = arith.constant 0 : i32
    %cond3A_18 = arith.cmpi ne, %convert_element_type3A, %cond3A : i32
    scf.if %cond3A_18 {
      %mul3A_108 = arith.constant 1000 : i32
      %mul3A_109 = arith.muli %arg1, %mul3A_108 : i32
      "tpu.region"() ({
        %run_scoped3A = tpu.sem_alloc : memref<!tpu.dma_semaphore, #tpu.memory_space<semaphore_mem>>
        %dma_start3A_112 = arith.constant 0 : i32
        %dma_start3A_113 = tpu.memref_slice %arg8[%mul3A_109, %dma_start3A_112] : memref<10064x128xf32, #tpu.memory_space<vmem_shared>> -> memref<1000x128xf32, #tpu.memory_space<vmem_shared>>
        tpu.enqueue_dma source(%arg3 : memref<1000x128xf32, #tpu.memory_space<hbm>>) target(%dma_start3A_113 : memref<1000x128xf32, #tpu.memory_space<vmem_shared>>) target_semaphore(%run_scoped3A : memref<!tpu.dma_semaphore, #tpu.memory_space<semaphore_mem>>)
        %dma_wait3A_114 = arith.constant 0 : i32
        %dma_wait3A_115 = tpu.memref_slice %arg8[%mul3A_109, %dma_wait3A_114] : memref<10064x128xf32, #tpu.memory_space<vmem_shared>> -> memref<1000x128xf32, #tpu.memory_space<vmem_shared>>
        tpu.wait_dma2 semaphore(%run_scoped3A : memref<!tpu.dma_semaphore, #tpu.memory_space<semaphore_mem>>) src(%arg3 : memref<1000x128xf32, #tpu.memory_space<hbm>>) dst(%dma_wait3A_115 : memref<1000x128xf32, #tpu.memory_space<vmem_shared>>)
        tpu.yield
      }) : () -> ()
      "tpu.region"() ({
        %run_scoped3A = tpu.sem_alloc : memref<!tpu.dma_semaphore, #tpu.memory_space<semaphore_mem>>
        tpu.enqueue_dma source(%arg4 : memref<1000xf32, #tpu.memory_space<hbm>>) target(%arg24 : memref<1000xf32, #tpu.memory_space<vmem>>) target_semaphore(%run_scoped3A : memref<!tpu.dma_semaphore, #tpu.memory_space<semaphore_mem>>)
        tpu.wait_dma2 semaphore(%run_scoped3A : memref<!tpu.dma_semaphore, #tpu.memory_space<semaphore_mem>>) src(%arg4 : memref<1000xf32, #tpu.memory_space<hbm>>) dst(%arg24 : memref<1000xf32, #tpu.memory_space<vmem>>)
        tpu.yield
      }) : () -> ()
      %mul3A_110 = arith.constant 1000 : i32
      %mul3A_111 = arith.muli %arg1, %mul3A_110 : i32
      "tpu.region"() ({
        %run_scoped3A = tpu.sem_alloc : memref<!tpu.dma_semaphore, #tpu.memory_space<semaphore_mem>>
        %dma_start3A_112 = tpu.memref_slice %arg22[%mul3A_111] : memref<10064xf32, #tpu.memory_space<vmem_shared>> -> memref<1000xf32, #tpu.memory_space<vmem_shared>>
        %dma_start3A_113 = tpu.memref_slice %arg22[%mul3A_111] : memref<10064xf32, #tpu.memory_space<vmem_shared>> -> memref<1000xf32, #tpu.memory_space<vmem_shared>>
        tpu.enqueue_dma source(%arg24 : memref<1000xf32, #tpu.memory_space<vmem>>) target(%dma_start3A_113 : memref<1000xf32, #tpu.memory_space<vmem_shared>>) target_semaphore(%run_scoped3A : memref<!tpu.dma_semaphore, #tpu.memory_space<semaphore_mem>>)
        %dma_wait3A_114 = tpu.memref_slice %arg22[%mul3A_111] : memref<10064xf32, #tpu.memory_space<vmem_shared>> -> memref<1000xf32, #tpu.memory_space<vmem_shared>>
        %dma_wait3A_115 = tpu.memref_slice %arg22[%mul3A_111] : memref<10064xf32, #tpu.memory_space<vmem_shared>> -> memref<1000xf32, #tpu.memory_space<vmem_shared>>
        tpu.wait_dma2 semaphore(%run_scoped3A : memref<!tpu.dma_semaphore, #tpu.memory_space<semaphore_mem>>) src(%arg24 : memref<1000xf32, #tpu.memory_space<vmem>>) dst(%dma_wait3A_115 : memref<1000xf32, #tpu.memory_space<vmem_shared>>)
        tpu.yield
      }) : () -> ()
    } else {
    }
    %mul3A_19 = arith.constant 160 : i32
    %mul3A_20 = arith.muli %add3A, %mul3A_19 : i32
    "tpu.region"() ({
      %run_scoped3A = tpu.sem_alloc : memref<!tpu.dma_semaphore, #tpu.memory_space<semaphore_mem>>
      %dma_start3A_108 = arith.constant 0 : i32
      %dma_start3A_109 = tpu.memref_slice %arg5[%mul3A_20, %dma_start3A_108] : memref<5120x128xi32, #tpu.memory_space<hbm>> -> memref<80x128xi32, #tpu.memory_space<hbm>>
      %dma_start3A_110 = arith.constant 0 : i32
      %dma_start3A_111 = tpu.memref_slice %arg5[%mul3A_20, %dma_start3A_110] : memref<5120x128xi32, #tpu.memory_space<hbm>> -> memref<80x128xi32, #tpu.memory_space<hbm>>
      tpu.enqueue_dma source(%dma_start3A_111 : memref<80x128xi32, #tpu.memory_space<hbm>>) target(%arg9 : memref<80x128xi32, #tpu.memory_space<vmem>>) target_semaphore(%run_scoped3A : memref<!tpu.dma_semaphore, #tpu.memory_space<semaphore_mem>>)
      %dma_wait3A_112 = arith.constant 0 : i32
      %dma_wait3A_113 = tpu.memref_slice %arg5[%mul3A_20, %dma_wait3A_112] : memref<5120x128xi32, #tpu.memory_space<hbm>> -> memref<80x128xi32, #tpu.memory_space<hbm>>
      %dma_wait3A_114 = arith.constant 0 : i32
      %dma_wait3A_115 = tpu.memref_slice %arg5[%mul3A_20, %dma_wait3A_114] : memref<5120x128xi32, #tpu.memory_space<hbm>> -> memref<80x128xi32, #tpu.memory_space<hbm>>
      tpu.wait_dma2 semaphore(%run_scoped3A : memref<!tpu.dma_semaphore, #tpu.memory_space<semaphore_mem>>) src(%dma_wait3A_115 : memref<80x128xi32, #tpu.memory_space<hbm>>) dst(%arg9 : memref<80x128xi32, #tpu.memory_space<vmem>>)
      tpu.yield
    }) : () -> ()
    %dma_start3A = arith.constant 0 : i32
    %dma_start3A_21 = arith.constant 64 : i32
    %dma_start3A_22 = tpu.memref_slice %arg9[%dma_start3A, %dma_start3A_21] : memref<80x128xi32, #tpu.memory_space<vmem>> -> memref<1x64xi32, #tpu.memory_space<vmem>>
    %dma_start3A_23 = tpu.memref_squeeze %dma_start3A_22 : memref<1x64xi32, #tpu.memory_space<vmem>> -> memref<64xi32, #tpu.memory_space<vmem>>
    %dma_start3A_24 = arith.constant 0 : i32
    %dma_start3A_25 = arith.constant 0 : i32
    %dma_start3A_26 = tpu.memref_slice %arg2[%dma_start3A_24, %dma_start3A_25] : memref<10000x128xf32, #tpu.memory_space<hbm>> -> memref<10000x128xf32, #tpu.memory_space<hbm>>
    tpu.enqueue_indirect_dma source(%dma_start3A_26 : memref<10000x128xf32, #tpu.memory_space<hbm>>) target(%arg10 : memref<64x128xf32, #tpu.memory_space<vmem>>) offsets(%dma_start3A_23 : memref<64xi32, #tpu.memory_space<vmem>>) semaphore(%arg14 : memref<!tpu.dma_semaphore, #tpu.memory_space<semaphore_mem>>)
    %dma_start3A_27 = arith.constant 1 : i32
    %dma_start3A_28 = arith.constant 64 : i32
    %dma_start3A_29 = tpu.memref_slice %arg9[%dma_start3A_27, %dma_start3A_28] : memref<80x128xi32, #tpu.memory_space<vmem>> -> memref<1x64xi32, #tpu.memory_space<vmem>>
    %dma_start3A_30 = tpu.memref_squeeze %dma_start3A_29 : memref<1x64xi32, #tpu.memory_space<vmem>> -> memref<64xi32, #tpu.memory_space<vmem>>
    %dma_start3A_31 = arith.constant 0 : i32
    %dma_start3A_32 = arith.constant 0 : i32
    %dma_start3A_33 = tpu.memref_slice %arg2[%dma_start3A_31, %dma_start3A_32] : memref<10000x128xf32, #tpu.memory_space<hbm>> -> memref<10000x128xf32, #tpu.memory_space<hbm>>
    tpu.enqueue_indirect_dma source(%dma_start3A_33 : memref<10000x128xf32, #tpu.memory_space<hbm>>) target(%arg11 : memref<64x128xf32, #tpu.memory_space<vmem>>) offsets(%dma_start3A_30 : memref<64xi32, #tpu.memory_space<vmem>>) semaphore(%arg15 : memref<!tpu.dma_semaphore, #tpu.memory_space<semaphore_mem>>)
    %dma_start3A_34 = arith.constant 2 : i32
    %dma_start3A_35 = arith.constant 64 : i32
    %dma_start3A_36 = tpu.memref_slice %arg9[%dma_start3A_34, %dma_start3A_35] : memref<80x128xi32, #tpu.memory_space<vmem>> -> memref<1x64xi32, #tpu.memory_space<vmem>>
    %dma_start3A_37 = tpu.memref_squeeze %dma_start3A_36 : memref<1x64xi32, #tpu.memory_space<vmem>> -> memref<64xi32, #tpu.memory_space<vmem>>
    %dma_start3A_38 = arith.constant 0 : i32
    %dma_start3A_39 = arith.constant 0 : i32
    %dma_start3A_40 = tpu.memref_slice %arg2[%dma_start3A_38, %dma_start3A_39] : memref<10000x128xf32, #tpu.memory_space<hbm>> -> memref<10000x128xf32, #tpu.memory_space<hbm>>
    tpu.enqueue_indirect_dma source(%dma_start3A_40 : memref<10000x128xf32, #tpu.memory_space<hbm>>) target(%arg12 : memref<64x128xf32, #tpu.memory_space<vmem>>) offsets(%dma_start3A_37 : memref<64xi32, #tpu.memory_space<vmem>>) semaphore(%arg16 : memref<!tpu.dma_semaphore, #tpu.memory_space<semaphore_mem>>)
    %barrier3A = arith.constant 0 : index
    tpu.barrier barrier_id(%barrier3A)
    %scan3A = arith.constant 0 : i32
    %scan3A_41 = arith.constant 0 : i32
    %scan3A_42 = arith.constant 20 : i32
    %scan3A_43 = arith.addi %scan3A_41, %scan3A_42 : i32
    %scan3A_44 = arith.constant 1 : i32
    scf.for %scan3A_108 = %scan3A_41 to %scan3A_43 step %scan3A_44  : i32 {
      %mul3A_109 = arith.constant 4 : i32
      %mul3A_110 = arith.muli %mul3A_109, %scan3A_108 : i32
      %add3A_111 = arith.constant 0 : i32
      %add3A_112 = arith.addi %mul3A_110, %add3A_111 : i32
      %ge3A = arith.constant 1 : i32
      %ge3A_113 = arith.cmpi sge, %add3A_112, %ge3A : i32
      %convert_element_type3A_114 = arith.extui %ge3A_113 : i1 to i32
      %cond3A_115 = arith.constant 0 : i32
      %cond3A_116 = arith.cmpi ne, %convert_element_type3A_114, %cond3A_115 : i32
      scf.if %cond3A_116 {
        %sub3A = arith.constant 1 : i32
        %sub3A_240 = arith.subi %add3A_112, %sub3A : i32
        %dma_wait3A_241 = arith.constant 0 : i32
        %dma_wait3A_242 = tpu.memref_slice %arg9[%sub3A_240, %dma_wait3A_241] : memref<80x128xi32, #tpu.memory_space<vmem>> -> memref<1x64xi32, #tpu.memory_space<vmem>>
        %dma_wait3A_243 = tpu.memref_squeeze %dma_wait3A_242 : memref<1x64xi32, #tpu.memory_space<vmem>> -> memref<64xi32, #tpu.memory_space<vmem>>
        %dma_wait3A_244 = arith.constant 0 : i32
        %dma_wait3A_245 = arith.constant 0 : i32
        %dma_wait3A_246 = tpu.memref_slice %arg8[%dma_wait3A_244, %dma_wait3A_245] : memref<10064x128xf32, #tpu.memory_space<vmem_shared>> -> memref<10064x128xf32, #tpu.memory_space<vmem_shared>>
        tpu.wait_indirect_dma semaphore(%arg21 : memref<!tpu.dma_semaphore, #tpu.memory_space<semaphore_mem>>) src(%arg13 : memref<64x128xf32, #tpu.memory_space<vmem>>) dst(%dma_wait3A_246 : memref<10064x128xf32, #tpu.memory_space<vmem_shared>>)
        %dma_wait3A_247 = arith.constant 0 : i32
        %dma_wait3A_248 = tpu.memref_slice %arg9[%sub3A_240, %dma_wait3A_247] : memref<80x128xi32, #tpu.memory_space<vmem>> -> memref<1x64xi32, #tpu.memory_space<vmem>>
        %dma_wait3A_249 = tpu.memref_squeeze %dma_wait3A_248 : memref<1x64xi32, #tpu.memory_space<vmem>> -> memref<64xi32, #tpu.memory_space<vmem>>
        %dma_wait3A_250 = arith.constant 0 : i32
        %dma_wait3A_251 = tpu.memref_slice %arg22[%dma_wait3A_250] : memref<10064xf32, #tpu.memory_space<vmem_shared>> -> memref<10064xf32, #tpu.memory_space<vmem_shared>>
        tpu.wait_indirect_dma semaphore(%arg21 : memref<!tpu.dma_semaphore, #tpu.memory_space<semaphore_mem>>) src(%arg23 : memref<64xf32, #tpu.memory_space<vmem>>) dst(%dma_wait3A_251 : memref<10064xf32, #tpu.memory_space<vmem_shared>>)
      } else {
      }
      %add3A_117 = arith.constant 3 : i32
      %add3A_118 = arith.addi %add3A_112, %add3A_117 : i32
      %lt3A_119 = arith.constant 80 : i32
      %lt3A_120 = arith.cmpi slt, %add3A_118, %lt3A_119 : i32
      %convert_element_type3A_121 = arith.extui %lt3A_120 : i1 to i32
      %cond3A_122 = arith.constant 0 : i32
      %cond3A_123 = arith.cmpi ne, %convert_element_type3A_121, %cond3A_122 : i32
      scf.if %cond3A_123 {
        %add3A_240 = arith.constant 3 : i32
        %add3A_241 = arith.addi %add3A_112, %add3A_240 : i32
        %dma_start3A_242 = arith.constant 64 : i32
        %dma_start3A_243 = tpu.memref_slice %arg9[%add3A_241, %dma_start3A_242] : memref<80x128xi32, #tpu.memory_space<vmem>> -> memref<1x64xi32, #tpu.memory_space<vmem>>
        %dma_start3A_244 = tpu.memref_squeeze %dma_start3A_243 : memref<1x64xi32, #tpu.memory_space<vmem>> -> memref<64xi32, #tpu.memory_space<vmem>>
        %dma_start3A_245 = arith.constant 0 : i32
        %dma_start3A_246 = arith.constant 0 : i32
        %dma_start3A_247 = tpu.memref_slice %arg2[%dma_start3A_245, %dma_start3A_246] : memref<10000x128xf32, #tpu.memory_space<hbm>> -> memref<10000x128xf32, #tpu.memory_space<hbm>>
        tpu.enqueue_indirect_dma source(%dma_start3A_247 : memref<10000x128xf32, #tpu.memory_space<hbm>>) target(%arg13 : memref<64x128xf32, #tpu.memory_space<vmem>>) offsets(%dma_start3A_244 : memref<64xi32, #tpu.memory_space<vmem>>) semaphore(%arg17 : memref<!tpu.dma_semaphore, #tpu.memory_space<semaphore_mem>>)
      } else {
      }
      %dma_wait3A_124 = arith.constant 64 : i32
      %dma_wait3A_125 = tpu.memref_slice %arg9[%add3A_112, %dma_wait3A_124] : memref<80x128xi32, #tpu.memory_space<vmem>> -> memref<1x64xi32, #tpu.memory_space<vmem>>
      %dma_wait3A_126 = tpu.memref_squeeze %dma_wait3A_125 : memref<1x64xi32, #tpu.memory_space<vmem>> -> memref<64xi32, #tpu.memory_space<vmem>>
      %dma_wait3A_127 = arith.constant 0 : i32
      %dma_wait3A_128 = arith.constant 0 : i32
      %dma_wait3A_129 = tpu.memref_slice %arg2[%dma_wait3A_127, %dma_wait3A_128] : memref<10000x128xf32, #tpu.memory_space<hbm>> -> memref<10000x128xf32, #tpu.memory_space<hbm>>
      tpu.wait_indirect_dma semaphore(%arg14 : memref<!tpu.dma_semaphore, #tpu.memory_space<semaphore_mem>>) src(%dma_wait3A_129 : memref<10000x128xf32, #tpu.memory_space<hbm>>) dst(%arg10 : memref<64x128xf32, #tpu.memory_space<vmem>>)
      %dma_start3A_130 = arith.constant 0 : i32
      %dma_start3A_131 = tpu.memref_slice %arg9[%add3A_112, %dma_start3A_130] : memref<80x128xi32, #tpu.memory_space<vmem>> -> memref<1x64xi32, #tpu.memory_space<vmem>>
      %dma_start3A_132 = tpu.memref_squeeze %dma_start3A_131 : memref<1x64xi32, #tpu.memory_space<vmem>> -> memref<64xi32, #tpu.memory_space<vmem>>
      %dma_start3A_133 = arith.constant 0 : i32
      %dma_start3A_134 = arith.constant 0 : i32
      %dma_start3A_135 = tpu.memref_slice %arg8[%dma_start3A_133, %dma_start3A_134] : memref<10064x128xf32, #tpu.memory_space<vmem_shared>> -> memref<10064x128xf32, #tpu.memory_space<vmem_shared>>
      tpu.enqueue_indirect_dma source(%arg10 : memref<64x128xf32, #tpu.memory_space<vmem>>) target(%dma_start3A_135 : memref<10064x128xf32, #tpu.memory_space<vmem_shared>>) offsets(%dma_start3A_132 : memref<64xi32, #tpu.memory_space<vmem>>) semaphore(%arg18 : memref<!tpu.dma_semaphore, #tpu.memory_space<semaphore_mem>>) {add = true}
      %dma_start3A_136 = arith.constant 0 : i32
      %dma_start3A_137 = tpu.memref_slice %arg9[%add3A_112, %dma_start3A_136] : memref<80x128xi32, #tpu.memory_space<vmem>> -> memref<1x64xi32, #tpu.memory_space<vmem>>
      %dma_start3A_138 = tpu.memref_squeeze %dma_start3A_137 : memref<1x64xi32, #tpu.memory_space<vmem>> -> memref<64xi32, #tpu.memory_space<vmem>>
      %dma_start3A_139 = arith.constant 0 : i32
      %dma_start3A_140 = tpu.memref_slice %arg22[%dma_start3A_139] : memref<10064xf32, #tpu.memory_space<vmem_shared>> -> memref<10064xf32, #tpu.memory_space<vmem_shared>>
      tpu.enqueue_indirect_dma source(%arg23 : memref<64xf32, #tpu.memory_space<vmem>>) target(%dma_start3A_140 : memref<10064xf32, #tpu.memory_space<vmem_shared>>) offsets(%dma_start3A_138 : memref<64xi32, #tpu.memory_space<vmem>>) semaphore(%arg18 : memref<!tpu.dma_semaphore, #tpu.memory_space<semaphore_mem>>) {add = true}
      %mul3A_141 = arith.constant 4 : i32
      %mul3A_142 = arith.muli %mul3A_141, %scan3A_108 : i32
      %add3A_143 = arith.constant 1 : i32
      %add3A_144 = arith.addi %mul3A_142, %add3A_143 : i32
      %ge3A_145 = arith.constant 1 : i32
      %ge3A_146 = arith.cmpi sge, %add3A_144, %ge3A_145 : i32
      %convert_element_type3A_147 = arith.extui %ge3A_146 : i1 to i32
      %cond3A_148 = arith.constant 0 : i32
      %cond3A_149 = arith.cmpi ne, %convert_element_type3A_147, %cond3A_148 : i32
      scf.if %cond3A_149 {
        %sub3A = arith.constant 1 : i32
        %sub3A_240 = arith.subi %add3A_144, %sub3A : i32
        %dma_wait3A_241 = arith.constant 0 : i32
        %dma_wait3A_242 = tpu.memref_slice %arg9[%sub3A_240, %dma_wait3A_241] : memref<80x128xi32, #tpu.memory_space<vmem>> -> memref<1x64xi32, #tpu.memory_space<vmem>>
        %dma_wait3A_243 = tpu.memref_squeeze %dma_wait3A_242 : memref<1x64xi32, #tpu.memory_space<vmem>> -> memref<64xi32, #tpu.memory_space<vmem>>
        %dma_wait3A_244 = arith.constant 0 : i32
        %dma_wait3A_245 = arith.constant 0 : i32
        %dma_wait3A_246 = tpu.memref_slice %arg8[%dma_wait3A_244, %dma_wait3A_245] : memref<10064x128xf32, #tpu.memory_space<vmem_shared>> -> memref<10064x128xf32, #tpu.memory_space<vmem_shared>>
        tpu.wait_indirect_dma semaphore(%arg18 : memref<!tpu.dma_semaphore, #tpu.memory_space<semaphore_mem>>) src(%arg10 : memref<64x128xf32, #tpu.memory_space<vmem>>) dst(%dma_wait3A_246 : memref<10064x128xf32, #tpu.memory_space<vmem_shared>>)
        %dma_wait3A_247 = arith.constant 0 : i32
        %dma_wait3A_248 = tpu.memref_slice %arg9[%sub3A_240, %dma_wait3A_247] : memref<80x128xi32, #tpu.memory_space<vmem>> -> memref<1x64xi32, #tpu.memory_space<vmem>>
        %dma_wait3A_249 = tpu.memref_squeeze %dma_wait3A_248 : memref<1x64xi32, #tpu.memory_space<vmem>> -> memref<64xi32, #tpu.memory_space<vmem>>
        %dma_wait3A_250 = arith.constant 0 : i32
        %dma_wait3A_251 = tpu.memref_slice %arg22[%dma_wait3A_250] : memref<10064xf32, #tpu.memory_space<vmem_shared>> -> memref<10064xf32, #tpu.memory_space<vmem_shared>>
        tpu.wait_indirect_dma semaphore(%arg18 : memref<!tpu.dma_semaphore, #tpu.memory_space<semaphore_mem>>) src(%arg23 : memref<64xf32, #tpu.memory_space<vmem>>) dst(%dma_wait3A_251 : memref<10064xf32, #tpu.memory_space<vmem_shared>>)
      } else {
      }
      %add3A_150 = arith.constant 3 : i32
      %add3A_151 = arith.addi %add3A_144, %add3A_150 : i32
      %lt3A_152 = arith.constant 80 : i32
      %lt3A_153 = arith.cmpi slt, %add3A_151, %lt3A_152 : i32
      %convert_element_type3A_154 = arith.extui %lt3A_153 : i1 to i32
      %cond3A_155 = arith.constant 0 : i32
      %cond3A_156 = arith.cmpi ne, %convert_element_type3A_154, %cond3A_155 : i32
      scf.if %cond3A_156 {
        %add3A_240 = arith.constant 3 : i32
        %add3A_241 = arith.addi %add3A_144, %add3A_240 : i32
        %dma_start3A_242 = arith.constant 64 : i32
        %dma_start3A_243 = tpu.memref_slice %arg9[%add3A_241, %dma_start3A_242] : memref<80x128xi32, #tpu.memory_space<vmem>> -> memref<1x64xi32, #tpu.memory_space<vmem>>
        %dma_start3A_244 = tpu.memref_squeeze %dma_start3A_243 : memref<1x64xi32, #tpu.memory_space<vmem>> -> memref<64xi32, #tpu.memory_space<vmem>>
        %dma_start3A_245 = arith.constant 0 : i32
        %dma_start3A_246 = arith.constant 0 : i32
        %dma_start3A_247 = tpu.memref_slice %arg2[%dma_start3A_245, %dma_start3A_246] : memref<10000x128xf32, #tpu.memory_space<hbm>> -> memref<10000x128xf32, #tpu.memory_space<hbm>>
        tpu.enqueue_indirect_dma source(%dma_start3A_247 : memref<10000x128xf32, #tpu.memory_space<hbm>>) target(%arg10 : memref<64x128xf32, #tpu.memory_space<vmem>>) offsets(%dma_start3A_244 : memref<64xi32, #tpu.memory_space<vmem>>) semaphore(%arg14 : memref<!tpu.dma_semaphore, #tpu.memory_space<semaphore_mem>>)
      } else {
      }
      %dma_wait3A_157 = arith.constant 64 : i32
      %dma_wait3A_158 = tpu.memref_slice %arg9[%add3A_144, %dma_wait3A_157] : memref<80x128xi32, #tpu.memory_space<vmem>> -> memref<1x64xi32, #tpu.memory_space<vmem>>
      %dma_wait3A_159 = tpu.memref_squeeze %dma_wait3A_158 : memref<1x64xi32, #tpu.memory_space<vmem>> -> memref<64xi32, #tpu.memory_space<vmem>>
      %dma_wait3A_160 = arith.constant 0 : i32
      %dma_wait3A_161 = arith.constant 0 : i32
      %dma_wait3A_162 = tpu.memref_slice %arg2[%dma_wait3A_160, %dma_wait3A_161] : memref<10000x128xf32, #tpu.memory_space<hbm>> -> memref<10000x128xf32, #tpu.memory_space<hbm>>
      tpu.wait_indirect_dma semaphore(%arg15 : memref<!tpu.dma_semaphore, #tpu.memory_space<semaphore_mem>>) src(%dma_wait3A_162 : memref<10000x128xf32, #tpu.memory_space<hbm>>) dst(%arg11 : memref<64x128xf32, #tpu.memory_space<vmem>>)
      %dma_start3A_163 = arith.constant 0 : i32
      %dma_start3A_164 = tpu.memref_slice %arg9[%add3A_144, %dma_start3A_163] : memref<80x128xi32, #tpu.memory_space<vmem>> -> memref<1x64xi32, #tpu.memory_space<vmem>>
      %dma_start3A_165 = tpu.memref_squeeze %dma_start3A_164 : memref<1x64xi32, #tpu.memory_space<vmem>> -> memref<64xi32, #tpu.memory_space<vmem>>
      %dma_start3A_166 = arith.constant 0 : i32
      %dma_start3A_167 = arith.constant 0 : i32
      %dma_start3A_168 = tpu.memref_slice %arg8[%dma_start3A_166, %dma_start3A_167] : memref<10064x128xf32, #tpu.memory_space<vmem_shared>> -> memref<10064x128xf32, #tpu.memory_space<vmem_shared>>
      tpu.enqueue_indirect_dma source(%arg11 : memref<64x128xf32, #tpu.memory_space<vmem>>) target(%dma_start3A_168 : memref<10064x128xf32, #tpu.memory_space<vmem_shared>>) offsets(%dma_start3A_165 : memref<64xi32, #tpu.memory_space<vmem>>) semaphore(%arg19 : memref<!tpu.dma_semaphore, #tpu.memory_space<semaphore_mem>>) {add = true}
      %dma_start3A_169 = arith.constant 0 : i32
      %dma_start3A_170 = tpu.memref_slice %arg9[%add3A_144, %dma_start3A_169] : memref<80x128xi32, #tpu.memory_space<vmem>> -> memref<1x64xi32, #tpu.memory_space<vmem>>
      %dma_start3A_171 = tpu.memref_squeeze %dma_start3A_170 : memref<1x64xi32, #tpu.memory_space<vmem>> -> memref<64xi32, #tpu.memory_space<vmem>>
      %dma_start3A_172 = arith.constant 0 : i32
      %dma_start3A_173 = tpu.memref_slice %arg22[%dma_start3A_172] : memref<10064xf32, #tpu.memory_space<vmem_shared>> -> memref<10064xf32, #tpu.memory_space<vmem_shared>>
      tpu.enqueue_indirect_dma source(%arg23 : memref<64xf32, #tpu.memory_space<vmem>>) target(%dma_start3A_173 : memref<10064xf32, #tpu.memory_space<vmem_shared>>) offsets(%dma_start3A_171 : memref<64xi32, #tpu.memory_space<vmem>>) semaphore(%arg19 : memref<!tpu.dma_semaphore, #tpu.memory_space<semaphore_mem>>) {add = true}
      %mul3A_174 = arith.constant 4 : i32
      %mul3A_175 = arith.muli %mul3A_174, %scan3A_108 : i32
      %add3A_176 = arith.constant 2 : i32
      %add3A_177 = arith.addi %mul3A_175, %add3A_176 : i32
      %ge3A_178 = arith.constant 1 : i32
      %ge3A_179 = arith.cmpi sge, %add3A_177, %ge3A_178 : i32
      %convert_element_type3A_180 = arith.extui %ge3A_179 : i1 to i32
      %cond3A_181 = arith.constant 0 : i32
      %cond3A_182 = arith.cmpi ne, %convert_element_type3A_180, %cond3A_181 : i32
      scf.if %cond3A_182 {
        %sub3A = arith.constant 1 : i32
        %sub3A_240 = arith.subi %add3A_177, %sub3A : i32
        %dma_wait3A_241 = arith.constant 0 : i32
        %dma_wait3A_242 = tpu.memref_slice %arg9[%sub3A_240, %dma_wait3A_241] : memref<80x128xi32, #tpu.memory_space<vmem>> -> memref<1x64xi32, #tpu.memory_space<vmem>>
        %dma_wait3A_243 = tpu.memref_squeeze %dma_wait3A_242 : memref<1x64xi32, #tpu.memory_space<vmem>> -> memref<64xi32, #tpu.memory_space<vmem>>
        %dma_wait3A_244 = arith.constant 0 : i32
        %dma_wait3A_245 = arith.constant 0 : i32
        %dma_wait3A_246 = tpu.memref_slice %arg8[%dma_wait3A_244, %dma_wait3A_245] : memref<10064x128xf32, #tpu.memory_space<vmem_shared>> -> memref<10064x128xf32, #tpu.memory_space<vmem_shared>>
        tpu.wait_indirect_dma semaphore(%arg19 : memref<!tpu.dma_semaphore, #tpu.memory_space<semaphore_mem>>) src(%arg11 : memref<64x128xf32, #tpu.memory_space<vmem>>) dst(%dma_wait3A_246 : memref<10064x128xf32, #tpu.memory_space<vmem_shared>>)
        %dma_wait3A_247 = arith.constant 0 : i32
        %dma_wait3A_248 = tpu.memref_slice %arg9[%sub3A_240, %dma_wait3A_247] : memref<80x128xi32, #tpu.memory_space<vmem>> -> memref<1x64xi32, #tpu.memory_space<vmem>>
        %dma_wait3A_249 = tpu.memref_squeeze %dma_wait3A_248 : memref<1x64xi32, #tpu.memory_space<vmem>> -> memref<64xi32, #tpu.memory_space<vmem>>
        %dma_wait3A_250 = arith.constant 0 : i32
        %dma_wait3A_251 = tpu.memref_slice %arg22[%dma_wait3A_250] : memref<10064xf32, #tpu.memory_space<vmem_shared>> -> memref<10064xf32, #tpu.memory_space<vmem_shared>>
        tpu.wait_indirect_dma semaphore(%arg19 : memref<!tpu.dma_semaphore, #tpu.memory_space<semaphore_mem>>) src(%arg23 : memref<64xf32, #tpu.memory_space<vmem>>) dst(%dma_wait3A_251 : memref<10064xf32, #tpu.memory_space<vmem_shared>>)
      } else {
      }
      %add3A_183 = arith.constant 3 : i32
      %add3A_184 = arith.addi %add3A_177, %add3A_183 : i32
      %lt3A_185 = arith.constant 80 : i32
      %lt3A_186 = arith.cmpi slt, %add3A_184, %lt3A_185 : i32
      %convert_element_type3A_187 = arith.extui %lt3A_186 : i1 to i32
      %cond3A_188 = arith.constant 0 : i32
      %cond3A_189 = arith.cmpi ne, %convert_element_type3A_187, %cond3A_188 : i32
      scf.if %cond3A_189 {
        %add3A_240 = arith.constant 3 : i32
        %add3A_241 = arith.addi %add3A_177, %add3A_240 : i32
        %dma_start3A_242 = arith.constant 64 : i32
        %dma_start3A_243 = tpu.memref_slice %arg9[%add3A_241, %dma_start3A_242] : memref<80x128xi32, #tpu.memory_space<vmem>> -> memref<1x64xi32, #tpu.memory_space<vmem>>
        %dma_start3A_244 = tpu.memref_squeeze %dma_start3A_243 : memref<1x64xi32, #tpu.memory_space<vmem>> -> memref<64xi32, #tpu.memory_space<vmem>>
        %dma_start3A_245 = arith.constant 0 : i32
        %dma_start3A_246 = arith.constant 0 : i32
        %dma_start3A_247 = tpu.memref_slice %arg2[%dma_start3A_245, %dma_start3A_246] : memref<10000x128xf32, #tpu.memory_space<hbm>> -> memref<10000x128xf32, #tpu.memory_space<hbm>>
        tpu.enqueue_indirect_dma source(%dma_start3A_247 : memref<10000x128xf32, #tpu.memory_space<hbm>>) target(%arg11 : memref<64x128xf32, #tpu.memory_space<vmem>>) offsets(%dma_start3A_244 : memref<64xi32, #tpu.memory_space<vmem>>) semaphore(%arg15 : memref<!tpu.dma_semaphore, #tpu.memory_space<semaphore_mem>>)
      } else {
      }
      %dma_wait3A_190 = arith.constant 64 : i32
      %dma_wait3A_191 = tpu.memref_slice %arg9[%add3A_177, %dma_wait3A_190] : memref<80x128xi32, #tpu.memory_space<vmem>> -> memref<1x64xi32, #tpu.memory_space<vmem>>
      %dma_wait3A_192 = tpu.memref_squeeze %dma_wait3A_191 : memref<1x64xi32, #tpu.memory_space<vmem>> -> memref<64xi32, #tpu.memory_space<vmem>>
      %dma_wait3A_193 = arith.constant 0 : i32
      %dma_wait3A_194 = arith.constant 0 : i32
      %dma_wait3A_195 = tpu.memref_slice %arg2[%dma_wait3A_193, %dma_wait3A_194] : memref<10000x128xf32, #tpu.memory_space<hbm>> -> memref<10000x128xf32, #tpu.memory_space<hbm>>
      tpu.wait_indirect_dma semaphore(%arg16 : memref<!tpu.dma_semaphore, #tpu.memory_space<semaphore_mem>>) src(%dma_wait3A_195 : memref<10000x128xf32, #tpu.memory_space<hbm>>) dst(%arg12 : memref<64x128xf32, #tpu.memory_space<vmem>>)
      %dma_start3A_196 = arith.constant 0 : i32
      %dma_start3A_197 = tpu.memref_slice %arg9[%add3A_177, %dma_start3A_196] : memref<80x128xi32, #tpu.memory_space<vmem>> -> memref<1x64xi32, #tpu.memory_space<vmem>>
      %dma_start3A_198 = tpu.memref_squeeze %dma_start3A_197 : memref<1x64xi32, #tpu.memory_space<vmem>> -> memref<64xi32, #tpu.memory_space<vmem>>
      %dma_start3A_199 = arith.constant 0 : i32
      %dma_start3A_200 = arith.constant 0 : i32
      %dma_start3A_201 = tpu.memref_slice %arg8[%dma_start3A_199, %dma_start3A_200] : memref<10064x128xf32, #tpu.memory_space<vmem_shared>> -> memref<10064x128xf32, #tpu.memory_space<vmem_shared>>
      tpu.enqueue_indirect_dma source(%arg12 : memref<64x128xf32, #tpu.memory_space<vmem>>) target(%dma_start3A_201 : memref<10064x128xf32, #tpu.memory_space<vmem_shared>>) offsets(%dma_start3A_198 : memref<64xi32, #tpu.memory_space<vmem>>) semaphore(%arg20 : memref<!tpu.dma_semaphore, #tpu.memory_space<semaphore_mem>>) {add = true}
      %dma_start3A_202 = arith.constant 0 : i32
      %dma_start3A_203 = tpu.memref_slice %arg9[%add3A_177, %dma_start3A_202] : memref<80x128xi32, #tpu.memory_space<vmem>> -> memref<1x64xi32, #tpu.memory_space<vmem>>
      %dma_start3A_204 = tpu.memref_squeeze %dma_start3A_203 : memref<1x64xi32, #tpu.memory_space<vmem>> -> memref<64xi32, #tpu.memory_space<vmem>>
      %dma_start3A_205 = arith.constant 0 : i32
      %dma_start3A_206 = tpu.memref_slice %arg22[%dma_start3A_205] : memref<10064xf32, #tpu.memory_space<vmem_shared>> -> memref<10064xf32, #tpu.memory_space<vmem_shared>>
      tpu.enqueue_indirect_dma source(%arg23 : memref<64xf32, #tpu.memory_space<vmem>>) target(%dma_start3A_206 : memref<10064xf32, #tpu.memory_space<vmem_shared>>) offsets(%dma_start3A_204 : memref<64xi32, #tpu.memory_space<vmem>>) semaphore(%arg20 : memref<!tpu.dma_semaphore, #tpu.memory_space<semaphore_mem>>) {add = true}
      %mul3A_207 = arith.constant 4 : i32
      %mul3A_208 = arith.muli %mul3A_207, %scan3A_108 : i32
      %add3A_209 = arith.constant 3 : i32
      %add3A_210 = arith.addi %mul3A_208, %add3A_209 : i32
      %ge3A_211 = arith.constant 1 : i32
      %ge3A_212 = arith.cmpi sge, %add3A_210, %ge3A_211 : i32
      %convert_element_type3A_213 = arith.extui %ge3A_212 : i1 to i32
      %cond3A_214 = arith.constant 0 : i32
      %cond3A_215 = arith.cmpi ne, %convert_element_type3A_213, %cond3A_214 : i32
      scf.if %cond3A_215 {
        %sub3A = arith.constant 1 : i32
        %sub3A_240 = arith.subi %add3A_210, %sub3A : i32
        %dma_wait3A_241 = arith.constant 0 : i32
        %dma_wait3A_242 = tpu.memref_slice %arg9[%sub3A_240, %dma_wait3A_241] : memref<80x128xi32, #tpu.memory_space<vmem>> -> memref<1x64xi32, #tpu.memory_space<vmem>>
        %dma_wait3A_243 = tpu.memref_squeeze %dma_wait3A_242 : memref<1x64xi32, #tpu.memory_space<vmem>> -> memref<64xi32, #tpu.memory_space<vmem>>
        %dma_wait3A_244 = arith.constant 0 : i32
        %dma_wait3A_245 = arith.constant 0 : i32
        %dma_wait3A_246 = tpu.memref_slice %arg8[%dma_wait3A_244, %dma_wait3A_245] : memref<10064x128xf32, #tpu.memory_space<vmem_shared>> -> memref<10064x128xf32, #tpu.memory_space<vmem_shared>>
        tpu.wait_indirect_dma semaphore(%arg20 : memref<!tpu.dma_semaphore, #tpu.memory_space<semaphore_mem>>) src(%arg12 : memref<64x128xf32, #tpu.memory_space<vmem>>) dst(%dma_wait3A_246 : memref<10064x128xf32, #tpu.memory_space<vmem_shared>>)
        %dma_wait3A_247 = arith.constant 0 : i32
        %dma_wait3A_248 = tpu.memref_slice %arg9[%sub3A_240, %dma_wait3A_247] : memref<80x128xi32, #tpu.memory_space<vmem>> -> memref<1x64xi32, #tpu.memory_space<vmem>>
        %dma_wait3A_249 = tpu.memref_squeeze %dma_wait3A_248 : memref<1x64xi32, #tpu.memory_space<vmem>> -> memref<64xi32, #tpu.memory_space<vmem>>
        %dma_wait3A_250 = arith.constant 0 : i32
        %dma_wait3A_251 = tpu.memref_slice %arg22[%dma_wait3A_250] : memref<10064xf32, #tpu.memory_space<vmem_shared>> -> memref<10064xf32, #tpu.memory_space<vmem_shared>>
        tpu.wait_indirect_dma semaphore(%arg20 : memref<!tpu.dma_semaphore, #tpu.memory_space<semaphore_mem>>) src(%arg23 : memref<64xf32, #tpu.memory_space<vmem>>) dst(%dma_wait3A_251 : memref<10064xf32, #tpu.memory_space<vmem_shared>>)
      } else {
      }
      %add3A_216 = arith.constant 3 : i32
      %add3A_217 = arith.addi %add3A_210, %add3A_216 : i32
      %lt3A_218 = arith.constant 80 : i32
      %lt3A_219 = arith.cmpi slt, %add3A_217, %lt3A_218 : i32
      %convert_element_type3A_220 = arith.extui %lt3A_219 : i1 to i32
      %cond3A_221 = arith.constant 0 : i32
      %cond3A_222 = arith.cmpi ne, %convert_element_type3A_220, %cond3A_221 : i32
      scf.if %cond3A_222 {
        %add3A_240 = arith.constant 3 : i32
        %add3A_241 = arith.addi %add3A_210, %add3A_240 : i32
        %dma_start3A_242 = arith.constant 64 : i32
        %dma_start3A_243 = tpu.memref_slice %arg9[%add3A_241, %dma_start3A_242] : memref<80x128xi32, #tpu.memory_space<vmem>> -> memref<1x64xi32, #tpu.memory_space<vmem>>
        %dma_start3A_244 = tpu.memref_squeeze %dma_start3A_243 : memref<1x64xi32, #tpu.memory_space<vmem>> -> memref<64xi32, #tpu.memory_space<vmem>>
        %dma_start3A_245 = arith.constant 0 : i32
        %dma_start3A_246 = arith.constant 0 : i32
        %dma_start3A_247 = tpu.memref_slice %arg2[%dma_start3A_245, %dma_start3A_246] : memref<10000x128xf32, #tpu.memory_space<hbm>> -> memref<10000x128xf32, #tpu.memory_space<hbm>>
        tpu.enqueue_indirect_dma source(%dma_start3A_247 : memref<10000x128xf32, #tpu.memory_space<hbm>>) target(%arg12 : memref<64x128xf32, #tpu.memory_space<vmem>>) offsets(%dma_start3A_244 : memref<64xi32, #tpu.memory_space<vmem>>) semaphore(%arg16 : memref<!tpu.dma_semaphore, #tpu.memory_space<semaphore_mem>>)
      } else {
      }
      %dma_wait3A_223 = arith.constant 64 : i32
      %dma_wait3A_224 = tpu.memref_slice %arg9[%add3A_210, %dma_wait3A_223] : memref<80x128xi32, #tpu.memory_space<vmem>> -> memref<1x64xi32, #tpu.memory_space<vmem>>
      %dma_wait3A_225 = tpu.memref_squeeze %dma_wait3A_224 : memref<1x64xi32, #tpu.memory_space<vmem>> -> memref<64xi32, #tpu.memory_space<vmem>>
      %dma_wait3A_226 = arith.constant 0 : i32
      %dma_wait3A_227 = arith.constant 0 : i32
      %dma_wait3A_228 = tpu.memref_slice %arg2[%dma_wait3A_226, %dma_wait3A_227] : memref<10000x128xf32, #tpu.memory_space<hbm>> -> memref<10000x128xf32, #tpu.memory_space<hbm>>
      tpu.wait_indirect_dma semaphore(%arg17 : memref<!tpu.dma_semaphore, #tpu.memory_space<semaphore_mem>>) src(%dma_wait3A_228 : memref<10000x128xf32, #tpu.memory_space<hbm>>) dst(%arg13 : memref<64x128xf32, #tpu.memory_space<vmem>>)
      %dma_start3A_229 = arith.constant 0 : i32
      %dma_start3A_230 = tpu.memref_slice %arg9[%add3A_210, %dma_start3A_229] : memref<80x128xi32, #tpu.memory_space<vmem>> -> memref<1x64xi32, #tpu.memory_space<vmem>>
      %dma_start3A_231 = tpu.memref_squeeze %dma_start3A_230 : memref<1x64xi32, #tpu.memory_space<vmem>> -> memref<64xi32, #tpu.memory_space<vmem>>
      %dma_start3A_232 = arith.constant 0 : i32
      %dma_start3A_233 = arith.constant 0 : i32
      %dma_start3A_234 = tpu.memref_slice %arg8[%dma_start3A_232, %dma_start3A_233] : memref<10064x128xf32, #tpu.memory_space<vmem_shared>> -> memref<10064x128xf32, #tpu.memory_space<vmem_shared>>
      tpu.enqueue_indirect_dma source(%arg13 : memref<64x128xf32, #tpu.memory_space<vmem>>) target(%dma_start3A_234 : memref<10064x128xf32, #tpu.memory_space<vmem_shared>>) offsets(%dma_start3A_231 : memref<64xi32, #tpu.memory_space<vmem>>) semaphore(%arg21 : memref<!tpu.dma_semaphore, #tpu.memory_space<semaphore_mem>>) {add = true}
      %dma_start3A_235 = arith.constant 0 : i32
      %dma_start3A_236 = tpu.memref_slice %arg9[%add3A_210, %dma_start3A_235] : memref<80x128xi32, #tpu.memory_space<vmem>> -> memref<1x64xi32, #tpu.memory_space<vmem>>
      %dma_start3A_237 = tpu.memref_squeeze %dma_start3A_236 : memref<1x64xi32, #tpu.memory_space<vmem>> -> memref<64xi32, #tpu.memory_space<vmem>>
      %dma_start3A_238 = arith.constant 0 : i32
      %dma_start3A_239 = tpu.memref_slice %arg22[%dma_start3A_238] : memref<10064xf32, #tpu.memory_space<vmem_shared>> -> memref<10064xf32, #tpu.memory_space<vmem_shared>>
      tpu.enqueue_indirect_dma source(%arg23 : memref<64xf32, #tpu.memory_space<vmem>>) target(%dma_start3A_239 : memref<10064xf32, #tpu.memory_space<vmem_shared>>) offsets(%dma_start3A_237 : memref<64xi32, #tpu.memory_space<vmem>>) semaphore(%arg21 : memref<!tpu.dma_semaphore, #tpu.memory_space<semaphore_mem>>) {add = true}
    }
    %scan3A_45 = arith.constant 20 : i32
    %dma_wait3A = arith.constant 79 : i32
    %dma_wait3A_46 = arith.constant 0 : i32
    %dma_wait3A_47 = tpu.memref_slice %arg9[%dma_wait3A, %dma_wait3A_46] : memref<80x128xi32, #tpu.memory_space<vmem>> -> memref<1x64xi32, #tpu.memory_space<vmem>>
    %dma_wait3A_48 = tpu.memref_squeeze %dma_wait3A_47 : memref<1x64xi32, #tpu.memory_space<vmem>> -> memref<64xi32, #tpu.memory_space<vmem>>
    %dma_wait3A_49 = arith.constant 0 : i32
    %dma_wait3A_50 = arith.constant 0 : i32
    %dma_wait3A_51 = tpu.memref_slice %arg8[%dma_wait3A_49, %dma_wait3A_50] : memref<10064x128xf32, #tpu.memory_space<vmem_shared>> -> memref<10064x128xf32, #tpu.memory_space<vmem_shared>>
    tpu.wait_indirect_dma semaphore(%arg21 : memref<!tpu.dma_semaphore, #tpu.memory_space<semaphore_mem>>) src(%arg13 : memref<64x128xf32, #tpu.memory_space<vmem>>) dst(%dma_wait3A_51 : memref<10064x128xf32, #tpu.memory_space<vmem_shared>>)
    %dma_wait3A_52 = arith.constant 79 : i32
    %dma_wait3A_53 = arith.constant 0 : i32
    %dma_wait3A_54 = tpu.memref_slice %arg9[%dma_wait3A_52, %dma_wait3A_53] : memref<80x128xi32, #tpu.memory_space<vmem>> -> memref<1x64xi32, #tpu.memory_space<vmem>>
    %dma_wait3A_55 = tpu.memref_squeeze %dma_wait3A_54 : memref<1x64xi32, #tpu.memory_space<vmem>> -> memref<64xi32, #tpu.memory_space<vmem>>
    %dma_wait3A_56 = arith.constant 0 : i32
    %dma_wait3A_57 = tpu.memref_slice %arg22[%dma_wait3A_56] : memref<10064xf32, #tpu.memory_space<vmem_shared>> -> memref<10064xf32, #tpu.memory_space<vmem_shared>>
    tpu.wait_indirect_dma semaphore(%arg21 : memref<!tpu.dma_semaphore, #tpu.memory_space<semaphore_mem>>) src(%arg23 : memref<64xf32, #tpu.memory_space<vmem>>) dst(%dma_wait3A_57 : memref<10064xf32, #tpu.memory_space<vmem_shared>>)
    %mul3A_58 = arith.constant 160 : i32
    %mul3A_59 = arith.muli %add3A, %mul3A_58 : i32
    %add3A_60 = arith.constant 80 : i32
    %add3A_61 = arith.addi %mul3A_59, %add3A_60 : i32
    "tpu.region"() ({
      %run_scoped3A = tpu.sem_alloc : memref<!tpu.dma_semaphore, #tpu.memory_space<semaphore_mem>>
      %dma_start3A_108 = arith.constant 0 : i32
      %dma_start3A_109 = tpu.memref_slice %arg5[%add3A_61, %dma_start3A_108] : memref<5120x128xi32, #tpu.memory_space<hbm>> -> memref<80x128xi32, #tpu.memory_space<hbm>>
      %dma_start3A_110 = arith.constant 0 : i32
      %dma_start3A_111 = tpu.memref_slice %arg5[%add3A_61, %dma_start3A_110] : memref<5120x128xi32, #tpu.memory_space<hbm>> -> memref<80x128xi32, #tpu.memory_space<hbm>>
      tpu.enqueue_dma source(%dma_start3A_111 : memref<80x128xi32, #tpu.memory_space<hbm>>) target(%arg9 : memref<80x128xi32, #tpu.memory_space<vmem>>) target_semaphore(%run_scoped3A : memref<!tpu.dma_semaphore, #tpu.memory_space<semaphore_mem>>)
      %dma_wait3A_112 = arith.constant 0 : i32
      %dma_wait3A_113 = tpu.memref_slice %arg5[%add3A_61, %dma_wait3A_112] : memref<5120x128xi32, #tpu.memory_space<hbm>> -> memref<80x128xi32, #tpu.memory_space<hbm>>
      %dma_wait3A_114 = arith.constant 0 : i32
      %dma_wait3A_115 = tpu.memref_slice %arg5[%add3A_61, %dma_wait3A_114] : memref<5120x128xi32, #tpu.memory_space<hbm>> -> memref<80x128xi32, #tpu.memory_space<hbm>>
      tpu.wait_dma2 semaphore(%run_scoped3A : memref<!tpu.dma_semaphore, #tpu.memory_space<semaphore_mem>>) src(%dma_wait3A_115 : memref<80x128xi32, #tpu.memory_space<hbm>>) dst(%arg9 : memref<80x128xi32, #tpu.memory_space<vmem>>)
      tpu.yield
    }) : () -> ()
    %dma_start3A_62 = arith.constant 0 : i32
    %dma_start3A_63 = arith.constant 64 : i32
    %dma_start3A_64 = tpu.memref_slice %arg9[%dma_start3A_62, %dma_start3A_63] : memref<80x128xi32, #tpu.memory_space<vmem>> -> memref<1x64xi32, #tpu.memory_space<vmem>>
    %dma_start3A_65 = tpu.memref_squeeze %dma_start3A_64 : memref<1x64xi32, #tpu.memory_space<vmem>> -> memref<64xi32, #tpu.memory_space<vmem>>
    %dma_start3A_66 = arith.constant 0 : i32
    %dma_start3A_67 = arith.constant 0 : i32
    %dma_start3A_68 = tpu.memref_slice %arg2[%dma_start3A_66, %dma_start3A_67] : memref<10000x128xf32, #tpu.memory_space<hbm>> -> memref<10000x128xf32, #tpu.memory_space<hbm>>
    tpu.enqueue_indirect_dma source(%dma_start3A_68 : memref<10000x128xf32, #tpu.memory_space<hbm>>) target(%arg10 : memref<64x128xf32, #tpu.memory_space<vmem>>) offsets(%dma_start3A_65 : memref<64xi32, #tpu.memory_space<vmem>>) semaphore(%arg14 : memref<!tpu.dma_semaphore, #tpu.memory_space<semaphore_mem>>)
    %dma_start3A_69 = arith.constant 1 : i32
    %dma_start3A_70 = arith.constant 64 : i32
    %dma_start3A_71 = tpu.memref_slice %arg9[%dma_start3A_69, %dma_start3A_70] : memref<80x128xi32, #tpu.memory_space<vmem>> -> memref<1x64xi32, #tpu.memory_space<vmem>>
    %dma_start3A_72 = tpu.memref_squeeze %dma_start3A_71 : memref<1x64xi32, #tpu.memory_space<vmem>> -> memref<64xi32, #tpu.memory_space<vmem>>
    %dma_start3A_73 = arith.constant 0 : i32
    %dma_start3A_74 = arith.constant 0 : i32
    %dma_start3A_75 = tpu.memref_slice %arg2[%dma_start3A_73, %dma_start3A_74] : memref<10000x128xf32, #tpu.memory_space<hbm>> -> memref<10000x128xf32, #tpu.memory_space<hbm>>
    tpu.enqueue_indirect_dma source(%dma_start3A_75 : memref<10000x128xf32, #tpu.memory_space<hbm>>) target(%arg11 : memref<64x128xf32, #tpu.memory_space<vmem>>) offsets(%dma_start3A_72 : memref<64xi32, #tpu.memory_space<vmem>>) semaphore(%arg15 : memref<!tpu.dma_semaphore, #tpu.memory_space<semaphore_mem>>)
    %dma_start3A_76 = arith.constant 2 : i32
    %dma_start3A_77 = arith.constant 64 : i32
    %dma_start3A_78 = tpu.memref_slice %arg9[%dma_start3A_76, %dma_start3A_77] : memref<80x128xi32, #tpu.memory_space<vmem>> -> memref<1x64xi32, #tpu.memory_space<vmem>>
    %dma_start3A_79 = tpu.memref_squeeze %dma_start3A_78 : memref<1x64xi32, #tpu.memory_space<vmem>> -> memref<64xi32, #tpu.memory_space<vmem>>
    %dma_start3A_80 = arith.constant 0 : i32
    %dma_start3A_81 = arith.constant 0 : i32
    %dma_start3A_82 = tpu.memref_slice %arg2[%dma_start3A_80, %dma_start3A_81] : memref<10000x128xf32, #tpu.memory_space<hbm>> -> memref<10000x128xf32, #tpu.memory_space<hbm>>
    tpu.enqueue_indirect_dma source(%dma_start3A_82 : memref<10000x128xf32, #tpu.memory_space<hbm>>) target(%arg12 : memref<64x128xf32, #tpu.memory_space<vmem>>) offsets(%dma_start3A_79 : memref<64xi32, #tpu.memory_space<vmem>>) semaphore(%arg16 : memref<!tpu.dma_semaphore, #tpu.memory_space<semaphore_mem>>)
    %scan3A_83 = arith.constant 0 : i32
    %scan3A_84 = arith.constant 0 : i32
    %scan3A_85 = arith.constant 20 : i32
    %scan3A_86 = arith.addi %scan3A_84, %scan3A_85 : i32
    %scan3A_87 = arith.constant 1 : i32
    scf.for %scan3A_108 = %scan3A_84 to %scan3A_86 step %scan3A_87  : i32 {
      %mul3A_109 = arith.constant 4 : i32
      %mul3A_110 = arith.muli %mul3A_109, %scan3A_108 : i32
      %add3A_111 = arith.constant 0 : i32
      %add3A_112 = arith.addi %mul3A_110, %add3A_111 : i32
      %ge3A = arith.constant 1 : i32
      %ge3A_113 = arith.cmpi sge, %add3A_112, %ge3A : i32
      %convert_element_type3A_114 = arith.extui %ge3A_113 : i1 to i32
      %cond3A_115 = arith.constant 0 : i32
      %cond3A_116 = arith.cmpi ne, %convert_element_type3A_114, %cond3A_115 : i32
      scf.if %cond3A_116 {
        %sub3A = arith.constant 1 : i32
        %sub3A_240 = arith.subi %add3A_112, %sub3A : i32
        %dma_wait3A_241 = arith.constant 0 : i32
        %dma_wait3A_242 = tpu.memref_slice %arg9[%sub3A_240, %dma_wait3A_241] : memref<80x128xi32, #tpu.memory_space<vmem>> -> memref<1x64xi32, #tpu.memory_space<vmem>>
        %dma_wait3A_243 = tpu.memref_squeeze %dma_wait3A_242 : memref<1x64xi32, #tpu.memory_space<vmem>> -> memref<64xi32, #tpu.memory_space<vmem>>
        %dma_wait3A_244 = arith.constant 0 : i32
        %dma_wait3A_245 = arith.constant 0 : i32
        %dma_wait3A_246 = tpu.memref_slice %arg8[%dma_wait3A_244, %dma_wait3A_245] : memref<10064x128xf32, #tpu.memory_space<vmem_shared>> -> memref<10064x128xf32, #tpu.memory_space<vmem_shared>>
        tpu.wait_indirect_dma semaphore(%arg21 : memref<!tpu.dma_semaphore, #tpu.memory_space<semaphore_mem>>) src(%arg13 : memref<64x128xf32, #tpu.memory_space<vmem>>) dst(%dma_wait3A_246 : memref<10064x128xf32, #tpu.memory_space<vmem_shared>>)
        %dma_wait3A_247 = arith.constant 0 : i32
        %dma_wait3A_248 = tpu.memref_slice %arg9[%sub3A_240, %dma_wait3A_247] : memref<80x128xi32, #tpu.memory_space<vmem>> -> memref<1x64xi32, #tpu.memory_space<vmem>>
        %dma_wait3A_249 = tpu.memref_squeeze %dma_wait3A_248 : memref<1x64xi32, #tpu.memory_space<vmem>> -> memref<64xi32, #tpu.memory_space<vmem>>
        %dma_wait3A_250 = arith.constant 0 : i32
        %dma_wait3A_251 = tpu.memref_slice %arg22[%dma_wait3A_250] : memref<10064xf32, #tpu.memory_space<vmem_shared>> -> memref<10064xf32, #tpu.memory_space<vmem_shared>>
        tpu.wait_indirect_dma semaphore(%arg21 : memref<!tpu.dma_semaphore, #tpu.memory_space<semaphore_mem>>) src(%arg23 : memref<64xf32, #tpu.memory_space<vmem>>) dst(%dma_wait3A_251 : memref<10064xf32, #tpu.memory_space<vmem_shared>>)
      } else {
      }
      %add3A_117 = arith.constant 3 : i32
      %add3A_118 = arith.addi %add3A_112, %add3A_117 : i32
      %lt3A_119 = arith.constant 80 : i32
      %lt3A_120 = arith.cmpi slt, %add3A_118, %lt3A_119 : i32
      %convert_element_type3A_121 = arith.extui %lt3A_120 : i1 to i32
      %cond3A_122 = arith.constant 0 : i32
      %cond3A_123 = arith.cmpi ne, %convert_element_type3A_121, %cond3A_122 : i32
      scf.if %cond3A_123 {
        %add3A_240 = arith.constant 3 : i32
        %add3A_241 = arith.addi %add3A_112, %add3A_240 : i32
        %dma_start3A_242 = arith.constant 64 : i32
        %dma_start3A_243 = tpu.memref_slice %arg9[%add3A_241, %dma_start3A_242] : memref<80x128xi32, #tpu.memory_space<vmem>> -> memref<1x64xi32, #tpu.memory_space<vmem>>
        %dma_start3A_244 = tpu.memref_squeeze %dma_start3A_243 : memref<1x64xi32, #tpu.memory_space<vmem>> -> memref<64xi32, #tpu.memory_space<vmem>>
        %dma_start3A_245 = arith.constant 0 : i32
        %dma_start3A_246 = arith.constant 0 : i32
        %dma_start3A_247 = tpu.memref_slice %arg2[%dma_start3A_245, %dma_start3A_246] : memref<10000x128xf32, #tpu.memory_space<hbm>> -> memref<10000x128xf32, #tpu.memory_space<hbm>>
        tpu.enqueue_indirect_dma source(%dma_start3A_247 : memref<10000x128xf32, #tpu.memory_space<hbm>>) target(%arg13 : memref<64x128xf32, #tpu.memory_space<vmem>>) offsets(%dma_start3A_244 : memref<64xi32, #tpu.memory_space<vmem>>) semaphore(%arg17 : memref<!tpu.dma_semaphore, #tpu.memory_space<semaphore_mem>>)
      } else {
      }
      %dma_wait3A_124 = arith.constant 64 : i32
      %dma_wait3A_125 = tpu.memref_slice %arg9[%add3A_112, %dma_wait3A_124] : memref<80x128xi32, #tpu.memory_space<vmem>> -> memref<1x64xi32, #tpu.memory_space<vmem>>
      %dma_wait3A_126 = tpu.memref_squeeze %dma_wait3A_125 : memref<1x64xi32, #tpu.memory_space<vmem>> -> memref<64xi32, #tpu.memory_space<vmem>>
      %dma_wait3A_127 = arith.constant 0 : i32
      %dma_wait3A_128 = arith.constant 0 : i32
      %dma_wait3A_129 = tpu.memref_slice %arg2[%dma_wait3A_127, %dma_wait3A_128] : memref<10000x128xf32, #tpu.memory_space<hbm>> -> memref<10000x128xf32, #tpu.memory_space<hbm>>
      tpu.wait_indirect_dma semaphore(%arg14 : memref<!tpu.dma_semaphore, #tpu.memory_space<semaphore_mem>>) src(%dma_wait3A_129 : memref<10000x128xf32, #tpu.memory_space<hbm>>) dst(%arg10 : memref<64x128xf32, #tpu.memory_space<vmem>>)
      %dma_start3A_130 = arith.constant 0 : i32
      %dma_start3A_131 = tpu.memref_slice %arg9[%add3A_112, %dma_start3A_130] : memref<80x128xi32, #tpu.memory_space<vmem>> -> memref<1x64xi32, #tpu.memory_space<vmem>>
      %dma_start3A_132 = tpu.memref_squeeze %dma_start3A_131 : memref<1x64xi32, #tpu.memory_space<vmem>> -> memref<64xi32, #tpu.memory_space<vmem>>
      %dma_start3A_133 = arith.constant 0 : i32
      %dma_start3A_134 = arith.constant 0 : i32
      %dma_start3A_135 = tpu.memref_slice %arg8[%dma_start3A_133, %dma_start3A_134] : memref<10064x128xf32, #tpu.memory_space<vmem_shared>> -> memref<10064x128xf32, #tpu.memory_space<vmem_shared>>
      tpu.enqueue_indirect_dma source(%arg10 : memref<64x128xf32, #tpu.memory_space<vmem>>) target(%dma_start3A_135 : memref<10064x128xf32, #tpu.memory_space<vmem_shared>>) offsets(%dma_start3A_132 : memref<64xi32, #tpu.memory_space<vmem>>) semaphore(%arg18 : memref<!tpu.dma_semaphore, #tpu.memory_space<semaphore_mem>>) {add = true}
      %dma_start3A_136 = arith.constant 0 : i32
      %dma_start3A_137 = tpu.memref_slice %arg9[%add3A_112, %dma_start3A_136] : memref<80x128xi32, #tpu.memory_space<vmem>> -> memref<1x64xi32, #tpu.memory_space<vmem>>
      %dma_start3A_138 = tpu.memref_squeeze %dma_start3A_137 : memref<1x64xi32, #tpu.memory_space<vmem>> -> memref<64xi32, #tpu.memory_space<vmem>>
      %dma_start3A_139 = arith.constant 0 : i32
      %dma_start3A_140 = tpu.memref_slice %arg22[%dma_start3A_139] : memref<10064xf32, #tpu.memory_space<vmem_shared>> -> memref<10064xf32, #tpu.memory_space<vmem_shared>>
      tpu.enqueue_indirect_dma source(%arg23 : memref<64xf32, #tpu.memory_space<vmem>>) target(%dma_start3A_140 : memref<10064xf32, #tpu.memory_space<vmem_shared>>) offsets(%dma_start3A_138 : memref<64xi32, #tpu.memory_space<vmem>>) semaphore(%arg18 : memref<!tpu.dma_semaphore, #tpu.memory_space<semaphore_mem>>) {add = true}
      %mul3A_141 = arith.constant 4 : i32
      %mul3A_142 = arith.muli %mul3A_141, %scan3A_108 : i32
      %add3A_143 = arith.constant 1 : i32
      %add3A_144 = arith.addi %mul3A_142, %add3A_143 : i32
      %ge3A_145 = arith.constant 1 : i32
      %ge3A_146 = arith.cmpi sge, %add3A_144, %ge3A_145 : i32
      %convert_element_type3A_147 = arith.extui %ge3A_146 : i1 to i32
      %cond3A_148 = arith.constant 0 : i32
      %cond3A_149 = arith.cmpi ne, %convert_element_type3A_147, %cond3A_148 : i32
      scf.if %cond3A_149 {
        %sub3A = arith.constant 1 : i32
        %sub3A_240 = arith.subi %add3A_144, %sub3A : i32
        %dma_wait3A_241 = arith.constant 0 : i32
        %dma_wait3A_242 = tpu.memref_slice %arg9[%sub3A_240, %dma_wait3A_241] : memref<80x128xi32, #tpu.memory_space<vmem>> -> memref<1x64xi32, #tpu.memory_space<vmem>>
        %dma_wait3A_243 = tpu.memref_squeeze %dma_wait3A_242 : memref<1x64xi32, #tpu.memory_space<vmem>> -> memref<64xi32, #tpu.memory_space<vmem>>
        %dma_wait3A_244 = arith.constant 0 : i32
        %dma_wait3A_245 = arith.constant 0 : i32
        %dma_wait3A_246 = tpu.memref_slice %arg8[%dma_wait3A_244, %dma_wait3A_245] : memref<10064x128xf32, #tpu.memory_space<vmem_shared>> -> memref<10064x128xf32, #tpu.memory_space<vmem_shared>>
        tpu.wait_indirect_dma semaphore(%arg18 : memref<!tpu.dma_semaphore, #tpu.memory_space<semaphore_mem>>) src(%arg10 : memref<64x128xf32, #tpu.memory_space<vmem>>) dst(%dma_wait3A_246 : memref<10064x128xf32, #tpu.memory_space<vmem_shared>>)
        %dma_wait3A_247 = arith.constant 0 : i32
        %dma_wait3A_248 = tpu.memref_slice %arg9[%sub3A_240, %dma_wait3A_247] : memref<80x128xi32, #tpu.memory_space<vmem>> -> memref<1x64xi32, #tpu.memory_space<vmem>>
        %dma_wait3A_249 = tpu.memref_squeeze %dma_wait3A_248 : memref<1x64xi32, #tpu.memory_space<vmem>> -> memref<64xi32, #tpu.memory_space<vmem>>
        %dma_wait3A_250 = arith.constant 0 : i32
        %dma_wait3A_251 = tpu.memref_slice %arg22[%dma_wait3A_250] : memref<10064xf32, #tpu.memory_space<vmem_shared>> -> memref<10064xf32, #tpu.memory_space<vmem_shared>>
        tpu.wait_indirect_dma semaphore(%arg18 : memref<!tpu.dma_semaphore, #tpu.memory_space<semaphore_mem>>) src(%arg23 : memref<64xf32, #tpu.memory_space<vmem>>) dst(%dma_wait3A_251 : memref<10064xf32, #tpu.memory_space<vmem_shared>>)
      } else {
      }
      %add3A_150 = arith.constant 3 : i32
      %add3A_151 = arith.addi %add3A_144, %add3A_150 : i32
      %lt3A_152 = arith.constant 80 : i32
      %lt3A_153 = arith.cmpi slt, %add3A_151, %lt3A_152 : i32
      %convert_element_type3A_154 = arith.extui %lt3A_153 : i1 to i32
      %cond3A_155 = arith.constant 0 : i32
      %cond3A_156 = arith.cmpi ne, %convert_element_type3A_154, %cond3A_155 : i32
      scf.if %cond3A_156 {
        %add3A_240 = arith.constant 3 : i32
        %add3A_241 = arith.addi %add3A_144, %add3A_240 : i32
        %dma_start3A_242 = arith.constant 64 : i32
        %dma_start3A_243 = tpu.memref_slice %arg9[%add3A_241, %dma_start3A_242] : memref<80x128xi32, #tpu.memory_space<vmem>> -> memref<1x64xi32, #tpu.memory_space<vmem>>
        %dma_start3A_244 = tpu.memref_squeeze %dma_start3A_243 : memref<1x64xi32, #tpu.memory_space<vmem>> -> memref<64xi32, #tpu.memory_space<vmem>>
        %dma_start3A_245 = arith.constant 0 : i32
        %dma_start3A_246 = arith.constant 0 : i32
        %dma_start3A_247 = tpu.memref_slice %arg2[%dma_start3A_245, %dma_start3A_246] : memref<10000x128xf32, #tpu.memory_space<hbm>> -> memref<10000x128xf32, #tpu.memory_space<hbm>>
        tpu.enqueue_indirect_dma source(%dma_start3A_247 : memref<10000x128xf32, #tpu.memory_space<hbm>>) target(%arg10 : memref<64x128xf32, #tpu.memory_space<vmem>>) offsets(%dma_start3A_244 : memref<64xi32, #tpu.memory_space<vmem>>) semaphore(%arg14 : memref<!tpu.dma_semaphore, #tpu.memory_space<semaphore_mem>>)
      } else {
      }
      %dma_wait3A_157 = arith.constant 64 : i32
      %dma_wait3A_158 = tpu.memref_slice %arg9[%add3A_144, %dma_wait3A_157] : memref<80x128xi32, #tpu.memory_space<vmem>> -> memref<1x64xi32, #tpu.memory_space<vmem>>
      %dma_wait3A_159 = tpu.memref_squeeze %dma_wait3A_158 : memref<1x64xi32, #tpu.memory_space<vmem>> -> memref<64xi32, #tpu.memory_space<vmem>>
      %dma_wait3A_160 = arith.constant 0 : i32
      %dma_wait3A_161 = arith.constant 0 : i32
      %dma_wait3A_162 = tpu.memref_slice %arg2[%dma_wait3A_160, %dma_wait3A_161] : memref<10000x128xf32, #tpu.memory_space<hbm>> -> memref<10000x128xf32, #tpu.memory_space<hbm>>
      tpu.wait_indirect_dma semaphore(%arg15 : memref<!tpu.dma_semaphore, #tpu.memory_space<semaphore_mem>>) src(%dma_wait3A_162 : memref<10000x128xf32, #tpu.memory_space<hbm>>) dst(%arg11 : memref<64x128xf32, #tpu.memory_space<vmem>>)
      %dma_start3A_163 = arith.constant 0 : i32
      %dma_start3A_164 = tpu.memref_slice %arg9[%add3A_144, %dma_start3A_163] : memref<80x128xi32, #tpu.memory_space<vmem>> -> memref<1x64xi32, #tpu.memory_space<vmem>>
      %dma_start3A_165 = tpu.memref_squeeze %dma_start3A_164 : memref<1x64xi32, #tpu.memory_space<vmem>> -> memref<64xi32, #tpu.memory_space<vmem>>
      %dma_start3A_166 = arith.constant 0 : i32
      %dma_start3A_167 = arith.constant 0 : i32
      %dma_start3A_168 = tpu.memref_slice %arg8[%dma_start3A_166, %dma_start3A_167] : memref<10064x128xf32, #tpu.memory_space<vmem_shared>> -> memref<10064x128xf32, #tpu.memory_space<vmem_shared>>
      tpu.enqueue_indirect_dma source(%arg11 : memref<64x128xf32, #tpu.memory_space<vmem>>) target(%dma_start3A_168 : memref<10064x128xf32, #tpu.memory_space<vmem_shared>>) offsets(%dma_start3A_165 : memref<64xi32, #tpu.memory_space<vmem>>) semaphore(%arg19 : memref<!tpu.dma_semaphore, #tpu.memory_space<semaphore_mem>>) {add = true}
      %dma_start3A_169 = arith.constant 0 : i32
      %dma_start3A_170 = tpu.memref_slice %arg9[%add3A_144, %dma_start3A_169] : memref<80x128xi32, #tpu.memory_space<vmem>> -> memref<1x64xi32, #tpu.memory_space<vmem>>
      %dma_start3A_171 = tpu.memref_squeeze %dma_start3A_170 : memref<1x64xi32, #tpu.memory_space<vmem>> -> memref<64xi32, #tpu.memory_space<vmem>>
      %dma_start3A_172 = arith.constant 0 : i32
      %dma_start3A_173 = tpu.memref_slice %arg22[%dma_start3A_172] : memref<10064xf32, #tpu.memory_space<vmem_shared>> -> memref<10064xf32, #tpu.memory_space<vmem_shared>>
      tpu.enqueue_indirect_dma source(%arg23 : memref<64xf32, #tpu.memory_space<vmem>>) target(%dma_start3A_173 : memref<10064xf32, #tpu.memory_space<vmem_shared>>) offsets(%dma_start3A_171 : memref<64xi32, #tpu.memory_space<vmem>>) semaphore(%arg19 : memref<!tpu.dma_semaphore, #tpu.memory_space<semaphore_mem>>) {add = true}
      %mul3A_174 = arith.constant 4 : i32
      %mul3A_175 = arith.muli %mul3A_174, %scan3A_108 : i32
      %add3A_176 = arith.constant 2 : i32
      %add3A_177 = arith.addi %mul3A_175, %add3A_176 : i32
      %ge3A_178 = arith.constant 1 : i32
      %ge3A_179 = arith.cmpi sge, %add3A_177, %ge3A_178 : i32
      %convert_element_type3A_180 = arith.extui %ge3A_179 : i1 to i32
      %cond3A_181 = arith.constant 0 : i32
      %cond3A_182 = arith.cmpi ne, %convert_element_type3A_180, %cond3A_181 : i32
      scf.if %cond3A_182 {
        %sub3A = arith.constant 1 : i32
        %sub3A_240 = arith.subi %add3A_177, %sub3A : i32
        %dma_wait3A_241 = arith.constant 0 : i32
        %dma_wait3A_242 = tpu.memref_slice %arg9[%sub3A_240, %dma_wait3A_241] : memref<80x128xi32, #tpu.memory_space<vmem>> -> memref<1x64xi32, #tpu.memory_space<vmem>>
        %dma_wait3A_243 = tpu.memref_squeeze %dma_wait3A_242 : memref<1x64xi32, #tpu.memory_space<vmem>> -> memref<64xi32, #tpu.memory_space<vmem>>
        %dma_wait3A_244 = arith.constant 0 : i32
        %dma_wait3A_245 = arith.constant 0 : i32
        %dma_wait3A_246 = tpu.memref_slice %arg8[%dma_wait3A_244, %dma_wait3A_245] : memref<10064x128xf32, #tpu.memory_space<vmem_shared>> -> memref<10064x128xf32, #tpu.memory_space<vmem_shared>>
        tpu.wait_indirect_dma semaphore(%arg19 : memref<!tpu.dma_semaphore, #tpu.memory_space<semaphore_mem>>) src(%arg11 : memref<64x128xf32, #tpu.memory_space<vmem>>) dst(%dma_wait3A_246 : memref<10064x128xf32, #tpu.memory_space<vmem_shared>>)
        %dma_wait3A_247 = arith.constant 0 : i32
        %dma_wait3A_248 = tpu.memref_slice %arg9[%sub3A_240, %dma_wait3A_247] : memref<80x128xi32, #tpu.memory_space<vmem>> -> memref<1x64xi32, #tpu.memory_space<vmem>>
        %dma_wait3A_249 = tpu.memref_squeeze %dma_wait3A_248 : memref<1x64xi32, #tpu.memory_space<vmem>> -> memref<64xi32, #tpu.memory_space<vmem>>
        %dma_wait3A_250 = arith.constant 0 : i32
        %dma_wait3A_251 = tpu.memref_slice %arg22[%dma_wait3A_250] : memref<10064xf32, #tpu.memory_space<vmem_shared>> -> memref<10064xf32, #tpu.memory_space<vmem_shared>>
        tpu.wait_indirect_dma semaphore(%arg19 : memref<!tpu.dma_semaphore, #tpu.memory_space<semaphore_mem>>) src(%arg23 : memref<64xf32, #tpu.memory_space<vmem>>) dst(%dma_wait3A_251 : memref<10064xf32, #tpu.memory_space<vmem_shared>>)
      } else {
      }
      %add3A_183 = arith.constant 3 : i32
      %add3A_184 = arith.addi %add3A_177, %add3A_183 : i32
      %lt3A_185 = arith.constant 80 : i32
      %lt3A_186 = arith.cmpi slt, %add3A_184, %lt3A_185 : i32
      %convert_element_type3A_187 = arith.extui %lt3A_186 : i1 to i32
      %cond3A_188 = arith.constant 0 : i32
      %cond3A_189 = arith.cmpi ne, %convert_element_type3A_187, %cond3A_188 : i32
      scf.if %cond3A_189 {
        %add3A_240 = arith.constant 3 : i32
        %add3A_241 = arith.addi %add3A_177, %add3A_240 : i32
        %dma_start3A_242 = arith.constant 64 : i32
        %dma_start3A_243 = tpu.memref_slice %arg9[%add3A_241, %dma_start3A_242] : memref<80x128xi32, #tpu.memory_space<vmem>> -> memref<1x64xi32, #tpu.memory_space<vmem>>
        %dma_start3A_244 = tpu.memref_squeeze %dma_start3A_243 : memref<1x64xi32, #tpu.memory_space<vmem>> -> memref<64xi32, #tpu.memory_space<vmem>>
        %dma_start3A_245 = arith.constant 0 : i32
        %dma_start3A_246 = arith.constant 0 : i32
        %dma_start3A_247 = tpu.memref_slice %arg2[%dma_start3A_245, %dma_start3A_246] : memref<10000x128xf32, #tpu.memory_space<hbm>> -> memref<10000x128xf32, #tpu.memory_space<hbm>>
        tpu.enqueue_indirect_dma source(%dma_start3A_247 : memref<10000x128xf32, #tpu.memory_space<hbm>>) target(%arg11 : memref<64x128xf32, #tpu.memory_space<vmem>>) offsets(%dma_start3A_244 : memref<64xi32, #tpu.memory_space<vmem>>) semaphore(%arg15 : memref<!tpu.dma_semaphore, #tpu.memory_space<semaphore_mem>>)
      } else {
      }
      %dma_wait3A_190 = arith.constant 64 : i32
      %dma_wait3A_191 = tpu.memref_slice %arg9[%add3A_177, %dma_wait3A_190] : memref<80x128xi32, #tpu.memory_space<vmem>> -> memref<1x64xi32, #tpu.memory_space<vmem>>
      %dma_wait3A_192 = tpu.memref_squeeze %dma_wait3A_191 : memref<1x64xi32, #tpu.memory_space<vmem>> -> memref<64xi32, #tpu.memory_space<vmem>>
      %dma_wait3A_193 = arith.constant 0 : i32
      %dma_wait3A_194 = arith.constant 0 : i32
      %dma_wait3A_195 = tpu.memref_slice %arg2[%dma_wait3A_193, %dma_wait3A_194] : memref<10000x128xf32, #tpu.memory_space<hbm>> -> memref<10000x128xf32, #tpu.memory_space<hbm>>
      tpu.wait_indirect_dma semaphore(%arg16 : memref<!tpu.dma_semaphore, #tpu.memory_space<semaphore_mem>>) src(%dma_wait3A_195 : memref<10000x128xf32, #tpu.memory_space<hbm>>) dst(%arg12 : memref<64x128xf32, #tpu.memory_space<vmem>>)
      %dma_start3A_196 = arith.constant 0 : i32
      %dma_start3A_197 = tpu.memref_slice %arg9[%add3A_177, %dma_start3A_196] : memref<80x128xi32, #tpu.memory_space<vmem>> -> memref<1x64xi32, #tpu.memory_space<vmem>>
      %dma_start3A_198 = tpu.memref_squeeze %dma_start3A_197 : memref<1x64xi32, #tpu.memory_space<vmem>> -> memref<64xi32, #tpu.memory_space<vmem>>
      %dma_start3A_199 = arith.constant 0 : i32
      %dma_start3A_200 = arith.constant 0 : i32
      %dma_start3A_201 = tpu.memref_slice %arg8[%dma_start3A_199, %dma_start3A_200] : memref<10064x128xf32, #tpu.memory_space<vmem_shared>> -> memref<10064x128xf32, #tpu.memory_space<vmem_shared>>
      tpu.enqueue_indirect_dma source(%arg12 : memref<64x128xf32, #tpu.memory_space<vmem>>) target(%dma_start3A_201 : memref<10064x128xf32, #tpu.memory_space<vmem_shared>>) offsets(%dma_start3A_198 : memref<64xi32, #tpu.memory_space<vmem>>) semaphore(%arg20 : memref<!tpu.dma_semaphore, #tpu.memory_space<semaphore_mem>>) {add = true}
      %dma_start3A_202 = arith.constant 0 : i32
      %dma_start3A_203 = tpu.memref_slice %arg9[%add3A_177, %dma_start3A_202] : memref<80x128xi32, #tpu.memory_space<vmem>> -> memref<1x64xi32, #tpu.memory_space<vmem>>
      %dma_start3A_204 = tpu.memref_squeeze %dma_start3A_203 : memref<1x64xi32, #tpu.memory_space<vmem>> -> memref<64xi32, #tpu.memory_space<vmem>>
      %dma_start3A_205 = arith.constant 0 : i32
      %dma_start3A_206 = tpu.memref_slice %arg22[%dma_start3A_205] : memref<10064xf32, #tpu.memory_space<vmem_shared>> -> memref<10064xf32, #tpu.memory_space<vmem_shared>>
      tpu.enqueue_indirect_dma source(%arg23 : memref<64xf32, #tpu.memory_space<vmem>>) target(%dma_start3A_206 : memref<10064xf32, #tpu.memory_space<vmem_shared>>) offsets(%dma_start3A_204 : memref<64xi32, #tpu.memory_space<vmem>>) semaphore(%arg20 : memref<!tpu.dma_semaphore, #tpu.memory_space<semaphore_mem>>) {add = true}
      %mul3A_207 = arith.constant 4 : i32
      %mul3A_208 = arith.muli %mul3A_207, %scan3A_108 : i32
      %add3A_209 = arith.constant 3 : i32
      %add3A_210 = arith.addi %mul3A_208, %add3A_209 : i32
      %ge3A_211 = arith.constant 1 : i32
      %ge3A_212 = arith.cmpi sge, %add3A_210, %ge3A_211 : i32
      %convert_element_type3A_213 = arith.extui %ge3A_212 : i1 to i32
      %cond3A_214 = arith.constant 0 : i32
      %cond3A_215 = arith.cmpi ne, %convert_element_type3A_213, %cond3A_214 : i32
      scf.if %cond3A_215 {
        %sub3A = arith.constant 1 : i32
        %sub3A_240 = arith.subi %add3A_210, %sub3A : i32
        %dma_wait3A_241 = arith.constant 0 : i32
        %dma_wait3A_242 = tpu.memref_slice %arg9[%sub3A_240, %dma_wait3A_241] : memref<80x128xi32, #tpu.memory_space<vmem>> -> memref<1x64xi32, #tpu.memory_space<vmem>>
        %dma_wait3A_243 = tpu.memref_squeeze %dma_wait3A_242 : memref<1x64xi32, #tpu.memory_space<vmem>> -> memref<64xi32, #tpu.memory_space<vmem>>
        %dma_wait3A_244 = arith.constant 0 : i32
        %dma_wait3A_245 = arith.constant 0 : i32
        %dma_wait3A_246 = tpu.memref_slice %arg8[%dma_wait3A_244, %dma_wait3A_245] : memref<10064x128xf32, #tpu.memory_space<vmem_shared>> -> memref<10064x128xf32, #tpu.memory_space<vmem_shared>>
        tpu.wait_indirect_dma semaphore(%arg20 : memref<!tpu.dma_semaphore, #tpu.memory_space<semaphore_mem>>) src(%arg12 : memref<64x128xf32, #tpu.memory_space<vmem>>) dst(%dma_wait3A_246 : memref<10064x128xf32, #tpu.memory_space<vmem_shared>>)
        %dma_wait3A_247 = arith.constant 0 : i32
        %dma_wait3A_248 = tpu.memref_slice %arg9[%sub3A_240, %dma_wait3A_247] : memref<80x128xi32, #tpu.memory_space<vmem>> -> memref<1x64xi32, #tpu.memory_space<vmem>>
        %dma_wait3A_249 = tpu.memref_squeeze %dma_wait3A_248 : memref<1x64xi32, #tpu.memory_space<vmem>> -> memref<64xi32, #tpu.memory_space<vmem>>
        %dma_wait3A_250 = arith.constant 0 : i32
        %dma_wait3A_251 = tpu.memref_slice %arg22[%dma_wait3A_250] : memref<10064xf32, #tpu.memory_space<vmem_shared>> -> memref<10064xf32, #tpu.memory_space<vmem_shared>>
        tpu.wait_indirect_dma semaphore(%arg20 : memref<!tpu.dma_semaphore, #tpu.memory_space<semaphore_mem>>) src(%arg23 : memref<64xf32, #tpu.memory_space<vmem>>) dst(%dma_wait3A_251 : memref<10064xf32, #tpu.memory_space<vmem_shared>>)
      } else {
      }
      %add3A_216 = arith.constant 3 : i32
      %add3A_217 = arith.addi %add3A_210, %add3A_216 : i32
      %lt3A_218 = arith.constant 80 : i32
      %lt3A_219 = arith.cmpi slt, %add3A_217, %lt3A_218 : i32
      %convert_element_type3A_220 = arith.extui %lt3A_219 : i1 to i32
      %cond3A_221 = arith.constant 0 : i32
      %cond3A_222 = arith.cmpi ne, %convert_element_type3A_220, %cond3A_221 : i32
      scf.if %cond3A_222 {
        %add3A_240 = arith.constant 3 : i32
        %add3A_241 = arith.addi %add3A_210, %add3A_240 : i32
        %dma_start3A_242 = arith.constant 64 : i32
        %dma_start3A_243 = tpu.memref_slice %arg9[%add3A_241, %dma_start3A_242] : memref<80x128xi32, #tpu.memory_space<vmem>> -> memref<1x64xi32, #tpu.memory_space<vmem>>
        %dma_start3A_244 = tpu.memref_squeeze %dma_start3A_243 : memref<1x64xi32, #tpu.memory_space<vmem>> -> memref<64xi32, #tpu.memory_space<vmem>>
        %dma_start3A_245 = arith.constant 0 : i32
        %dma_start3A_246 = arith.constant 0 : i32
        %dma_start3A_247 = tpu.memref_slice %arg2[%dma_start3A_245, %dma_start3A_246] : memref<10000x128xf32, #tpu.memory_space<hbm>> -> memref<10000x128xf32, #tpu.memory_space<hbm>>
        tpu.enqueue_indirect_dma source(%dma_start3A_247 : memref<10000x128xf32, #tpu.memory_space<hbm>>) target(%arg12 : memref<64x128xf32, #tpu.memory_space<vmem>>) offsets(%dma_start3A_244 : memref<64xi32, #tpu.memory_space<vmem>>) semaphore(%arg16 : memref<!tpu.dma_semaphore, #tpu.memory_space<semaphore_mem>>)
      } else {
      }
      %dma_wait3A_223 = arith.constant 64 : i32
      %dma_wait3A_224 = tpu.memref_slice %arg9[%add3A_210, %dma_wait3A_223] : memref<80x128xi32, #tpu.memory_space<vmem>> -> memref<1x64xi32, #tpu.memory_space<vmem>>
      %dma_wait3A_225 = tpu.memref_squeeze %dma_wait3A_224 : memref<1x64xi32, #tpu.memory_space<vmem>> -> memref<64xi32, #tpu.memory_space<vmem>>
      %dma_wait3A_226 = arith.constant 0 : i32
      %dma_wait3A_227 = arith.constant 0 : i32
      %dma_wait3A_228 = tpu.memref_slice %arg2[%dma_wait3A_226, %dma_wait3A_227] : memref<10000x128xf32, #tpu.memory_space<hbm>> -> memref<10000x128xf32, #tpu.memory_space<hbm>>
      tpu.wait_indirect_dma semaphore(%arg17 : memref<!tpu.dma_semaphore, #tpu.memory_space<semaphore_mem>>) src(%dma_wait3A_228 : memref<10000x128xf32, #tpu.memory_space<hbm>>) dst(%arg13 : memref<64x128xf32, #tpu.memory_space<vmem>>)
      %dma_start3A_229 = arith.constant 0 : i32
      %dma_start3A_230 = tpu.memref_slice %arg9[%add3A_210, %dma_start3A_229] : memref<80x128xi32, #tpu.memory_space<vmem>> -> memref<1x64xi32, #tpu.memory_space<vmem>>
      %dma_start3A_231 = tpu.memref_squeeze %dma_start3A_230 : memref<1x64xi32, #tpu.memory_space<vmem>> -> memref<64xi32, #tpu.memory_space<vmem>>
      %dma_start3A_232 = arith.constant 0 : i32
      %dma_start3A_233 = arith.constant 0 : i32
      %dma_start3A_234 = tpu.memref_slice %arg8[%dma_start3A_232, %dma_start3A_233] : memref<10064x128xf32, #tpu.memory_space<vmem_shared>> -> memref<10064x128xf32, #tpu.memory_space<vmem_shared>>
      tpu.enqueue_indirect_dma source(%arg13 : memref<64x128xf32, #tpu.memory_space<vmem>>) target(%dma_start3A_234 : memref<10064x128xf32, #tpu.memory_space<vmem_shared>>) offsets(%dma_start3A_231 : memref<64xi32, #tpu.memory_space<vmem>>) semaphore(%arg21 : memref<!tpu.dma_semaphore, #tpu.memory_space<semaphore_mem>>) {add = true}
      %dma_start3A_235 = arith.constant 0 : i32
      %dma_start3A_236 = tpu.memref_slice %arg9[%add3A_210, %dma_start3A_235] : memref<80x128xi32, #tpu.memory_space<vmem>> -> memref<1x64xi32, #tpu.memory_space<vmem>>
      %dma_start3A_237 = tpu.memref_squeeze %dma_start3A_236 : memref<1x64xi32, #tpu.memory_space<vmem>> -> memref<64xi32, #tpu.memory_space<vmem>>
      %dma_start3A_238 = arith.constant 0 : i32
      %dma_start3A_239 = tpu.memref_slice %arg22[%dma_start3A_238] : memref<10064xf32, #tpu.memory_space<vmem_shared>> -> memref<10064xf32, #tpu.memory_space<vmem_shared>>
      tpu.enqueue_indirect_dma source(%arg23 : memref<64xf32, #tpu.memory_space<vmem>>) target(%dma_start3A_239 : memref<10064xf32, #tpu.memory_space<vmem_shared>>) offsets(%dma_start3A_237 : memref<64xi32, #tpu.memory_space<vmem>>) semaphore(%arg21 : memref<!tpu.dma_semaphore, #tpu.memory_space<semaphore_mem>>) {add = true}
    }
    %scan3A_88 = arith.constant 20 : i32
    %dma_wait3A_89 = arith.constant 79 : i32
    %dma_wait3A_90 = arith.constant 0 : i32
    %dma_wait3A_91 = tpu.memref_slice %arg9[%dma_wait3A_89, %dma_wait3A_90] : memref<80x128xi32, #tpu.memory_space<vmem>> -> memref<1x64xi32, #tpu.memory_space<vmem>>
    %dma_wait3A_92 = tpu.memref_squeeze %dma_wait3A_91 : memref<1x64xi32, #tpu.memory_space<vmem>> -> memref<64xi32, #tpu.memory_space<vmem>>
    %dma_wait3A_93 = arith.constant 0 : i32
    %dma_wait3A_94 = arith.constant 0 : i32
    %dma_wait3A_95 = tpu.memref_slice %arg8[%dma_wait3A_93, %dma_wait3A_94] : memref<10064x128xf32, #tpu.memory_space<vmem_shared>> -> memref<10064x128xf32, #tpu.memory_space<vmem_shared>>
    tpu.wait_indirect_dma semaphore(%arg21 : memref<!tpu.dma_semaphore, #tpu.memory_space<semaphore_mem>>) src(%arg13 : memref<64x128xf32, #tpu.memory_space<vmem>>) dst(%dma_wait3A_95 : memref<10064x128xf32, #tpu.memory_space<vmem_shared>>)
    %dma_wait3A_96 = arith.constant 79 : i32
    %dma_wait3A_97 = arith.constant 0 : i32
    %dma_wait3A_98 = tpu.memref_slice %arg9[%dma_wait3A_96, %dma_wait3A_97] : memref<80x128xi32, #tpu.memory_space<vmem>> -> memref<1x64xi32, #tpu.memory_space<vmem>>
    %dma_wait3A_99 = tpu.memref_squeeze %dma_wait3A_98 : memref<1x64xi32, #tpu.memory_space<vmem>> -> memref<64xi32, #tpu.memory_space<vmem>>
    %dma_wait3A_100 = arith.constant 0 : i32
    %dma_wait3A_101 = tpu.memref_slice %arg22[%dma_wait3A_100] : memref<10064xf32, #tpu.memory_space<vmem_shared>> -> memref<10064xf32, #tpu.memory_space<vmem_shared>>
    tpu.wait_indirect_dma semaphore(%arg21 : memref<!tpu.dma_semaphore, #tpu.memory_space<semaphore_mem>>) src(%arg23 : memref<64xf32, #tpu.memory_space<vmem>>) dst(%dma_wait3A_101 : memref<10064xf32, #tpu.memory_space<vmem_shared>>)
    %barrier3A_102 = arith.constant 0 : index
    tpu.barrier barrier_id(%barrier3A_102)
    %lt3A_103 = arith.constant 10 : i32
    %lt3A_104 = arith.cmpi slt, %arg1, %lt3A_103 : i32
    %convert_element_type3A_105 = arith.extui %lt3A_104 : i1 to i32
    %cond3A_106 = arith.constant 0 : i32
    %cond3A_107 = arith.cmpi ne, %convert_element_type3A_105, %cond3A_106 : i32
    scf.if %cond3A_107 {
      %mul3A_108 = arith.constant 10000 : i32
      %mul3A_109 = arith.muli %arg0, %mul3A_108 : i32
      %mul3A_110 = arith.constant 1000 : i32
      %mul3A_111 = arith.muli %arg1, %mul3A_110 : i32
      %add3A_112 = arith.addi %mul3A_109, %mul3A_111 : i32
      %mul3A_113 = arith.constant 1000 : i32
      %mul3A_114 = arith.muli %arg1, %mul3A_113 : i32
      "tpu.region"() ({
        %run_scoped3A = tpu.sem_alloc : memref<!tpu.dma_semaphore, #tpu.memory_space<semaphore_mem>>
        %dma_start3A_117 = arith.constant 0 : i32
        %dma_start3A_118 = tpu.memref_slice %arg6[%add3A_112, %dma_start3A_117] : memref<20000x128xf32, #tpu.memory_space<hbm>> -> memref<1000x128xf32, #tpu.memory_space<hbm>>
        %dma_start3A_119 = arith.constant 0 : i32
        %dma_start3A_120 = tpu.memref_slice %arg8[%mul3A_114, %dma_start3A_119] : memref<10064x128xf32, #tpu.memory_space<vmem_shared>> -> memref<1000x128xf32, #tpu.memory_space<vmem_shared>>
        tpu.enqueue_dma source(%dma_start3A_120 : memref<1000x128xf32, #tpu.memory_space<vmem_shared>>) target(%dma_start3A_118 : memref<1000x128xf32, #tpu.memory_space<hbm>>) target_semaphore(%run_scoped3A : memref<!tpu.dma_semaphore, #tpu.memory_space<semaphore_mem>>)
        %dma_wait3A_121 = arith.constant 0 : i32
        %dma_wait3A_122 = tpu.memref_slice %arg6[%add3A_112, %dma_wait3A_121] : memref<20000x128xf32, #tpu.memory_space<hbm>> -> memref<1000x128xf32, #tpu.memory_space<hbm>>
        %dma_wait3A_123 = arith.constant 0 : i32
        %dma_wait3A_124 = tpu.memref_slice %arg8[%mul3A_114, %dma_wait3A_123] : memref<10064x128xf32, #tpu.memory_space<vmem_shared>> -> memref<1000x128xf32, #tpu.memory_space<vmem_shared>>
        tpu.wait_dma2 semaphore(%run_scoped3A : memref<!tpu.dma_semaphore, #tpu.memory_space<semaphore_mem>>) src(%dma_wait3A_124 : memref<1000x128xf32, #tpu.memory_space<vmem_shared>>) dst(%dma_wait3A_122 : memref<1000x128xf32, #tpu.memory_space<hbm>>)
        tpu.yield
      }) : () -> ()
      %mul3A_115 = arith.constant 1000 : i32
      %mul3A_116 = arith.muli %arg1, %mul3A_115 : i32
      "tpu.region"() ({
        %run_scoped3A = tpu.sem_alloc : memref<!tpu.dma_semaphore, #tpu.memory_space<semaphore_mem>>
        %dma_start3A_117 = tpu.memref_slice %arg22[%mul3A_116] : memref<10064xf32, #tpu.memory_space<vmem_shared>> -> memref<1000xf32, #tpu.memory_space<vmem_shared>>
        %dma_start3A_118 = tpu.memref_slice %arg22[%mul3A_116] : memref<10064xf32, #tpu.memory_space<vmem_shared>> -> memref<1000xf32, #tpu.memory_space<vmem_shared>>
        tpu.enqueue_dma source(%dma_start3A_118 : memref<1000xf32, #tpu.memory_space<vmem_shared>>) target(%arg24 : memref<1000xf32, #tpu.memory_space<vmem>>) target_semaphore(%run_scoped3A : memref<!tpu.dma_semaphore, #tpu.memory_space<semaphore_mem>>)
        %dma_wait3A_119 = tpu.memref_slice %arg22[%mul3A_116] : memref<10064xf32, #tpu.memory_space<vmem_shared>> -> memref<1000xf32, #tpu.memory_space<vmem_shared>>
        %dma_wait3A_120 = tpu.memref_slice %arg22[%mul3A_116] : memref<10064xf32, #tpu.memory_space<vmem_shared>> -> memref<1000xf32, #tpu.memory_space<vmem_shared>>
        tpu.wait_dma2 semaphore(%run_scoped3A : memref<!tpu.dma_semaphore, #tpu.memory_space<semaphore_mem>>) src(%dma_wait3A_120 : memref<1000xf32, #tpu.memory_space<vmem_shared>>) dst(%arg24 : memref<1000xf32, #tpu.memory_space<vmem>>)
        tpu.yield
      }) : () -> ()
      "tpu.region"() ({
        %run_scoped3A = tpu.sem_alloc : memref<!tpu.dma_semaphore, #tpu.memory_space<semaphore_mem>>
        %dma_start3A_117 = tpu.memref_slice %arg7[%add3A_112] : memref<20000xf32, #tpu.memory_space<hbm>> -> memref<1000xf32, #tpu.memory_space<hbm>>
        %dma_start3A_118 = tpu.memref_slice %arg7[%add3A_112] : memref<20000xf32, #tpu.memory_space<hbm>> -> memref<1000xf32, #tpu.memory_space<hbm>>
        tpu.enqueue_dma source(%arg24 : memref<1000xf32, #tpu.memory_space<vmem>>) target(%dma_start3A_118 : memref<1000xf32, #tpu.memory_space<hbm>>) target_semaphore(%run_scoped3A : memref<!tpu.dma_semaphore, #tpu.memory_space<semaphore_mem>>)
        %dma_wait3A_119 = tpu.memref_slice %arg7[%add3A_112] : memref<20000xf32, #tpu.memory_space<hbm>> -> memref<1000xf32, #tpu.memory_space<hbm>>
        %dma_wait3A_120 = tpu.memref_slice %arg7[%add3A_112] : memref<20000xf32, #tpu.memory_space<hbm>> -> memref<1000xf32, #tpu.memory_space<hbm>>
        tpu.wait_dma2 semaphore(%run_scoped3A : memref<!tpu.dma_semaphore, #tpu.memory_space<semaphore_mem>>) src(%arg24 : memref<1000xf32, #tpu.memory_space<vmem>>) dst(%dma_wait3A_120 : memref<1000xf32, #tpu.memory_space<hbm>>)
        tpu.yield
      }) : () -> ()
    } else {
    }
    return
  }
}

#map = affine_map<(d0, d1) -> (0, 0)>
#map1 = affine_map<(d0, d1) -> (0)>
module attributes {stable_mosaic.version = 14 : i64} {
  func.func @body(%arg0: i32, %arg1: i32, %arg2: memref<10000x128xf32, #tpu.memory_space<hbm>>, %arg3: memref<1000x128xf32, #tpu.memory_space<hbm>>, %arg4: memref<1000xf32, #tpu.memory_space<hbm>>, %arg5: memref<5120x128xi32, #tpu.memory_space<hbm>>, %arg6: memref<20000x128xf32, #tpu.memory_space<hbm>>, %arg7: memref<10064x128xf32, #tpu.memory_space<vmem_shared>>, %arg8: memref<80x128xi32, #tpu.memory_space<vmem>>, %arg9: memref<64x128xf32, #tpu.memory_space<vmem>>, %arg10: memref<64x128xf32, #tpu.memory_space<vmem>>, %arg11: memref<64x128xf32, #tpu.memory_space<vmem>>, %arg12: memref<64x128xf32, #tpu.memory_space<vmem>>, %arg13: memref<!tpu.dma_semaphore, #tpu.memory_space<semaphore_mem>>, %arg14: memref<!tpu.dma_semaphore, #tpu.memory_space<semaphore_mem>>, %arg15: memref<!tpu.dma_semaphore, #tpu.memory_space<semaphore_mem>>, %arg16: memref<!tpu.dma_semaphore, #tpu.memory_space<semaphore_mem>>, %arg17: memref<!tpu.dma_semaphore, #tpu.memory_space<semaphore_mem>>, %arg18: memref<!tpu.dma_semaphore, #tpu.memory_space<semaphore_mem>>, %arg19: memref<!tpu.dma_semaphore, #tpu.memory_space<semaphore_mem>>, %arg20: memref<!tpu.dma_semaphore, #tpu.memory_space<semaphore_mem>>) attributes {dimension_semantics = [#tpu.dimension_semantics<core_parallel>, #tpu.dimension_semantics<subcore_parallel>], iteration_bounds = array<i64: 2, 16>, scalar_prefetch = 0 : i64, scratch_operands = 14 : i64, tpu.core_type = #tpu.core_type<sc_vector_subcore>, window_params = [{transform_indices = #map}, {transform_indices = #map}, {transform_indices = #map1}, {transform_indices = #map}, {transform_indices = #map}]} {
    %mul3A = arith.constant 16 : i32
    %mul3A_0 = arith.muli %arg0, %mul3A : i32
    %add3A = arith.addi %mul3A_0, %arg1 : i32
    %lt3A = arith.constant 10 : i32
    %lt3A_1 = arith.cmpi slt, %arg1, %lt3A : i32
    %convert_element_type3A = arith.extui %lt3A_1 : i1 to i32
    %cond3A = arith.constant 0 : i32
    %cond3A_2 = arith.cmpi ne, %convert_element_type3A, %cond3A : i32
    scf.if %cond3A_2 {
      %mul3A_80 = arith.constant 1000 : i32
      %mul3A_81 = arith.muli %arg1, %mul3A_80 : i32
      "tpu.region"() ({
        %run_scoped3A = tpu.sem_alloc : memref<!tpu.dma_semaphore, #tpu.memory_space<semaphore_mem>>
        %dma_start3A_82 = arith.constant 0 : i32
        %dma_start3A_83 = tpu.memref_slice %arg7[%mul3A_81, %dma_start3A_82] : memref<10064x128xf32, #tpu.memory_space<vmem_shared>> -> memref<1000x128xf32, #tpu.memory_space<vmem_shared>>
        tpu.enqueue_dma source(%arg3 : memref<1000x128xf32, #tpu.memory_space<hbm>>) target(%dma_start3A_83 : memref<1000x128xf32, #tpu.memory_space<vmem_shared>>) target_semaphore(%run_scoped3A : memref<!tpu.dma_semaphore, #tpu.memory_space<semaphore_mem>>)
        %dma_wait3A_84 = arith.constant 0 : i32
        %dma_wait3A_85 = tpu.memref_slice %arg7[%mul3A_81, %dma_wait3A_84] : memref<10064x128xf32, #tpu.memory_space<vmem_shared>> -> memref<1000x128xf32, #tpu.memory_space<vmem_shared>>
        tpu.wait_dma2 semaphore(%run_scoped3A : memref<!tpu.dma_semaphore, #tpu.memory_space<semaphore_mem>>) src(%arg3 : memref<1000x128xf32, #tpu.memory_space<hbm>>) dst(%dma_wait3A_85 : memref<1000x128xf32, #tpu.memory_space<vmem_shared>>)
        tpu.yield
      }) : () -> ()
    } else {
    }
    %mul3A_3 = arith.constant 160 : i32
    %mul3A_4 = arith.muli %add3A, %mul3A_3 : i32
    "tpu.region"() ({
      %run_scoped3A = tpu.sem_alloc : memref<!tpu.dma_semaphore, #tpu.memory_space<semaphore_mem>>
      %dma_start3A_80 = arith.constant 0 : i32
      %dma_start3A_81 = tpu.memref_slice %arg5[%mul3A_4, %dma_start3A_80] : memref<5120x128xi32, #tpu.memory_space<hbm>> -> memref<80x128xi32, #tpu.memory_space<hbm>>
      %dma_start3A_82 = arith.constant 0 : i32
      %dma_start3A_83 = tpu.memref_slice %arg5[%mul3A_4, %dma_start3A_82] : memref<5120x128xi32, #tpu.memory_space<hbm>> -> memref<80x128xi32, #tpu.memory_space<hbm>>
      tpu.enqueue_dma source(%dma_start3A_83 : memref<80x128xi32, #tpu.memory_space<hbm>>) target(%arg8 : memref<80x128xi32, #tpu.memory_space<vmem>>) target_semaphore(%run_scoped3A : memref<!tpu.dma_semaphore, #tpu.memory_space<semaphore_mem>>)
      %dma_wait3A_84 = arith.constant 0 : i32
      %dma_wait3A_85 = tpu.memref_slice %arg5[%mul3A_4, %dma_wait3A_84] : memref<5120x128xi32, #tpu.memory_space<hbm>> -> memref<80x128xi32, #tpu.memory_space<hbm>>
      %dma_wait3A_86 = arith.constant 0 : i32
      %dma_wait3A_87 = tpu.memref_slice %arg5[%mul3A_4, %dma_wait3A_86] : memref<5120x128xi32, #tpu.memory_space<hbm>> -> memref<80x128xi32, #tpu.memory_space<hbm>>
      tpu.wait_dma2 semaphore(%run_scoped3A : memref<!tpu.dma_semaphore, #tpu.memory_space<semaphore_mem>>) src(%dma_wait3A_87 : memref<80x128xi32, #tpu.memory_space<hbm>>) dst(%arg8 : memref<80x128xi32, #tpu.memory_space<vmem>>)
      tpu.yield
    }) : () -> ()
    %dma_start3A = arith.constant 0 : i32
    %dma_start3A_5 = arith.constant 64 : i32
    %dma_start3A_6 = tpu.memref_slice %arg8[%dma_start3A, %dma_start3A_5] : memref<80x128xi32, #tpu.memory_space<vmem>> -> memref<1x64xi32, #tpu.memory_space<vmem>>
    %dma_start3A_7 = tpu.memref_squeeze %dma_start3A_6 : memref<1x64xi32, #tpu.memory_space<vmem>> -> memref<64xi32, #tpu.memory_space<vmem>>
    %dma_start3A_8 = arith.constant 0 : i32
    %dma_start3A_9 = arith.constant 0 : i32
    %dma_start3A_10 = tpu.memref_slice %arg2[%dma_start3A_8, %dma_start3A_9] : memref<10000x128xf32, #tpu.memory_space<hbm>> -> memref<10000x128xf32, #tpu.memory_space<hbm>>
    tpu.enqueue_indirect_dma source(%dma_start3A_10 : memref<10000x128xf32, #tpu.memory_space<hbm>>) target(%arg9 : memref<64x128xf32, #tpu.memory_space<vmem>>) offsets(%dma_start3A_7 : memref<64xi32, #tpu.memory_space<vmem>>) semaphore(%arg13 : memref<!tpu.dma_semaphore, #tpu.memory_space<semaphore_mem>>)
    %dma_start3A_11 = arith.constant 1 : i32
    %dma_start3A_12 = arith.constant 64 : i32
    %dma_start3A_13 = tpu.memref_slice %arg8[%dma_start3A_11, %dma_start3A_12] : memref<80x128xi32, #tpu.memory_space<vmem>> -> memref<1x64xi32, #tpu.memory_space<vmem>>
    %dma_start3A_14 = tpu.memref_squeeze %dma_start3A_13 : memref<1x64xi32, #tpu.memory_space<vmem>> -> memref<64xi32, #tpu.memory_space<vmem>>
    %dma_start3A_15 = arith.constant 0 : i32
    %dma_start3A_16 = arith.constant 0 : i32
    %dma_start3A_17 = tpu.memref_slice %arg2[%dma_start3A_15, %dma_start3A_16] : memref<10000x128xf32, #tpu.memory_space<hbm>> -> memref<10000x128xf32, #tpu.memory_space<hbm>>
    tpu.enqueue_indirect_dma source(%dma_start3A_17 : memref<10000x128xf32, #tpu.memory_space<hbm>>) target(%arg10 : memref<64x128xf32, #tpu.memory_space<vmem>>) offsets(%dma_start3A_14 : memref<64xi32, #tpu.memory_space<vmem>>) semaphore(%arg14 : memref<!tpu.dma_semaphore, #tpu.memory_space<semaphore_mem>>)
    %dma_start3A_18 = arith.constant 2 : i32
    %dma_start3A_19 = arith.constant 64 : i32
    %dma_start3A_20 = tpu.memref_slice %arg8[%dma_start3A_18, %dma_start3A_19] : memref<80x128xi32, #tpu.memory_space<vmem>> -> memref<1x64xi32, #tpu.memory_space<vmem>>
    %dma_start3A_21 = tpu.memref_squeeze %dma_start3A_20 : memref<1x64xi32, #tpu.memory_space<vmem>> -> memref<64xi32, #tpu.memory_space<vmem>>
    %dma_start3A_22 = arith.constant 0 : i32
    %dma_start3A_23 = arith.constant 0 : i32
    %dma_start3A_24 = tpu.memref_slice %arg2[%dma_start3A_22, %dma_start3A_23] : memref<10000x128xf32, #tpu.memory_space<hbm>> -> memref<10000x128xf32, #tpu.memory_space<hbm>>
    tpu.enqueue_indirect_dma source(%dma_start3A_24 : memref<10000x128xf32, #tpu.memory_space<hbm>>) target(%arg11 : memref<64x128xf32, #tpu.memory_space<vmem>>) offsets(%dma_start3A_21 : memref<64xi32, #tpu.memory_space<vmem>>) semaphore(%arg15 : memref<!tpu.dma_semaphore, #tpu.memory_space<semaphore_mem>>)
    %barrier3A = arith.constant 0 : index
    tpu.barrier barrier_id(%barrier3A)
    %scan3A = arith.constant 0 : i32
    %scan3A_25 = arith.constant 0 : i32
    %scan3A_26 = arith.constant 20 : i32
    %scan3A_27 = arith.addi %scan3A_25, %scan3A_26 : i32
    %scan3A_28 = arith.constant 1 : i32
    scf.for %scan3A_80 = %scan3A_25 to %scan3A_27 step %scan3A_28  : i32 {
      %mul3A_81 = arith.constant 4 : i32
      %mul3A_82 = arith.muli %mul3A_81, %scan3A_80 : i32
      %add3A_83 = arith.constant 0 : i32
      %add3A_84 = arith.addi %mul3A_82, %add3A_83 : i32
      %ge3A = arith.constant 1 : i32
      %ge3A_85 = arith.cmpi sge, %add3A_84, %ge3A : i32
      %convert_element_type3A_86 = arith.extui %ge3A_85 : i1 to i32
      %cond3A_87 = arith.constant 0 : i32
      %cond3A_88 = arith.cmpi ne, %convert_element_type3A_86, %cond3A_87 : i32
      scf.if %cond3A_88 {
        %sub3A = arith.constant 1 : i32
        %sub3A_192 = arith.subi %add3A_84, %sub3A : i32
        %dma_wait3A_193 = arith.constant 0 : i32
        %dma_wait3A_194 = tpu.memref_slice %arg8[%sub3A_192, %dma_wait3A_193] : memref<80x128xi32, #tpu.memory_space<vmem>> -> memref<1x64xi32, #tpu.memory_space<vmem>>
        %dma_wait3A_195 = tpu.memref_squeeze %dma_wait3A_194 : memref<1x64xi32, #tpu.memory_space<vmem>> -> memref<64xi32, #tpu.memory_space<vmem>>
        %dma_wait3A_196 = arith.constant 0 : i32
        %dma_wait3A_197 = arith.constant 0 : i32
        %dma_wait3A_198 = tpu.memref_slice %arg7[%dma_wait3A_196, %dma_wait3A_197] : memref<10064x128xf32, #tpu.memory_space<vmem_shared>> -> memref<10064x128xf32, #tpu.memory_space<vmem_shared>>
        tpu.wait_indirect_dma semaphore(%arg20 : memref<!tpu.dma_semaphore, #tpu.memory_space<semaphore_mem>>) src(%arg12 : memref<64x128xf32, #tpu.memory_space<vmem>>) dst(%dma_wait3A_198 : memref<10064x128xf32, #tpu.memory_space<vmem_shared>>)
      } else {
      }
      %add3A_89 = arith.constant 3 : i32
      %add3A_90 = arith.addi %add3A_84, %add3A_89 : i32
      %lt3A_91 = arith.constant 80 : i32
      %lt3A_92 = arith.cmpi slt, %add3A_90, %lt3A_91 : i32
      %convert_element_type3A_93 = arith.extui %lt3A_92 : i1 to i32
      %cond3A_94 = arith.constant 0 : i32
      %cond3A_95 = arith.cmpi ne, %convert_element_type3A_93, %cond3A_94 : i32
      scf.if %cond3A_95 {
        %add3A_192 = arith.constant 3 : i32
        %add3A_193 = arith.addi %add3A_84, %add3A_192 : i32
        %dma_start3A_194 = arith.constant 64 : i32
        %dma_start3A_195 = tpu.memref_slice %arg8[%add3A_193, %dma_start3A_194] : memref<80x128xi32, #tpu.memory_space<vmem>> -> memref<1x64xi32, #tpu.memory_space<vmem>>
        %dma_start3A_196 = tpu.memref_squeeze %dma_start3A_195 : memref<1x64xi32, #tpu.memory_space<vmem>> -> memref<64xi32, #tpu.memory_space<vmem>>
        %dma_start3A_197 = arith.constant 0 : i32
        %dma_start3A_198 = arith.constant 0 : i32
        %dma_start3A_199 = tpu.memref_slice %arg2[%dma_start3A_197, %dma_start3A_198] : memref<10000x128xf32, #tpu.memory_space<hbm>> -> memref<10000x128xf32, #tpu.memory_space<hbm>>
        tpu.enqueue_indirect_dma source(%dma_start3A_199 : memref<10000x128xf32, #tpu.memory_space<hbm>>) target(%arg12 : memref<64x128xf32, #tpu.memory_space<vmem>>) offsets(%dma_start3A_196 : memref<64xi32, #tpu.memory_space<vmem>>) semaphore(%arg16 : memref<!tpu.dma_semaphore, #tpu.memory_space<semaphore_mem>>)
      } else {
      }
      %dma_wait3A_96 = arith.constant 64 : i32
      %dma_wait3A_97 = tpu.memref_slice %arg8[%add3A_84, %dma_wait3A_96] : memref<80x128xi32, #tpu.memory_space<vmem>> -> memref<1x64xi32, #tpu.memory_space<vmem>>
      %dma_wait3A_98 = tpu.memref_squeeze %dma_wait3A_97 : memref<1x64xi32, #tpu.memory_space<vmem>> -> memref<64xi32, #tpu.memory_space<vmem>>
      %dma_wait3A_99 = arith.constant 0 : i32
      %dma_wait3A_100 = arith.constant 0 : i32
      %dma_wait3A_101 = tpu.memref_slice %arg2[%dma_wait3A_99, %dma_wait3A_100] : memref<10000x128xf32, #tpu.memory_space<hbm>> -> memref<10000x128xf32, #tpu.memory_space<hbm>>
      tpu.wait_indirect_dma semaphore(%arg13 : memref<!tpu.dma_semaphore, #tpu.memory_space<semaphore_mem>>) src(%dma_wait3A_101 : memref<10000x128xf32, #tpu.memory_space<hbm>>) dst(%arg9 : memref<64x128xf32, #tpu.memory_space<vmem>>)
      %dma_start3A_102 = arith.constant 0 : i32
      %dma_start3A_103 = tpu.memref_slice %arg8[%add3A_84, %dma_start3A_102] : memref<80x128xi32, #tpu.memory_space<vmem>> -> memref<1x64xi32, #tpu.memory_space<vmem>>
      %dma_start3A_104 = tpu.memref_squeeze %dma_start3A_103 : memref<1x64xi32, #tpu.memory_space<vmem>> -> memref<64xi32, #tpu.memory_space<vmem>>
      %dma_start3A_105 = arith.constant 0 : i32
      %dma_start3A_106 = arith.constant 0 : i32
      %dma_start3A_107 = tpu.memref_slice %arg7[%dma_start3A_105, %dma_start3A_106] : memref<10064x128xf32, #tpu.memory_space<vmem_shared>> -> memref<10064x128xf32, #tpu.memory_space<vmem_shared>>
      tpu.enqueue_indirect_dma source(%arg9 : memref<64x128xf32, #tpu.memory_space<vmem>>) target(%dma_start3A_107 : memref<10064x128xf32, #tpu.memory_space<vmem_shared>>) offsets(%dma_start3A_104 : memref<64xi32, #tpu.memory_space<vmem>>) semaphore(%arg17 : memref<!tpu.dma_semaphore, #tpu.memory_space<semaphore_mem>>) {add = true}
      %mul3A_108 = arith.constant 4 : i32
      %mul3A_109 = arith.muli %mul3A_108, %scan3A_80 : i32
      %add3A_110 = arith.constant 1 : i32
      %add3A_111 = arith.addi %mul3A_109, %add3A_110 : i32
      %ge3A_112 = arith.constant 1 : i32
      %ge3A_113 = arith.cmpi sge, %add3A_111, %ge3A_112 : i32
      %convert_element_type3A_114 = arith.extui %ge3A_113 : i1 to i32
      %cond3A_115 = arith.constant 0 : i32
      %cond3A_116 = arith.cmpi ne, %convert_element_type3A_114, %cond3A_115 : i32
      scf.if %cond3A_116 {
        %sub3A = arith.constant 1 : i32
        %sub3A_192 = arith.subi %add3A_111, %sub3A : i32
        %dma_wait3A_193 = arith.constant 0 : i32
        %dma_wait3A_194 = tpu.memref_slice %arg8[%sub3A_192, %dma_wait3A_193] : memref<80x128xi32, #tpu.memory_space<vmem>> -> memref<1x64xi32, #tpu.memory_space<vmem>>
        %dma_wait3A_195 = tpu.memref_squeeze %dma_wait3A_194 : memref<1x64xi32, #tpu.memory_space<vmem>> -> memref<64xi32, #tpu.memory_space<vmem>>
        %dma_wait3A_196 = arith.constant 0 : i32
        %dma_wait3A_197 = arith.constant 0 : i32
        %dma_wait3A_198 = tpu.memref_slice %arg7[%dma_wait3A_196, %dma_wait3A_197] : memref<10064x128xf32, #tpu.memory_space<vmem_shared>> -> memref<10064x128xf32, #tpu.memory_space<vmem_shared>>
        tpu.wait_indirect_dma semaphore(%arg17 : memref<!tpu.dma_semaphore, #tpu.memory_space<semaphore_mem>>) src(%arg9 : memref<64x128xf32, #tpu.memory_space<vmem>>) dst(%dma_wait3A_198 : memref<10064x128xf32, #tpu.memory_space<vmem_shared>>)
      } else {
      }
      %add3A_117 = arith.constant 3 : i32
      %add3A_118 = arith.addi %add3A_111, %add3A_117 : i32
      %lt3A_119 = arith.constant 80 : i32
      %lt3A_120 = arith.cmpi slt, %add3A_118, %lt3A_119 : i32
      %convert_element_type3A_121 = arith.extui %lt3A_120 : i1 to i32
      %cond3A_122 = arith.constant 0 : i32
      %cond3A_123 = arith.cmpi ne, %convert_element_type3A_121, %cond3A_122 : i32
      scf.if %cond3A_123 {
        %add3A_192 = arith.constant 3 : i32
        %add3A_193 = arith.addi %add3A_111, %add3A_192 : i32
        %dma_start3A_194 = arith.constant 64 : i32
        %dma_start3A_195 = tpu.memref_slice %arg8[%add3A_193, %dma_start3A_194] : memref<80x128xi32, #tpu.memory_space<vmem>> -> memref<1x64xi32, #tpu.memory_space<vmem>>
        %dma_start3A_196 = tpu.memref_squeeze %dma_start3A_195 : memref<1x64xi32, #tpu.memory_space<vmem>> -> memref<64xi32, #tpu.memory_space<vmem>>
        %dma_start3A_197 = arith.constant 0 : i32
        %dma_start3A_198 = arith.constant 0 : i32
        %dma_start3A_199 = tpu.memref_slice %arg2[%dma_start3A_197, %dma_start3A_198] : memref<10000x128xf32, #tpu.memory_space<hbm>> -> memref<10000x128xf32, #tpu.memory_space<hbm>>
        tpu.enqueue_indirect_dma source(%dma_start3A_199 : memref<10000x128xf32, #tpu.memory_space<hbm>>) target(%arg9 : memref<64x128xf32, #tpu.memory_space<vmem>>) offsets(%dma_start3A_196 : memref<64xi32, #tpu.memory_space<vmem>>) semaphore(%arg13 : memref<!tpu.dma_semaphore, #tpu.memory_space<semaphore_mem>>)
      } else {
      }
      %dma_wait3A_124 = arith.constant 64 : i32
      %dma_wait3A_125 = tpu.memref_slice %arg8[%add3A_111, %dma_wait3A_124] : memref<80x128xi32, #tpu.memory_space<vmem>> -> memref<1x64xi32, #tpu.memory_space<vmem>>
      %dma_wait3A_126 = tpu.memref_squeeze %dma_wait3A_125 : memref<1x64xi32, #tpu.memory_space<vmem>> -> memref<64xi32, #tpu.memory_space<vmem>>
      %dma_wait3A_127 = arith.constant 0 : i32
      %dma_wait3A_128 = arith.constant 0 : i32
      %dma_wait3A_129 = tpu.memref_slice %arg2[%dma_wait3A_127, %dma_wait3A_128] : memref<10000x128xf32, #tpu.memory_space<hbm>> -> memref<10000x128xf32, #tpu.memory_space<hbm>>
      tpu.wait_indirect_dma semaphore(%arg14 : memref<!tpu.dma_semaphore, #tpu.memory_space<semaphore_mem>>) src(%dma_wait3A_129 : memref<10000x128xf32, #tpu.memory_space<hbm>>) dst(%arg10 : memref<64x128xf32, #tpu.memory_space<vmem>>)
      %dma_start3A_130 = arith.constant 0 : i32
      %dma_start3A_131 = tpu.memref_slice %arg8[%add3A_111, %dma_start3A_130] : memref<80x128xi32, #tpu.memory_space<vmem>> -> memref<1x64xi32, #tpu.memory_space<vmem>>
      %dma_start3A_132 = tpu.memref_squeeze %dma_start3A_131 : memref<1x64xi32, #tpu.memory_space<vmem>> -> memref<64xi32, #tpu.memory_space<vmem>>
      %dma_start3A_133 = arith.constant 0 : i32
      %dma_start3A_134 = arith.constant 0 : i32
      %dma_start3A_135 = tpu.memref_slice %arg7[%dma_start3A_133, %dma_start3A_134] : memref<10064x128xf32, #tpu.memory_space<vmem_shared>> -> memref<10064x128xf32, #tpu.memory_space<vmem_shared>>
      tpu.enqueue_indirect_dma source(%arg10 : memref<64x128xf32, #tpu.memory_space<vmem>>) target(%dma_start3A_135 : memref<10064x128xf32, #tpu.memory_space<vmem_shared>>) offsets(%dma_start3A_132 : memref<64xi32, #tpu.memory_space<vmem>>) semaphore(%arg18 : memref<!tpu.dma_semaphore, #tpu.memory_space<semaphore_mem>>) {add = true}
      %mul3A_136 = arith.constant 4 : i32
      %mul3A_137 = arith.muli %mul3A_136, %scan3A_80 : i32
      %add3A_138 = arith.constant 2 : i32
      %add3A_139 = arith.addi %mul3A_137, %add3A_138 : i32
      %ge3A_140 = arith.constant 1 : i32
      %ge3A_141 = arith.cmpi sge, %add3A_139, %ge3A_140 : i32
      %convert_element_type3A_142 = arith.extui %ge3A_141 : i1 to i32
      %cond3A_143 = arith.constant 0 : i32
      %cond3A_144 = arith.cmpi ne, %convert_element_type3A_142, %cond3A_143 : i32
      scf.if %cond3A_144 {
        %sub3A = arith.constant 1 : i32
        %sub3A_192 = arith.subi %add3A_139, %sub3A : i32
        %dma_wait3A_193 = arith.constant 0 : i32
        %dma_wait3A_194 = tpu.memref_slice %arg8[%sub3A_192, %dma_wait3A_193] : memref<80x128xi32, #tpu.memory_space<vmem>> -> memref<1x64xi32, #tpu.memory_space<vmem>>
        %dma_wait3A_195 = tpu.memref_squeeze %dma_wait3A_194 : memref<1x64xi32, #tpu.memory_space<vmem>> -> memref<64xi32, #tpu.memory_space<vmem>>
        %dma_wait3A_196 = arith.constant 0 : i32
        %dma_wait3A_197 = arith.constant 0 : i32
        %dma_wait3A_198 = tpu.memref_slice %arg7[%dma_wait3A_196, %dma_wait3A_197] : memref<10064x128xf32, #tpu.memory_space<vmem_shared>> -> memref<10064x128xf32, #tpu.memory_space<vmem_shared>>
        tpu.wait_indirect_dma semaphore(%arg18 : memref<!tpu.dma_semaphore, #tpu.memory_space<semaphore_mem>>) src(%arg10 : memref<64x128xf32, #tpu.memory_space<vmem>>) dst(%dma_wait3A_198 : memref<10064x128xf32, #tpu.memory_space<vmem_shared>>)
      } else {
      }
      %add3A_145 = arith.constant 3 : i32
      %add3A_146 = arith.addi %add3A_139, %add3A_145 : i32
      %lt3A_147 = arith.constant 80 : i32
      %lt3A_148 = arith.cmpi slt, %add3A_146, %lt3A_147 : i32
      %convert_element_type3A_149 = arith.extui %lt3A_148 : i1 to i32
      %cond3A_150 = arith.constant 0 : i32
      %cond3A_151 = arith.cmpi ne, %convert_element_type3A_149, %cond3A_150 : i32
      scf.if %cond3A_151 {
        %add3A_192 = arith.constant 3 : i32
        %add3A_193 = arith.addi %add3A_139, %add3A_192 : i32
        %dma_start3A_194 = arith.constant 64 : i32
        %dma_start3A_195 = tpu.memref_slice %arg8[%add3A_193, %dma_start3A_194] : memref<80x128xi32, #tpu.memory_space<vmem>> -> memref<1x64xi32, #tpu.memory_space<vmem>>
        %dma_start3A_196 = tpu.memref_squeeze %dma_start3A_195 : memref<1x64xi32, #tpu.memory_space<vmem>> -> memref<64xi32, #tpu.memory_space<vmem>>
        %dma_start3A_197 = arith.constant 0 : i32
        %dma_start3A_198 = arith.constant 0 : i32
        %dma_start3A_199 = tpu.memref_slice %arg2[%dma_start3A_197, %dma_start3A_198] : memref<10000x128xf32, #tpu.memory_space<hbm>> -> memref<10000x128xf32, #tpu.memory_space<hbm>>
        tpu.enqueue_indirect_dma source(%dma_start3A_199 : memref<10000x128xf32, #tpu.memory_space<hbm>>) target(%arg10 : memref<64x128xf32, #tpu.memory_space<vmem>>) offsets(%dma_start3A_196 : memref<64xi32, #tpu.memory_space<vmem>>) semaphore(%arg14 : memref<!tpu.dma_semaphore, #tpu.memory_space<semaphore_mem>>)
      } else {
      }
      %dma_wait3A_152 = arith.constant 64 : i32
      %dma_wait3A_153 = tpu.memref_slice %arg8[%add3A_139, %dma_wait3A_152] : memref<80x128xi32, #tpu.memory_space<vmem>> -> memref<1x64xi32, #tpu.memory_space<vmem>>
      %dma_wait3A_154 = tpu.memref_squeeze %dma_wait3A_153 : memref<1x64xi32, #tpu.memory_space<vmem>> -> memref<64xi32, #tpu.memory_space<vmem>>
      %dma_wait3A_155 = arith.constant 0 : i32
      %dma_wait3A_156 = arith.constant 0 : i32
      %dma_wait3A_157 = tpu.memref_slice %arg2[%dma_wait3A_155, %dma_wait3A_156] : memref<10000x128xf32, #tpu.memory_space<hbm>> -> memref<10000x128xf32, #tpu.memory_space<hbm>>
      tpu.wait_indirect_dma semaphore(%arg15 : memref<!tpu.dma_semaphore, #tpu.memory_space<semaphore_mem>>) src(%dma_wait3A_157 : memref<10000x128xf32, #tpu.memory_space<hbm>>) dst(%arg11 : memref<64x128xf32, #tpu.memory_space<vmem>>)
      %dma_start3A_158 = arith.constant 0 : i32
      %dma_start3A_159 = tpu.memref_slice %arg8[%add3A_139, %dma_start3A_158] : memref<80x128xi32, #tpu.memory_space<vmem>> -> memref<1x64xi32, #tpu.memory_space<vmem>>
      %dma_start3A_160 = tpu.memref_squeeze %dma_start3A_159 : memref<1x64xi32, #tpu.memory_space<vmem>> -> memref<64xi32, #tpu.memory_space<vmem>>
      %dma_start3A_161 = arith.constant 0 : i32
      %dma_start3A_162 = arith.constant 0 : i32
      %dma_start3A_163 = tpu.memref_slice %arg7[%dma_start3A_161, %dma_start3A_162] : memref<10064x128xf32, #tpu.memory_space<vmem_shared>> -> memref<10064x128xf32, #tpu.memory_space<vmem_shared>>
      tpu.enqueue_indirect_dma source(%arg11 : memref<64x128xf32, #tpu.memory_space<vmem>>) target(%dma_start3A_163 : memref<10064x128xf32, #tpu.memory_space<vmem_shared>>) offsets(%dma_start3A_160 : memref<64xi32, #tpu.memory_space<vmem>>) semaphore(%arg19 : memref<!tpu.dma_semaphore, #tpu.memory_space<semaphore_mem>>) {add = true}
      %mul3A_164 = arith.constant 4 : i32
      %mul3A_165 = arith.muli %mul3A_164, %scan3A_80 : i32
      %add3A_166 = arith.constant 3 : i32
      %add3A_167 = arith.addi %mul3A_165, %add3A_166 : i32
      %ge3A_168 = arith.constant 1 : i32
      %ge3A_169 = arith.cmpi sge, %add3A_167, %ge3A_168 : i32
      %convert_element_type3A_170 = arith.extui %ge3A_169 : i1 to i32
      %cond3A_171 = arith.constant 0 : i32
      %cond3A_172 = arith.cmpi ne, %convert_element_type3A_170, %cond3A_171 : i32
      scf.if %cond3A_172 {
        %sub3A = arith.constant 1 : i32
        %sub3A_192 = arith.subi %add3A_167, %sub3A : i32
        %dma_wait3A_193 = arith.constant 0 : i32
        %dma_wait3A_194 = tpu.memref_slice %arg8[%sub3A_192, %dma_wait3A_193] : memref<80x128xi32, #tpu.memory_space<vmem>> -> memref<1x64xi32, #tpu.memory_space<vmem>>
        %dma_wait3A_195 = tpu.memref_squeeze %dma_wait3A_194 : memref<1x64xi32, #tpu.memory_space<vmem>> -> memref<64xi32, #tpu.memory_space<vmem>>
        %dma_wait3A_196 = arith.constant 0 : i32
        %dma_wait3A_197 = arith.constant 0 : i32
        %dma_wait3A_198 = tpu.memref_slice %arg7[%dma_wait3A_196, %dma_wait3A_197] : memref<10064x128xf32, #tpu.memory_space<vmem_shared>> -> memref<10064x128xf32, #tpu.memory_space<vmem_shared>>
        tpu.wait_indirect_dma semaphore(%arg19 : memref<!tpu.dma_semaphore, #tpu.memory_space<semaphore_mem>>) src(%arg11 : memref<64x128xf32, #tpu.memory_space<vmem>>) dst(%dma_wait3A_198 : memref<10064x128xf32, #tpu.memory_space<vmem_shared>>)
      } else {
      }
      %add3A_173 = arith.constant 3 : i32
      %add3A_174 = arith.addi %add3A_167, %add3A_173 : i32
      %lt3A_175 = arith.constant 80 : i32
      %lt3A_176 = arith.cmpi slt, %add3A_174, %lt3A_175 : i32
      %convert_element_type3A_177 = arith.extui %lt3A_176 : i1 to i32
      %cond3A_178 = arith.constant 0 : i32
      %cond3A_179 = arith.cmpi ne, %convert_element_type3A_177, %cond3A_178 : i32
      scf.if %cond3A_179 {
        %add3A_192 = arith.constant 3 : i32
        %add3A_193 = arith.addi %add3A_167, %add3A_192 : i32
        %dma_start3A_194 = arith.constant 64 : i32
        %dma_start3A_195 = tpu.memref_slice %arg8[%add3A_193, %dma_start3A_194] : memref<80x128xi32, #tpu.memory_space<vmem>> -> memref<1x64xi32, #tpu.memory_space<vmem>>
        %dma_start3A_196 = tpu.memref_squeeze %dma_start3A_195 : memref<1x64xi32, #tpu.memory_space<vmem>> -> memref<64xi32, #tpu.memory_space<vmem>>
        %dma_start3A_197 = arith.constant 0 : i32
        %dma_start3A_198 = arith.constant 0 : i32
        %dma_start3A_199 = tpu.memref_slice %arg2[%dma_start3A_197, %dma_start3A_198] : memref<10000x128xf32, #tpu.memory_space<hbm>> -> memref<10000x128xf32, #tpu.memory_space<hbm>>
        tpu.enqueue_indirect_dma source(%dma_start3A_199 : memref<10000x128xf32, #tpu.memory_space<hbm>>) target(%arg11 : memref<64x128xf32, #tpu.memory_space<vmem>>) offsets(%dma_start3A_196 : memref<64xi32, #tpu.memory_space<vmem>>) semaphore(%arg15 : memref<!tpu.dma_semaphore, #tpu.memory_space<semaphore_mem>>)
      } else {
      }
      %dma_wait3A_180 = arith.constant 64 : i32
      %dma_wait3A_181 = tpu.memref_slice %arg8[%add3A_167, %dma_wait3A_180] : memref<80x128xi32, #tpu.memory_space<vmem>> -> memref<1x64xi32, #tpu.memory_space<vmem>>
      %dma_wait3A_182 = tpu.memref_squeeze %dma_wait3A_181 : memref<1x64xi32, #tpu.memory_space<vmem>> -> memref<64xi32, #tpu.memory_space<vmem>>
      %dma_wait3A_183 = arith.constant 0 : i32
      %dma_wait3A_184 = arith.constant 0 : i32
      %dma_wait3A_185 = tpu.memref_slice %arg2[%dma_wait3A_183, %dma_wait3A_184] : memref<10000x128xf32, #tpu.memory_space<hbm>> -> memref<10000x128xf32, #tpu.memory_space<hbm>>
      tpu.wait_indirect_dma semaphore(%arg16 : memref<!tpu.dma_semaphore, #tpu.memory_space<semaphore_mem>>) src(%dma_wait3A_185 : memref<10000x128xf32, #tpu.memory_space<hbm>>) dst(%arg12 : memref<64x128xf32, #tpu.memory_space<vmem>>)
      %dma_start3A_186 = arith.constant 0 : i32
      %dma_start3A_187 = tpu.memref_slice %arg8[%add3A_167, %dma_start3A_186] : memref<80x128xi32, #tpu.memory_space<vmem>> -> memref<1x64xi32, #tpu.memory_space<vmem>>
      %dma_start3A_188 = tpu.memref_squeeze %dma_start3A_187 : memref<1x64xi32, #tpu.memory_space<vmem>> -> memref<64xi32, #tpu.memory_space<vmem>>
      %dma_start3A_189 = arith.constant 0 : i32
      %dma_start3A_190 = arith.constant 0 : i32
      %dma_start3A_191 = tpu.memref_slice %arg7[%dma_start3A_189, %dma_start3A_190] : memref<10064x128xf32, #tpu.memory_space<vmem_shared>> -> memref<10064x128xf32, #tpu.memory_space<vmem_shared>>
      tpu.enqueue_indirect_dma source(%arg12 : memref<64x128xf32, #tpu.memory_space<vmem>>) target(%dma_start3A_191 : memref<10064x128xf32, #tpu.memory_space<vmem_shared>>) offsets(%dma_start3A_188 : memref<64xi32, #tpu.memory_space<vmem>>) semaphore(%arg20 : memref<!tpu.dma_semaphore, #tpu.memory_space<semaphore_mem>>) {add = true}
    }
    %scan3A_29 = arith.constant 20 : i32
    %dma_wait3A = arith.constant 79 : i32
    %dma_wait3A_30 = arith.constant 0 : i32
    %dma_wait3A_31 = tpu.memref_slice %arg8[%dma_wait3A, %dma_wait3A_30] : memref<80x128xi32, #tpu.memory_space<vmem>> -> memref<1x64xi32, #tpu.memory_space<vmem>>
    %dma_wait3A_32 = tpu.memref_squeeze %dma_wait3A_31 : memref<1x64xi32, #tpu.memory_space<vmem>> -> memref<64xi32, #tpu.memory_space<vmem>>
    %dma_wait3A_33 = arith.constant 0 : i32
    %dma_wait3A_34 = arith.constant 0 : i32
    %dma_wait3A_35 = tpu.memref_slice %arg7[%dma_wait3A_33, %dma_wait3A_34] : memref<10064x128xf32, #tpu.memory_space<vmem_shared>> -> memref<10064x128xf32, #tpu.memory_space<vmem_shared>>
    tpu.wait_indirect_dma semaphore(%arg20 : memref<!tpu.dma_semaphore, #tpu.memory_space<semaphore_mem>>) src(%arg12 : memref<64x128xf32, #tpu.memory_space<vmem>>) dst(%dma_wait3A_35 : memref<10064x128xf32, #tpu.memory_space<vmem_shared>>)
    %mul3A_36 = arith.constant 160 : i32
    %mul3A_37 = arith.muli %add3A, %mul3A_36 : i32
    %add3A_38 = arith.constant 80 : i32
    %add3A_39 = arith.addi %mul3A_37, %add3A_38 : i32
    "tpu.region"() ({
      %run_scoped3A = tpu.sem_alloc : memref<!tpu.dma_semaphore, #tpu.memory_space<semaphore_mem>>
      %dma_start3A_80 = arith.constant 0 : i32
      %dma_start3A_81 = tpu.memref_slice %arg5[%add3A_39, %dma_start3A_80] : memref<5120x128xi32, #tpu.memory_space<hbm>> -> memref<80x128xi32, #tpu.memory_space<hbm>>
      %dma_start3A_82 = arith.constant 0 : i32
      %dma_start3A_83 = tpu.memref_slice %arg5[%add3A_39, %dma_start3A_82] : memref<5120x128xi32, #tpu.memory_space<hbm>> -> memref<80x128xi32, #tpu.memory_space<hbm>>
      tpu.enqueue_dma source(%dma_start3A_83 : memref<80x128xi32, #tpu.memory_space<hbm>>) target(%arg8 : memref<80x128xi32, #tpu.memory_space<vmem>>) target_semaphore(%run_scoped3A : memref<!tpu.dma_semaphore, #tpu.memory_space<semaphore_mem>>)
      %dma_wait3A_84 = arith.constant 0 : i32
      %dma_wait3A_85 = tpu.memref_slice %arg5[%add3A_39, %dma_wait3A_84] : memref<5120x128xi32, #tpu.memory_space<hbm>> -> memref<80x128xi32, #tpu.memory_space<hbm>>
      %dma_wait3A_86 = arith.constant 0 : i32
      %dma_wait3A_87 = tpu.memref_slice %arg5[%add3A_39, %dma_wait3A_86] : memref<5120x128xi32, #tpu.memory_space<hbm>> -> memref<80x128xi32, #tpu.memory_space<hbm>>
      tpu.wait_dma2 semaphore(%run_scoped3A : memref<!tpu.dma_semaphore, #tpu.memory_space<semaphore_mem>>) src(%dma_wait3A_87 : memref<80x128xi32, #tpu.memory_space<hbm>>) dst(%arg8 : memref<80x128xi32, #tpu.memory_space<vmem>>)
      tpu.yield
    }) : () -> ()
    %dma_start3A_40 = arith.constant 0 : i32
    %dma_start3A_41 = arith.constant 64 : i32
    %dma_start3A_42 = tpu.memref_slice %arg8[%dma_start3A_40, %dma_start3A_41] : memref<80x128xi32, #tpu.memory_space<vmem>> -> memref<1x64xi32, #tpu.memory_space<vmem>>
    %dma_start3A_43 = tpu.memref_squeeze %dma_start3A_42 : memref<1x64xi32, #tpu.memory_space<vmem>> -> memref<64xi32, #tpu.memory_space<vmem>>
    %dma_start3A_44 = arith.constant 0 : i32
    %dma_start3A_45 = arith.constant 0 : i32
    %dma_start3A_46 = tpu.memref_slice %arg2[%dma_start3A_44, %dma_start3A_45] : memref<10000x128xf32, #tpu.memory_space<hbm>> -> memref<10000x128xf32, #tpu.memory_space<hbm>>
    tpu.enqueue_indirect_dma source(%dma_start3A_46 : memref<10000x128xf32, #tpu.memory_space<hbm>>) target(%arg9 : memref<64x128xf32, #tpu.memory_space<vmem>>) offsets(%dma_start3A_43 : memref<64xi32, #tpu.memory_space<vmem>>) semaphore(%arg13 : memref<!tpu.dma_semaphore, #tpu.memory_space<semaphore_mem>>)
    %dma_start3A_47 = arith.constant 1 : i32
    %dma_start3A_48 = arith.constant 64 : i32
    %dma_start3A_49 = tpu.memref_slice %arg8[%dma_start3A_47, %dma_start3A_48] : memref<80x128xi32, #tpu.memory_space<vmem>> -> memref<1x64xi32, #tpu.memory_space<vmem>>
    %dma_start3A_50 = tpu.memref_squeeze %dma_start3A_49 : memref<1x64xi32, #tpu.memory_space<vmem>> -> memref<64xi32, #tpu.memory_space<vmem>>
    %dma_start3A_51 = arith.constant 0 : i32
    %dma_start3A_52 = arith.constant 0 : i32
    %dma_start3A_53 = tpu.memref_slice %arg2[%dma_start3A_51, %dma_start3A_52] : memref<10000x128xf32, #tpu.memory_space<hbm>> -> memref<10000x128xf32, #tpu.memory_space<hbm>>
    tpu.enqueue_indirect_dma source(%dma_start3A_53 : memref<10000x128xf32, #tpu.memory_space<hbm>>) target(%arg10 : memref<64x128xf32, #tpu.memory_space<vmem>>) offsets(%dma_start3A_50 : memref<64xi32, #tpu.memory_space<vmem>>) semaphore(%arg14 : memref<!tpu.dma_semaphore, #tpu.memory_space<semaphore_mem>>)
    %dma_start3A_54 = arith.constant 2 : i32
    %dma_start3A_55 = arith.constant 64 : i32
    %dma_start3A_56 = tpu.memref_slice %arg8[%dma_start3A_54, %dma_start3A_55] : memref<80x128xi32, #tpu.memory_space<vmem>> -> memref<1x64xi32, #tpu.memory_space<vmem>>
    %dma_start3A_57 = tpu.memref_squeeze %dma_start3A_56 : memref<1x64xi32, #tpu.memory_space<vmem>> -> memref<64xi32, #tpu.memory_space<vmem>>
    %dma_start3A_58 = arith.constant 0 : i32
    %dma_start3A_59 = arith.constant 0 : i32
    %dma_start3A_60 = tpu.memref_slice %arg2[%dma_start3A_58, %dma_start3A_59] : memref<10000x128xf32, #tpu.memory_space<hbm>> -> memref<10000x128xf32, #tpu.memory_space<hbm>>
    tpu.enqueue_indirect_dma source(%dma_start3A_60 : memref<10000x128xf32, #tpu.memory_space<hbm>>) target(%arg11 : memref<64x128xf32, #tpu.memory_space<vmem>>) offsets(%dma_start3A_57 : memref<64xi32, #tpu.memory_space<vmem>>) semaphore(%arg15 : memref<!tpu.dma_semaphore, #tpu.memory_space<semaphore_mem>>)
    %scan3A_61 = arith.constant 0 : i32
    %scan3A_62 = arith.constant 0 : i32
    %scan3A_63 = arith.constant 20 : i32
    %scan3A_64 = arith.addi %scan3A_62, %scan3A_63 : i32
    %scan3A_65 = arith.constant 1 : i32
    scf.for %scan3A_80 = %scan3A_62 to %scan3A_64 step %scan3A_65  : i32 {
      %mul3A_81 = arith.constant 4 : i32
      %mul3A_82 = arith.muli %mul3A_81, %scan3A_80 : i32
      %add3A_83 = arith.constant 0 : i32
      %add3A_84 = arith.addi %mul3A_82, %add3A_83 : i32
      %ge3A = arith.constant 1 : i32
      %ge3A_85 = arith.cmpi sge, %add3A_84, %ge3A : i32
      %convert_element_type3A_86 = arith.extui %ge3A_85 : i1 to i32
      %cond3A_87 = arith.constant 0 : i32
      %cond3A_88 = arith.cmpi ne, %convert_element_type3A_86, %cond3A_87 : i32
      scf.if %cond3A_88 {
        %sub3A = arith.constant 1 : i32
        %sub3A_192 = arith.subi %add3A_84, %sub3A : i32
        %dma_wait3A_193 = arith.constant 0 : i32
        %dma_wait3A_194 = tpu.memref_slice %arg8[%sub3A_192, %dma_wait3A_193] : memref<80x128xi32, #tpu.memory_space<vmem>> -> memref<1x64xi32, #tpu.memory_space<vmem>>
        %dma_wait3A_195 = tpu.memref_squeeze %dma_wait3A_194 : memref<1x64xi32, #tpu.memory_space<vmem>> -> memref<64xi32, #tpu.memory_space<vmem>>
        %dma_wait3A_196 = arith.constant 0 : i32
        %dma_wait3A_197 = arith.constant 0 : i32
        %dma_wait3A_198 = tpu.memref_slice %arg7[%dma_wait3A_196, %dma_wait3A_197] : memref<10064x128xf32, #tpu.memory_space<vmem_shared>> -> memref<10064x128xf32, #tpu.memory_space<vmem_shared>>
        tpu.wait_indirect_dma semaphore(%arg20 : memref<!tpu.dma_semaphore, #tpu.memory_space<semaphore_mem>>) src(%arg12 : memref<64x128xf32, #tpu.memory_space<vmem>>) dst(%dma_wait3A_198 : memref<10064x128xf32, #tpu.memory_space<vmem_shared>>)
      } else {
      }
      %add3A_89 = arith.constant 3 : i32
      %add3A_90 = arith.addi %add3A_84, %add3A_89 : i32
      %lt3A_91 = arith.constant 80 : i32
      %lt3A_92 = arith.cmpi slt, %add3A_90, %lt3A_91 : i32
      %convert_element_type3A_93 = arith.extui %lt3A_92 : i1 to i32
      %cond3A_94 = arith.constant 0 : i32
      %cond3A_95 = arith.cmpi ne, %convert_element_type3A_93, %cond3A_94 : i32
      scf.if %cond3A_95 {
        %add3A_192 = arith.constant 3 : i32
        %add3A_193 = arith.addi %add3A_84, %add3A_192 : i32
        %dma_start3A_194 = arith.constant 64 : i32
        %dma_start3A_195 = tpu.memref_slice %arg8[%add3A_193, %dma_start3A_194] : memref<80x128xi32, #tpu.memory_space<vmem>> -> memref<1x64xi32, #tpu.memory_space<vmem>>
        %dma_start3A_196 = tpu.memref_squeeze %dma_start3A_195 : memref<1x64xi32, #tpu.memory_space<vmem>> -> memref<64xi32, #tpu.memory_space<vmem>>
        %dma_start3A_197 = arith.constant 0 : i32
        %dma_start3A_198 = arith.constant 0 : i32
        %dma_start3A_199 = tpu.memref_slice %arg2[%dma_start3A_197, %dma_start3A_198] : memref<10000x128xf32, #tpu.memory_space<hbm>> -> memref<10000x128xf32, #tpu.memory_space<hbm>>
        tpu.enqueue_indirect_dma source(%dma_start3A_199 : memref<10000x128xf32, #tpu.memory_space<hbm>>) target(%arg12 : memref<64x128xf32, #tpu.memory_space<vmem>>) offsets(%dma_start3A_196 : memref<64xi32, #tpu.memory_space<vmem>>) semaphore(%arg16 : memref<!tpu.dma_semaphore, #tpu.memory_space<semaphore_mem>>)
      } else {
      }
      %dma_wait3A_96 = arith.constant 64 : i32
      %dma_wait3A_97 = tpu.memref_slice %arg8[%add3A_84, %dma_wait3A_96] : memref<80x128xi32, #tpu.memory_space<vmem>> -> memref<1x64xi32, #tpu.memory_space<vmem>>
      %dma_wait3A_98 = tpu.memref_squeeze %dma_wait3A_97 : memref<1x64xi32, #tpu.memory_space<vmem>> -> memref<64xi32, #tpu.memory_space<vmem>>
      %dma_wait3A_99 = arith.constant 0 : i32
      %dma_wait3A_100 = arith.constant 0 : i32
      %dma_wait3A_101 = tpu.memref_slice %arg2[%dma_wait3A_99, %dma_wait3A_100] : memref<10000x128xf32, #tpu.memory_space<hbm>> -> memref<10000x128xf32, #tpu.memory_space<hbm>>
      tpu.wait_indirect_dma semaphore(%arg13 : memref<!tpu.dma_semaphore, #tpu.memory_space<semaphore_mem>>) src(%dma_wait3A_101 : memref<10000x128xf32, #tpu.memory_space<hbm>>) dst(%arg9 : memref<64x128xf32, #tpu.memory_space<vmem>>)
      %dma_start3A_102 = arith.constant 0 : i32
      %dma_start3A_103 = tpu.memref_slice %arg8[%add3A_84, %dma_start3A_102] : memref<80x128xi32, #tpu.memory_space<vmem>> -> memref<1x64xi32, #tpu.memory_space<vmem>>
      %dma_start3A_104 = tpu.memref_squeeze %dma_start3A_103 : memref<1x64xi32, #tpu.memory_space<vmem>> -> memref<64xi32, #tpu.memory_space<vmem>>
      %dma_start3A_105 = arith.constant 0 : i32
      %dma_start3A_106 = arith.constant 0 : i32
      %dma_start3A_107 = tpu.memref_slice %arg7[%dma_start3A_105, %dma_start3A_106] : memref<10064x128xf32, #tpu.memory_space<vmem_shared>> -> memref<10064x128xf32, #tpu.memory_space<vmem_shared>>
      tpu.enqueue_indirect_dma source(%arg9 : memref<64x128xf32, #tpu.memory_space<vmem>>) target(%dma_start3A_107 : memref<10064x128xf32, #tpu.memory_space<vmem_shared>>) offsets(%dma_start3A_104 : memref<64xi32, #tpu.memory_space<vmem>>) semaphore(%arg17 : memref<!tpu.dma_semaphore, #tpu.memory_space<semaphore_mem>>) {add = true}
      %mul3A_108 = arith.constant 4 : i32
      %mul3A_109 = arith.muli %mul3A_108, %scan3A_80 : i32
      %add3A_110 = arith.constant 1 : i32
      %add3A_111 = arith.addi %mul3A_109, %add3A_110 : i32
      %ge3A_112 = arith.constant 1 : i32
      %ge3A_113 = arith.cmpi sge, %add3A_111, %ge3A_112 : i32
      %convert_element_type3A_114 = arith.extui %ge3A_113 : i1 to i32
      %cond3A_115 = arith.constant 0 : i32
      %cond3A_116 = arith.cmpi ne, %convert_element_type3A_114, %cond3A_115 : i32
      scf.if %cond3A_116 {
        %sub3A = arith.constant 1 : i32
        %sub3A_192 = arith.subi %add3A_111, %sub3A : i32
        %dma_wait3A_193 = arith.constant 0 : i32
        %dma_wait3A_194 = tpu.memref_slice %arg8[%sub3A_192, %dma_wait3A_193] : memref<80x128xi32, #tpu.memory_space<vmem>> -> memref<1x64xi32, #tpu.memory_space<vmem>>
        %dma_wait3A_195 = tpu.memref_squeeze %dma_wait3A_194 : memref<1x64xi32, #tpu.memory_space<vmem>> -> memref<64xi32, #tpu.memory_space<vmem>>
        %dma_wait3A_196 = arith.constant 0 : i32
        %dma_wait3A_197 = arith.constant 0 : i32
        %dma_wait3A_198 = tpu.memref_slice %arg7[%dma_wait3A_196, %dma_wait3A_197] : memref<10064x128xf32, #tpu.memory_space<vmem_shared>> -> memref<10064x128xf32, #tpu.memory_space<vmem_shared>>
        tpu.wait_indirect_dma semaphore(%arg17 : memref<!tpu.dma_semaphore, #tpu.memory_space<semaphore_mem>>) src(%arg9 : memref<64x128xf32, #tpu.memory_space<vmem>>) dst(%dma_wait3A_198 : memref<10064x128xf32, #tpu.memory_space<vmem_shared>>)
      } else {
      }
      %add3A_117 = arith.constant 3 : i32
      %add3A_118 = arith.addi %add3A_111, %add3A_117 : i32
      %lt3A_119 = arith.constant 80 : i32
      %lt3A_120 = arith.cmpi slt, %add3A_118, %lt3A_119 : i32
      %convert_element_type3A_121 = arith.extui %lt3A_120 : i1 to i32
      %cond3A_122 = arith.constant 0 : i32
      %cond3A_123 = arith.cmpi ne, %convert_element_type3A_121, %cond3A_122 : i32
      scf.if %cond3A_123 {
        %add3A_192 = arith.constant 3 : i32
        %add3A_193 = arith.addi %add3A_111, %add3A_192 : i32
        %dma_start3A_194 = arith.constant 64 : i32
        %dma_start3A_195 = tpu.memref_slice %arg8[%add3A_193, %dma_start3A_194] : memref<80x128xi32, #tpu.memory_space<vmem>> -> memref<1x64xi32, #tpu.memory_space<vmem>>
        %dma_start3A_196 = tpu.memref_squeeze %dma_start3A_195 : memref<1x64xi32, #tpu.memory_space<vmem>> -> memref<64xi32, #tpu.memory_space<vmem>>
        %dma_start3A_197 = arith.constant 0 : i32
        %dma_start3A_198 = arith.constant 0 : i32
        %dma_start3A_199 = tpu.memref_slice %arg2[%dma_start3A_197, %dma_start3A_198] : memref<10000x128xf32, #tpu.memory_space<hbm>> -> memref<10000x128xf32, #tpu.memory_space<hbm>>
        tpu.enqueue_indirect_dma source(%dma_start3A_199 : memref<10000x128xf32, #tpu.memory_space<hbm>>) target(%arg9 : memref<64x128xf32, #tpu.memory_space<vmem>>) offsets(%dma_start3A_196 : memref<64xi32, #tpu.memory_space<vmem>>) semaphore(%arg13 : memref<!tpu.dma_semaphore, #tpu.memory_space<semaphore_mem>>)
      } else {
      }
      %dma_wait3A_124 = arith.constant 64 : i32
      %dma_wait3A_125 = tpu.memref_slice %arg8[%add3A_111, %dma_wait3A_124] : memref<80x128xi32, #tpu.memory_space<vmem>> -> memref<1x64xi32, #tpu.memory_space<vmem>>
      %dma_wait3A_126 = tpu.memref_squeeze %dma_wait3A_125 : memref<1x64xi32, #tpu.memory_space<vmem>> -> memref<64xi32, #tpu.memory_space<vmem>>
      %dma_wait3A_127 = arith.constant 0 : i32
      %dma_wait3A_128 = arith.constant 0 : i32
      %dma_wait3A_129 = tpu.memref_slice %arg2[%dma_wait3A_127, %dma_wait3A_128] : memref<10000x128xf32, #tpu.memory_space<hbm>> -> memref<10000x128xf32, #tpu.memory_space<hbm>>
      tpu.wait_indirect_dma semaphore(%arg14 : memref<!tpu.dma_semaphore, #tpu.memory_space<semaphore_mem>>) src(%dma_wait3A_129 : memref<10000x128xf32, #tpu.memory_space<hbm>>) dst(%arg10 : memref<64x128xf32, #tpu.memory_space<vmem>>)
      %dma_start3A_130 = arith.constant 0 : i32
      %dma_start3A_131 = tpu.memref_slice %arg8[%add3A_111, %dma_start3A_130] : memref<80x128xi32, #tpu.memory_space<vmem>> -> memref<1x64xi32, #tpu.memory_space<vmem>>
      %dma_start3A_132 = tpu.memref_squeeze %dma_start3A_131 : memref<1x64xi32, #tpu.memory_space<vmem>> -> memref<64xi32, #tpu.memory_space<vmem>>
      %dma_start3A_133 = arith.constant 0 : i32
      %dma_start3A_134 = arith.constant 0 : i32
      %dma_start3A_135 = tpu.memref_slice %arg7[%dma_start3A_133, %dma_start3A_134] : memref<10064x128xf32, #tpu.memory_space<vmem_shared>> -> memref<10064x128xf32, #tpu.memory_space<vmem_shared>>
      tpu.enqueue_indirect_dma source(%arg10 : memref<64x128xf32, #tpu.memory_space<vmem>>) target(%dma_start3A_135 : memref<10064x128xf32, #tpu.memory_space<vmem_shared>>) offsets(%dma_start3A_132 : memref<64xi32, #tpu.memory_space<vmem>>) semaphore(%arg18 : memref<!tpu.dma_semaphore, #tpu.memory_space<semaphore_mem>>) {add = true}
      %mul3A_136 = arith.constant 4 : i32
      %mul3A_137 = arith.muli %mul3A_136, %scan3A_80 : i32
      %add3A_138 = arith.constant 2 : i32
      %add3A_139 = arith.addi %mul3A_137, %add3A_138 : i32
      %ge3A_140 = arith.constant 1 : i32
      %ge3A_141 = arith.cmpi sge, %add3A_139, %ge3A_140 : i32
      %convert_element_type3A_142 = arith.extui %ge3A_141 : i1 to i32
      %cond3A_143 = arith.constant 0 : i32
      %cond3A_144 = arith.cmpi ne, %convert_element_type3A_142, %cond3A_143 : i32
      scf.if %cond3A_144 {
        %sub3A = arith.constant 1 : i32
        %sub3A_192 = arith.subi %add3A_139, %sub3A : i32
        %dma_wait3A_193 = arith.constant 0 : i32
        %dma_wait3A_194 = tpu.memref_slice %arg8[%sub3A_192, %dma_wait3A_193] : memref<80x128xi32, #tpu.memory_space<vmem>> -> memref<1x64xi32, #tpu.memory_space<vmem>>
        %dma_wait3A_195 = tpu.memref_squeeze %dma_wait3A_194 : memref<1x64xi32, #tpu.memory_space<vmem>> -> memref<64xi32, #tpu.memory_space<vmem>>
        %dma_wait3A_196 = arith.constant 0 : i32
        %dma_wait3A_197 = arith.constant 0 : i32
        %dma_wait3A_198 = tpu.memref_slice %arg7[%dma_wait3A_196, %dma_wait3A_197] : memref<10064x128xf32, #tpu.memory_space<vmem_shared>> -> memref<10064x128xf32, #tpu.memory_space<vmem_shared>>
        tpu.wait_indirect_dma semaphore(%arg18 : memref<!tpu.dma_semaphore, #tpu.memory_space<semaphore_mem>>) src(%arg10 : memref<64x128xf32, #tpu.memory_space<vmem>>) dst(%dma_wait3A_198 : memref<10064x128xf32, #tpu.memory_space<vmem_shared>>)
      } else {
      }
      %add3A_145 = arith.constant 3 : i32
      %add3A_146 = arith.addi %add3A_139, %add3A_145 : i32
      %lt3A_147 = arith.constant 80 : i32
      %lt3A_148 = arith.cmpi slt, %add3A_146, %lt3A_147 : i32
      %convert_element_type3A_149 = arith.extui %lt3A_148 : i1 to i32
      %cond3A_150 = arith.constant 0 : i32
      %cond3A_151 = arith.cmpi ne, %convert_element_type3A_149, %cond3A_150 : i32
      scf.if %cond3A_151 {
        %add3A_192 = arith.constant 3 : i32
        %add3A_193 = arith.addi %add3A_139, %add3A_192 : i32
        %dma_start3A_194 = arith.constant 64 : i32
        %dma_start3A_195 = tpu.memref_slice %arg8[%add3A_193, %dma_start3A_194] : memref<80x128xi32, #tpu.memory_space<vmem>> -> memref<1x64xi32, #tpu.memory_space<vmem>>
        %dma_start3A_196 = tpu.memref_squeeze %dma_start3A_195 : memref<1x64xi32, #tpu.memory_space<vmem>> -> memref<64xi32, #tpu.memory_space<vmem>>
        %dma_start3A_197 = arith.constant 0 : i32
        %dma_start3A_198 = arith.constant 0 : i32
        %dma_start3A_199 = tpu.memref_slice %arg2[%dma_start3A_197, %dma_start3A_198] : memref<10000x128xf32, #tpu.memory_space<hbm>> -> memref<10000x128xf32, #tpu.memory_space<hbm>>
        tpu.enqueue_indirect_dma source(%dma_start3A_199 : memref<10000x128xf32, #tpu.memory_space<hbm>>) target(%arg10 : memref<64x128xf32, #tpu.memory_space<vmem>>) offsets(%dma_start3A_196 : memref<64xi32, #tpu.memory_space<vmem>>) semaphore(%arg14 : memref<!tpu.dma_semaphore, #tpu.memory_space<semaphore_mem>>)
      } else {
      }
      %dma_wait3A_152 = arith.constant 64 : i32
      %dma_wait3A_153 = tpu.memref_slice %arg8[%add3A_139, %dma_wait3A_152] : memref<80x128xi32, #tpu.memory_space<vmem>> -> memref<1x64xi32, #tpu.memory_space<vmem>>
      %dma_wait3A_154 = tpu.memref_squeeze %dma_wait3A_153 : memref<1x64xi32, #tpu.memory_space<vmem>> -> memref<64xi32, #tpu.memory_space<vmem>>
      %dma_wait3A_155 = arith.constant 0 : i32
      %dma_wait3A_156 = arith.constant 0 : i32
      %dma_wait3A_157 = tpu.memref_slice %arg2[%dma_wait3A_155, %dma_wait3A_156] : memref<10000x128xf32, #tpu.memory_space<hbm>> -> memref<10000x128xf32, #tpu.memory_space<hbm>>
      tpu.wait_indirect_dma semaphore(%arg15 : memref<!tpu.dma_semaphore, #tpu.memory_space<semaphore_mem>>) src(%dma_wait3A_157 : memref<10000x128xf32, #tpu.memory_space<hbm>>) dst(%arg11 : memref<64x128xf32, #tpu.memory_space<vmem>>)
      %dma_start3A_158 = arith.constant 0 : i32
      %dma_start3A_159 = tpu.memref_slice %arg8[%add3A_139, %dma_start3A_158] : memref<80x128xi32, #tpu.memory_space<vmem>> -> memref<1x64xi32, #tpu.memory_space<vmem>>
      %dma_start3A_160 = tpu.memref_squeeze %dma_start3A_159 : memref<1x64xi32, #tpu.memory_space<vmem>> -> memref<64xi32, #tpu.memory_space<vmem>>
      %dma_start3A_161 = arith.constant 0 : i32
      %dma_start3A_162 = arith.constant 0 : i32
      %dma_start3A_163 = tpu.memref_slice %arg7[%dma_start3A_161, %dma_start3A_162] : memref<10064x128xf32, #tpu.memory_space<vmem_shared>> -> memref<10064x128xf32, #tpu.memory_space<vmem_shared>>
      tpu.enqueue_indirect_dma source(%arg11 : memref<64x128xf32, #tpu.memory_space<vmem>>) target(%dma_start3A_163 : memref<10064x128xf32, #tpu.memory_space<vmem_shared>>) offsets(%dma_start3A_160 : memref<64xi32, #tpu.memory_space<vmem>>) semaphore(%arg19 : memref<!tpu.dma_semaphore, #tpu.memory_space<semaphore_mem>>) {add = true}
      %mul3A_164 = arith.constant 4 : i32
      %mul3A_165 = arith.muli %mul3A_164, %scan3A_80 : i32
      %add3A_166 = arith.constant 3 : i32
      %add3A_167 = arith.addi %mul3A_165, %add3A_166 : i32
      %ge3A_168 = arith.constant 1 : i32
      %ge3A_169 = arith.cmpi sge, %add3A_167, %ge3A_168 : i32
      %convert_element_type3A_170 = arith.extui %ge3A_169 : i1 to i32
      %cond3A_171 = arith.constant 0 : i32
      %cond3A_172 = arith.cmpi ne, %convert_element_type3A_170, %cond3A_171 : i32
      scf.if %cond3A_172 {
        %sub3A = arith.constant 1 : i32
        %sub3A_192 = arith.subi %add3A_167, %sub3A : i32
        %dma_wait3A_193 = arith.constant 0 : i32
        %dma_wait3A_194 = tpu.memref_slice %arg8[%sub3A_192, %dma_wait3A_193] : memref<80x128xi32, #tpu.memory_space<vmem>> -> memref<1x64xi32, #tpu.memory_space<vmem>>
        %dma_wait3A_195 = tpu.memref_squeeze %dma_wait3A_194 : memref<1x64xi32, #tpu.memory_space<vmem>> -> memref<64xi32, #tpu.memory_space<vmem>>
        %dma_wait3A_196 = arith.constant 0 : i32
        %dma_wait3A_197 = arith.constant 0 : i32
        %dma_wait3A_198 = tpu.memref_slice %arg7[%dma_wait3A_196, %dma_wait3A_197] : memref<10064x128xf32, #tpu.memory_space<vmem_shared>> -> memref<10064x128xf32, #tpu.memory_space<vmem_shared>>
        tpu.wait_indirect_dma semaphore(%arg19 : memref<!tpu.dma_semaphore, #tpu.memory_space<semaphore_mem>>) src(%arg11 : memref<64x128xf32, #tpu.memory_space<vmem>>) dst(%dma_wait3A_198 : memref<10064x128xf32, #tpu.memory_space<vmem_shared>>)
      } else {
      }
      %add3A_173 = arith.constant 3 : i32
      %add3A_174 = arith.addi %add3A_167, %add3A_173 : i32
      %lt3A_175 = arith.constant 80 : i32
      %lt3A_176 = arith.cmpi slt, %add3A_174, %lt3A_175 : i32
      %convert_element_type3A_177 = arith.extui %lt3A_176 : i1 to i32
      %cond3A_178 = arith.constant 0 : i32
      %cond3A_179 = arith.cmpi ne, %convert_element_type3A_177, %cond3A_178 : i32
      scf.if %cond3A_179 {
        %add3A_192 = arith.constant 3 : i32
        %add3A_193 = arith.addi %add3A_167, %add3A_192 : i32
        %dma_start3A_194 = arith.constant 64 : i32
        %dma_start3A_195 = tpu.memref_slice %arg8[%add3A_193, %dma_start3A_194] : memref<80x128xi32, #tpu.memory_space<vmem>> -> memref<1x64xi32, #tpu.memory_space<vmem>>
        %dma_start3A_196 = tpu.memref_squeeze %dma_start3A_195 : memref<1x64xi32, #tpu.memory_space<vmem>> -> memref<64xi32, #tpu.memory_space<vmem>>
        %dma_start3A_197 = arith.constant 0 : i32
        %dma_start3A_198 = arith.constant 0 : i32
        %dma_start3A_199 = tpu.memref_slice %arg2[%dma_start3A_197, %dma_start3A_198] : memref<10000x128xf32, #tpu.memory_space<hbm>> -> memref<10000x128xf32, #tpu.memory_space<hbm>>
        tpu.enqueue_indirect_dma source(%dma_start3A_199 : memref<10000x128xf32, #tpu.memory_space<hbm>>) target(%arg11 : memref<64x128xf32, #tpu.memory_space<vmem>>) offsets(%dma_start3A_196 : memref<64xi32, #tpu.memory_space<vmem>>) semaphore(%arg15 : memref<!tpu.dma_semaphore, #tpu.memory_space<semaphore_mem>>)
      } else {
      }
      %dma_wait3A_180 = arith.constant 64 : i32
      %dma_wait3A_181 = tpu.memref_slice %arg8[%add3A_167, %dma_wait3A_180] : memref<80x128xi32, #tpu.memory_space<vmem>> -> memref<1x64xi32, #tpu.memory_space<vmem>>
      %dma_wait3A_182 = tpu.memref_squeeze %dma_wait3A_181 : memref<1x64xi32, #tpu.memory_space<vmem>> -> memref<64xi32, #tpu.memory_space<vmem>>
      %dma_wait3A_183 = arith.constant 0 : i32
      %dma_wait3A_184 = arith.constant 0 : i32
      %dma_wait3A_185 = tpu.memref_slice %arg2[%dma_wait3A_183, %dma_wait3A_184] : memref<10000x128xf32, #tpu.memory_space<hbm>> -> memref<10000x128xf32, #tpu.memory_space<hbm>>
      tpu.wait_indirect_dma semaphore(%arg16 : memref<!tpu.dma_semaphore, #tpu.memory_space<semaphore_mem>>) src(%dma_wait3A_185 : memref<10000x128xf32, #tpu.memory_space<hbm>>) dst(%arg12 : memref<64x128xf32, #tpu.memory_space<vmem>>)
      %dma_start3A_186 = arith.constant 0 : i32
      %dma_start3A_187 = tpu.memref_slice %arg8[%add3A_167, %dma_start3A_186] : memref<80x128xi32, #tpu.memory_space<vmem>> -> memref<1x64xi32, #tpu.memory_space<vmem>>
      %dma_start3A_188 = tpu.memref_squeeze %dma_start3A_187 : memref<1x64xi32, #tpu.memory_space<vmem>> -> memref<64xi32, #tpu.memory_space<vmem>>
      %dma_start3A_189 = arith.constant 0 : i32
      %dma_start3A_190 = arith.constant 0 : i32
      %dma_start3A_191 = tpu.memref_slice %arg7[%dma_start3A_189, %dma_start3A_190] : memref<10064x128xf32, #tpu.memory_space<vmem_shared>> -> memref<10064x128xf32, #tpu.memory_space<vmem_shared>>
      tpu.enqueue_indirect_dma source(%arg12 : memref<64x128xf32, #tpu.memory_space<vmem>>) target(%dma_start3A_191 : memref<10064x128xf32, #tpu.memory_space<vmem_shared>>) offsets(%dma_start3A_188 : memref<64xi32, #tpu.memory_space<vmem>>) semaphore(%arg20 : memref<!tpu.dma_semaphore, #tpu.memory_space<semaphore_mem>>) {add = true}
    }
    %scan3A_66 = arith.constant 20 : i32
    %dma_wait3A_67 = arith.constant 79 : i32
    %dma_wait3A_68 = arith.constant 0 : i32
    %dma_wait3A_69 = tpu.memref_slice %arg8[%dma_wait3A_67, %dma_wait3A_68] : memref<80x128xi32, #tpu.memory_space<vmem>> -> memref<1x64xi32, #tpu.memory_space<vmem>>
    %dma_wait3A_70 = tpu.memref_squeeze %dma_wait3A_69 : memref<1x64xi32, #tpu.memory_space<vmem>> -> memref<64xi32, #tpu.memory_space<vmem>>
    %dma_wait3A_71 = arith.constant 0 : i32
    %dma_wait3A_72 = arith.constant 0 : i32
    %dma_wait3A_73 = tpu.memref_slice %arg7[%dma_wait3A_71, %dma_wait3A_72] : memref<10064x128xf32, #tpu.memory_space<vmem_shared>> -> memref<10064x128xf32, #tpu.memory_space<vmem_shared>>
    tpu.wait_indirect_dma semaphore(%arg20 : memref<!tpu.dma_semaphore, #tpu.memory_space<semaphore_mem>>) src(%arg12 : memref<64x128xf32, #tpu.memory_space<vmem>>) dst(%dma_wait3A_73 : memref<10064x128xf32, #tpu.memory_space<vmem_shared>>)
    %barrier3A_74 = arith.constant 0 : index
    tpu.barrier barrier_id(%barrier3A_74)
    %lt3A_75 = arith.constant 10 : i32
    %lt3A_76 = arith.cmpi slt, %arg1, %lt3A_75 : i32
    %convert_element_type3A_77 = arith.extui %lt3A_76 : i1 to i32
    %cond3A_78 = arith.constant 0 : i32
    %cond3A_79 = arith.cmpi ne, %convert_element_type3A_77, %cond3A_78 : i32
    scf.if %cond3A_79 {
      %mul3A_80 = arith.constant 10000 : i32
      %mul3A_81 = arith.muli %arg0, %mul3A_80 : i32
      %mul3A_82 = arith.constant 1000 : i32
      %mul3A_83 = arith.muli %arg1, %mul3A_82 : i32
      %add3A_84 = arith.addi %mul3A_81, %mul3A_83 : i32
      %mul3A_85 = arith.constant 1000 : i32
      %mul3A_86 = arith.muli %arg1, %mul3A_85 : i32
      "tpu.region"() ({
        %run_scoped3A = tpu.sem_alloc : memref<!tpu.dma_semaphore, #tpu.memory_space<semaphore_mem>>
        %dma_start3A_87 = arith.constant 0 : i32
        %dma_start3A_88 = tpu.memref_slice %arg6[%add3A_84, %dma_start3A_87] : memref<20000x128xf32, #tpu.memory_space<hbm>> -> memref<1000x128xf32, #tpu.memory_space<hbm>>
        %dma_start3A_89 = arith.constant 0 : i32
        %dma_start3A_90 = tpu.memref_slice %arg7[%mul3A_86, %dma_start3A_89] : memref<10064x128xf32, #tpu.memory_space<vmem_shared>> -> memref<1000x128xf32, #tpu.memory_space<vmem_shared>>
        tpu.enqueue_dma source(%dma_start3A_90 : memref<1000x128xf32, #tpu.memory_space<vmem_shared>>) target(%dma_start3A_88 : memref<1000x128xf32, #tpu.memory_space<hbm>>) target_semaphore(%run_scoped3A : memref<!tpu.dma_semaphore, #tpu.memory_space<semaphore_mem>>)
        %dma_wait3A_91 = arith.constant 0 : i32
        %dma_wait3A_92 = tpu.memref_slice %arg6[%add3A_84, %dma_wait3A_91] : memref<20000x128xf32, #tpu.memory_space<hbm>> -> memref<1000x128xf32, #tpu.memory_space<hbm>>
        %dma_wait3A_93 = arith.constant 0 : i32
        %dma_wait3A_94 = tpu.memref_slice %arg7[%mul3A_86, %dma_wait3A_93] : memref<10064x128xf32, #tpu.memory_space<vmem_shared>> -> memref<1000x128xf32, #tpu.memory_space<vmem_shared>>
        tpu.wait_dma2 semaphore(%run_scoped3A : memref<!tpu.dma_semaphore, #tpu.memory_space<semaphore_mem>>) src(%dma_wait3A_94 : memref<1000x128xf32, #tpu.memory_space<vmem_shared>>) dst(%dma_wait3A_92 : memref<1000x128xf32, #tpu.memory_space<hbm>>)
        tpu.yield
      }) : () -> ()
    } else {
    }
    return
  }
}

module attributes {stable_mosaic.version = 14 : i64} {
  func.func @_tc_pre_body(%arg0: i32, %arg1: memref<5000x128xf32, #tpu.memory_space<vmem>>, %arg2: memref<128x128xf32, #tpu.memory_space<vmem>>, %arg3: memref<128x128xf32, #tpu.memory_space<vmem>>, %arg4: memref<1x128xf32, #tpu.memory_space<vmem>>, %arg5: memref<5000x128xf32, #tpu.memory_space<vmem>>, %arg6: memref<5000x128xf32, #tpu.memory_space<vmem>>) attributes {dimension_semantics = [#tpu.dimension_semantics<arbitrary>], iteration_bounds = array<i64: 2>, scalar_prefetch = 0 : i64, scratch_operands = 0 : i64, tpu.core_type = #tpu.core_type<tc>, window_params = [{transform_indices = @transform_0, window_bounds = array<i64: 5000, 128>}, {pipeline_mode = #tpu.pipeline_mode<synchronous>, transform_indices = @transform_1, window_bounds = array<i64: 128, 128>}, {pipeline_mode = #tpu.pipeline_mode<synchronous>, transform_indices = @transform_2, window_bounds = array<i64: 128, 128>}, {pipeline_mode = #tpu.pipeline_mode<synchronous>, transform_indices = @transform_3, window_bounds = array<i64: 1, 128>}, {transform_indices = @transform_4, window_bounds = array<i64: 5000, 128>}, {transform_indices = @transform_5, window_bounds = array<i64: 5000, 128>}]} {
    %get3A = arith.constant 0 : index
    %get3A_0 = arith.constant 0 : index
    %get3A_1 = vector.load %arg1[%get3A, %get3A_0] : memref<5000x128xf32, #tpu.memory_space<vmem>>, vector<5000x128xf32>
    %get3A_2 = arith.constant 0 : index
    %get3A_3 = arith.constant 0 : index
    %get3A_4 = vector.load %arg2[%get3A_2, %get3A_3] : memref<128x128xf32, #tpu.memory_space<vmem>>, vector<128x128xf32>
    %dot_general3A = arith.constant dense<0.000000e+00> : vector<5000x128xf32>
    %dot_general3A_5 = tpu.matmul %get3A_1, %get3A_4, %dot_general3A {dimension_numbers = #tpu.dot_dimension_numbers<[1], [0], [0], [1], [0, 0, 1, 1], [], []>, transpose_lhs_hint = false} : vector<5000x128xf32>, vector<128x128xf32>, vector<5000x128xf32> -> vector<5000x128xf32>
    %swap3A = arith.constant 0 : index
    %swap3A_6 = arith.constant 0 : index
    %swap3A_7 = vector.load %arg5[%swap3A, %swap3A_6] : memref<5000x128xf32, #tpu.memory_space<vmem>>, vector<5000x128xf32>
    tpu.vector_store %arg5[%swap3A, %swap3A_6], %dot_general3A_5 {strides = array<i32>} : memref<5000x128xf32, #tpu.memory_space<vmem>>, vector<5000x128xf32>,
    %get3A_8 = arith.constant 0 : index
    %get3A_9 = arith.constant 0 : index
    %get3A_10 = vector.load %arg3[%get3A_8, %get3A_9] : memref<128x128xf32, #tpu.memory_space<vmem>>, vector<128x128xf32>
    %dot_general3A_11 = arith.constant dense<0.000000e+00> : vector<5000x128xf32>
    %dot_general3A_12 = tpu.matmul %get3A_1, %get3A_10, %dot_general3A_11 {dimension_numbers = #tpu.dot_dimension_numbers<[1], [0], [0], [1], [0, 0, 1, 1], [], []>, transpose_lhs_hint = false} : vector<5000x128xf32>, vector<128x128xf32>, vector<5000x128xf32> -> vector<5000x128xf32>
    %get3A_13 = arith.constant 0 : index
    %get3A_14 = arith.constant 0 : index
    %get3A_15 = vector.load %arg4[%get3A_13, %get3A_14] : memref<1x128xf32, #tpu.memory_space<vmem>>, vector<1x128xf32>
    %add3A = vector.broadcast %get3A_15 : vector<1x128xf32> to vector<5000x128xf32>
    %add3A_16 = arith.addf %dot_general3A_12, %add3A : vector<5000x128xf32>
    %swap3A_17 = arith.constant 0 : index
    %swap3A_18 = arith.constant 0 : index
    %swap3A_19 = vector.load %arg6[%swap3A_17, %swap3A_18] : memref<5000x128xf32, #tpu.memory_space<vmem>>, vector<5000x128xf32>
    tpu.vector_store %arg6[%swap3A_17, %swap3A_18], %add3A_16 {strides = array<i32>} : memref<5000x128xf32, #tpu.memory_space<vmem>>, vector<5000x128xf32>,
    return
  }
  func.func @transform_0(%arg0: i32) -> (i32, i32) {
    %c0_i32 = arith.constant 0 : i32
    %c0_i32_0 = arith.constant 0 : i32
    return %arg0, %c0_i32 : i32, i32
  }
  func.func @transform_1(%arg0: i32) -> (i32, i32) {
    %c0_i32 = arith.constant 0 : i32
    %c0_i32_0 = arith.constant 0 : i32
    %c0_i32_1 = arith.constant 0 : i32
    return %c0_i32, %c0_i32_0 : i32, i32
  }
  func.func @transform_2(%arg0: i32) -> (i32, i32) {
    %c0_i32 = arith.constant 0 : i32
    %c0_i32_0 = arith.constant 0 : i32
    %c0_i32_1 = arith.constant 0 : i32
    return %c0_i32, %c0_i32_0 : i32, i32
  }
  func.func @transform_3(%arg0: i32) -> (i32, i32) {
    %c0_i32 = arith.constant 0 : i32
    %c0_i32_0 = arith.constant 0 : i32
    %c0_i32_1 = arith.constant 0 : i32
    return %c0_i32, %c0_i32_0 : i32, i32
  }
  func.func @transform_4(%arg0: i32) -> (i32, i32) {
    %c0_i32 = arith.constant 0 : i32
    %c0_i32_0 = arith.constant 0 : i32
    return %arg0, %c0_i32 : i32, i32
  }
  func.func @transform_5(%arg0: i32) -> (i32, i32) {
    %c0_i32 = arith.constant 0 : i32
    %c0_i32_0 = arith.constant 0 : i32
    return %arg0, %c0_i32 : i32, i32
  }
}

module attributes {stable_mosaic.version = 14 : i64} {
  func.func @_tc_mid_body(%arg0: i32, %arg1: memref<5000x128xf32, #tpu.memory_space<vmem>>, %arg2: memref<5000x128xf32, #tpu.memory_space<vmem>>, %arg3: memref<1x1x5000xf32, #tpu.memory_space<vmem>>, %arg4: memref<1x1x5000xf32, #tpu.memory_space<vmem>>, %arg5: memref<5000x128xf32, #tpu.memory_space<vmem>>, %arg6: memref<128x128xf32, #tpu.memory_space<vmem>>, %arg7: memref<128x128xf32, #tpu.memory_space<vmem>>, %arg8: memref<1x128xf32, #tpu.memory_space<vmem>>, %arg9: memref<5000x128xf32, #tpu.memory_space<vmem>>, %arg10: memref<5000x128xf32, #tpu.memory_space<vmem>>) attributes {dimension_semantics = [#tpu.dimension_semantics<arbitrary>], iteration_bounds = array<i64: 2>, scalar_prefetch = 0 : i64, scratch_operands = 0 : i64, tpu.core_type = #tpu.core_type<tc>, window_params = [{transform_indices = @transform_0, window_bounds = array<i64: 5000, 128>}, {transform_indices = @transform_1, window_bounds = array<i64: 5000, 128>}, {transform_indices = @transform_2, window_bounds = array<i64: 1, 1, 5000>}, {transform_indices = @transform_3, window_bounds = array<i64: 1, 1, 5000>}, {transform_indices = @transform_4, window_bounds = array<i64: 5000, 128>}, {pipeline_mode = #tpu.pipeline_mode<synchronous>, transform_indices = @transform_5, window_bounds = array<i64: 128, 128>}, {pipeline_mode = #tpu.pipeline_mode<synchronous>, transform_indices = @transform_6, window_bounds = array<i64: 128, 128>}, {pipeline_mode = #tpu.pipeline_mode<synchronous>, transform_indices = @transform_7, window_bounds = array<i64: 1, 128>}, {transform_indices = @transform_8, window_bounds = array<i64: 5000, 128>}, {transform_indices = @transform_9, window_bounds = array<i64: 5000, 128>}]} {
    %get3A = arith.constant 0 : index
    %get3A_0 = arith.constant 0 : index
    %get3A_1 = vector.load %arg1[%get3A, %get3A_0] : memref<5000x128xf32, #tpu.memory_space<vmem>>, vector<5000x128xf32>
    %get3A_2 = arith.constant 0 : index
    %get3A_3 = arith.constant 0 : index
    %get3A_4 = vector.load %arg2[%get3A_2, %get3A_3] : memref<5000x128xf32, #tpu.memory_space<vmem>>, vector<5000x128xf32>
    %add3A = arith.addf %get3A_1, %get3A_4 : vector<5000x128xf32>
    %get3A_5 = arith.constant 0 : index
    %get3A_6 = arith.constant 0 : index
    %get3A_7 = arith.constant 0 : index
    %get3A_8 = vector.load %arg3[%get3A_5, %get3A_6, %get3A_7] : memref<1x1x5000xf32, #tpu.memory_space<vmem>>, vector<1x1x5000xf32>
    %get3A_9 = vector.shape_cast %get3A_8 : vector<1x1x5000xf32> to vector<5000xf32>
    %get3A_10 = arith.constant 0 : index
    %get3A_11 = arith.constant 0 : index
    %get3A_12 = arith.constant 0 : index
    %get3A_13 = vector.load %arg4[%get3A_10, %get3A_11, %get3A_12] : memref<1x1x5000xf32, #tpu.memory_space<vmem>>, vector<1x1x5000xf32>
    %get3A_14 = vector.shape_cast %get3A_13 : vector<1x1x5000xf32> to vector<5000xf32>
    %add3A_15 = arith.addf %get3A_9, %get3A_14 : vector<5000xf32>
    %max3A = arith.constant 1.000000e+00 : f32
    %max3A_16 = vector.broadcast %max3A : f32 to vector<5000xf32>
    %max3A_17 = arith.maximumf %add3A_15, %max3A_16 : vector<5000xf32>
    %reshape3A = vector.shape_cast %max3A_17 : vector<5000xf32> to vector<5000x1xf32>
    %div3A = vector.broadcast %reshape3A : vector<5000x1xf32> to vector<5000x128xf32>
    %div3A_18 = arith.divf %add3A, %div3A : vector<5000x128xf32>
    %get3A_19 = arith.constant 0 : index
    %get3A_20 = arith.constant 0 : index
    %get3A_21 = vector.load %arg5[%get3A_19, %get3A_20] : memref<5000x128xf32, #tpu.memory_space<vmem>>, vector<5000x128xf32>
    %add3A_22 = arith.addf %div3A_18, %get3A_21 : vector<5000x128xf32>
    %max3A_23 = arith.constant 0.000000e+00 : f32
    %max3A_24 = vector.broadcast %max3A_23 : f32 to vector<5000x128xf32>
    %max3A_25 = arith.maximumf %add3A_22, %max3A_24 : vector<5000x128xf32>
    %get3A_26 = arith.constant 0 : index
    %get3A_27 = arith.constant 0 : index
    %get3A_28 = vector.load %arg6[%get3A_26, %get3A_27] : memref<128x128xf32, #tpu.memory_space<vmem>>, vector<128x128xf32>
    %dot_general3A = arith.constant dense<0.000000e+00> : vector<5000x128xf32>
    %dot_general3A_29 = tpu.matmul %max3A_25, %get3A_28, %dot_general3A {dimension_numbers = #tpu.dot_dimension_numbers<[1], [0], [0], [1], [0, 0, 1, 1], [], []>, transpose_lhs_hint = false} : vector<5000x128xf32>, vector<128x128xf32>, vector<5000x128xf32> -> vector<5000x128xf32>
    %swap3A = arith.constant 0 : index
    %swap3A_30 = arith.constant 0 : index
    %swap3A_31 = vector.load %arg9[%swap3A, %swap3A_30] : memref<5000x128xf32, #tpu.memory_space<vmem>>, vector<5000x128xf32>
    tpu.vector_store %arg9[%swap3A, %swap3A_30], %dot_general3A_29 {strides = array<i32>} : memref<5000x128xf32, #tpu.memory_space<vmem>>, vector<5000x128xf32>,
    %get3A_32 = arith.constant 0 : index
    %get3A_33 = arith.constant 0 : index
    %get3A_34 = vector.load %arg7[%get3A_32, %get3A_33] : memref<128x128xf32, #tpu.memory_space<vmem>>, vector<128x128xf32>
    %dot_general3A_35 = arith.constant dense<0.000000e+00> : vector<5000x128xf32>
    %dot_general3A_36 = tpu.matmul %max3A_25, %get3A_34, %dot_general3A_35 {dimension_numbers = #tpu.dot_dimension_numbers<[1], [0], [0], [1], [0, 0, 1, 1], [], []>, transpose_lhs_hint = false} : vector<5000x128xf32>, vector<128x128xf32>, vector<5000x128xf32> -> vector<5000x128xf32>
    %get3A_37 = arith.constant 0 : index
    %get3A_38 = arith.constant 0 : index
    %get3A_39 = vector.load %arg8[%get3A_37, %get3A_38] : memref<1x128xf32, #tpu.memory_space<vmem>>, vector<1x128xf32>
    %add3A_40 = vector.broadcast %get3A_39 : vector<1x128xf32> to vector<5000x128xf32>
    %add3A_41 = arith.addf %dot_general3A_36, %add3A_40 : vector<5000x128xf32>
    %swap3A_42 = arith.constant 0 : index
    %swap3A_43 = arith.constant 0 : index
    %swap3A_44 = vector.load %arg10[%swap3A_42, %swap3A_43] : memref<5000x128xf32, #tpu.memory_space<vmem>>, vector<5000x128xf32>
    tpu.vector_store %arg10[%swap3A_42, %swap3A_43], %add3A_41 {strides = array<i32>} : memref<5000x128xf32, #tpu.memory_space<vmem>>, vector<5000x128xf32>,
    return
  }
  func.func @transform_0(%arg0: i32) -> (i32, i32) {
    %c0_i32 = arith.constant 0 : i32
    %c0_i32_0 = arith.constant 0 : i32
    return %arg0, %c0_i32 : i32, i32
  }
  func.func @transform_1(%arg0: i32) -> (i32, i32) {
    %add3A = arith.constant 2 : i32
    %add3A_0 = arith.addi %arg0, %add3A : i32
    %c0_i32 = arith.constant 0 : i32
    %c0_i32_1 = arith.constant 0 : i32
    return %add3A_0, %c0_i32 : i32, i32
  }
  func.func @transform_2(%arg0: i32) -> (i32, i32, i32) {
    %c0_i32 = arith.constant 0 : i32
    %c0_i32_0 = arith.constant 0 : i32
    %c0_i32_1 = arith.constant 0 : i32
    return %arg0, %c0_i32, %c0_i32_0 : i32, i32, i32
  }
  func.func @transform_3(%arg0: i32) -> (i32, i32, i32) {
    %add3A = arith.constant 2 : i32
    %add3A_0 = arith.addi %arg0, %add3A : i32
    %c0_i32 = arith.constant 0 : i32
    %c0_i32_1 = arith.constant 0 : i32
    %c0_i32_2 = arith.constant 0 : i32
    return %add3A_0, %c0_i32, %c0_i32_1 : i32, i32, i32
  }
  func.func @transform_4(%arg0: i32) -> (i32, i32) {
    %c0_i32 = arith.constant 0 : i32
    %c0_i32_0 = arith.constant 0 : i32
    return %arg0, %c0_i32 : i32, i32
  }
  func.func @transform_5(%arg0: i32) -> (i32, i32) {
    %c0_i32 = arith.constant 0 : i32
    %c0_i32_0 = arith.constant 0 : i32
    %c0_i32_1 = arith.constant 0 : i32
    return %c0_i32, %c0_i32_0 : i32, i32
  }
  func.func @transform_6(%arg0: i32) -> (i32, i32) {
    %c0_i32 = arith.constant 0 : i32
    %c0_i32_0 = arith.constant 0 : i32
    %c0_i32_1 = arith.constant 0 : i32
    return %c0_i32, %c0_i32_0 : i32, i32
  }
  func.func @transform_7(%arg0: i32) -> (i32, i32) {
    %c0_i32 = arith.constant 0 : i32
    %c0_i32_0 = arith.constant 0 : i32
    %c0_i32_1 = arith.constant 0 : i32
    return %c0_i32, %c0_i32_0 : i32, i32
  }
  func.func @transform_8(%arg0: i32) -> (i32, i32) {
    %c0_i32 = arith.constant 0 : i32
    %c0_i32_0 = arith.constant 0 : i32
    return %arg0, %c0_i32 : i32, i32
  }
  func.func @transform_9(%arg0: i32) -> (i32, i32) {
    %c0_i32 = arith.constant 0 : i32
    %c0_i32_0 = arith.constant 0 : i32
    return %arg0, %c0_i32 : i32, i32
  }
}

module attributes {stable_mosaic.version = 14 : i64} {
  func.func @_tc_fin_body(%arg0: i32, %arg1: memref<5000x128xf32, #tpu.memory_space<vmem>>, %arg2: memref<5000x128xf32, #tpu.memory_space<vmem>>, %arg3: memref<1x1x5000xf32, #tpu.memory_space<vmem>>, %arg4: memref<1x1x5000xf32, #tpu.memory_space<vmem>>, %arg5: memref<5000x128xf32, #tpu.memory_space<vmem>>, %arg6: memref<5000x128xf32, #tpu.memory_space<vmem>>) attributes {dimension_semantics = [#tpu.dimension_semantics<arbitrary>], iteration_bounds = array<i64: 2>, scalar_prefetch = 0 : i64, scratch_operands = 0 : i64, tpu.core_type = #tpu.core_type<tc>, window_params = [{transform_indices = @transform_0, window_bounds = array<i64: 5000, 128>}, {transform_indices = @transform_1, window_bounds = array<i64: 5000, 128>}, {transform_indices = @transform_2, window_bounds = array<i64: 1, 1, 5000>}, {transform_indices = @transform_3, window_bounds = array<i64: 1, 1, 5000>}, {transform_indices = @transform_4, window_bounds = array<i64: 5000, 128>}, {transform_indices = @transform_5, window_bounds = array<i64: 5000, 128>}]} {
    %get3A = arith.constant 0 : index
    %get3A_0 = arith.constant 0 : index
    %get3A_1 = vector.load %arg1[%get3A, %get3A_0] : memref<5000x128xf32, #tpu.memory_space<vmem>>, vector<5000x128xf32>
    %get3A_2 = arith.constant 0 : index
    %get3A_3 = arith.constant 0 : index
    %get3A_4 = vector.load %arg2[%get3A_2, %get3A_3] : memref<5000x128xf32, #tpu.memory_space<vmem>>, vector<5000x128xf32>
    %add3A = arith.addf %get3A_1, %get3A_4 : vector<5000x128xf32>
    %get3A_5 = arith.constant 0 : index
    %get3A_6 = arith.constant 0 : index
    %get3A_7 = arith.constant 0 : index
    %get3A_8 = vector.load %arg3[%get3A_5, %get3A_6, %get3A_7] : memref<1x1x5000xf32, #tpu.memory_space<vmem>>, vector<1x1x5000xf32>
    %get3A_9 = vector.shape_cast %get3A_8 : vector<1x1x5000xf32> to vector<5000xf32>
    %get3A_10 = arith.constant 0 : index
    %get3A_11 = arith.constant 0 : index
    %get3A_12 = arith.constant 0 : index
    %get3A_13 = vector.load %arg4[%get3A_10, %get3A_11, %get3A_12] : memref<1x1x5000xf32, #tpu.memory_space<vmem>>, vector<1x1x5000xf32>
    %get3A_14 = vector.shape_cast %get3A_13 : vector<1x1x5000xf32> to vector<5000xf32>
    %add3A_15 = arith.addf %get3A_9, %get3A_14 : vector<5000xf32>
    %max3A = arith.constant 1.000000e+00 : f32
    %max3A_16 = vector.broadcast %max3A : f32 to vector<5000xf32>
    %max3A_17 = arith.maximumf %add3A_15, %max3A_16 : vector<5000xf32>
    %reshape3A = vector.shape_cast %max3A_17 : vector<5000xf32> to vector<5000x1xf32>
    %div3A = vector.broadcast %reshape3A : vector<5000x1xf32> to vector<5000x128xf32>
    %div3A_18 = arith.divf %add3A, %div3A : vector<5000x128xf32>
    %get3A_19 = arith.constant 0 : index
    %get3A_20 = arith.constant 0 : index
    %get3A_21 = vector.load %arg5[%get3A_19, %get3A_20] : memref<5000x128xf32, #tpu.memory_space<vmem>>, vector<5000x128xf32>
    %add3A_22 = arith.addf %div3A_18, %get3A_21 : vector<5000x128xf32>
    %swap3A = arith.constant 0 : index
    %swap3A_23 = arith.constant 0 : index
    %swap3A_24 = vector.load %arg6[%swap3A, %swap3A_23] : memref<5000x128xf32, #tpu.memory_space<vmem>>, vector<5000x128xf32>
    tpu.vector_store %arg6[%swap3A, %swap3A_23], %add3A_22 {strides = array<i32>} : memref<5000x128xf32, #tpu.memory_space<vmem>>, vector<5000x128xf32>,
    return
  }
  func.func @transform_0(%arg0: i32) -> (i32, i32) {
    %c0_i32 = arith.constant 0 : i32
    %c0_i32_0 = arith.constant 0 : i32
    return %arg0, %c0_i32 : i32, i32
  }
  func.func @transform_1(%arg0: i32) -> (i32, i32) {
    %add3A = arith.constant 2 : i32
    %add3A_0 = arith.addi %arg0, %add3A : i32
    %c0_i32 = arith.constant 0 : i32
    %c0_i32_1 = arith.constant 0 : i32
    return %add3A_0, %c0_i32 : i32, i32
  }
  func.func @transform_2(%arg0: i32) -> (i32, i32, i32) {
    %c0_i32 = arith.constant 0 : i32
    %c0_i32_0 = arith.constant 0 : i32
    %c0_i32_1 = arith.constant 0 : i32
    return %arg0, %c0_i32, %c0_i32_0 : i32, i32, i32
  }
  func.func @transform_3(%arg0: i32) -> (i32, i32, i32) {
    %add3A = arith.constant 2 : i32
    %add3A_0 = arith.addi %arg0, %add3A : i32
    %c0_i32 = arith.constant 0 : i32
    %c0_i32_1 = arith.constant 0 : i32
    %c0_i32_2 = arith.constant 0 : i32
    return %add3A_0, %c0_i32, %c0_i32_1 : i32, i32, i32
  }
  func.func @transform_4(%arg0: i32) -> (i32, i32) {
    %c0_i32 = arith.constant 0 : i32
    %c0_i32_0 = arith.constant 0 : i32
    return %arg0, %c0_i32 : i32, i32
  }
  func.func @transform_5(%arg0: i32) -> (i32, i32) {
    %c0_i32 = arith.constant 0 : i32
    %c0_i32_0 = arith.constant 0 : i32
    return %arg0, %c0_i32 : i32, i32
  }
}

</mosaic_0001>

<sc_bundles>
// kernel: kernel.10.cloned.1.call-start
scs
__scs_entry_jumppad:
0x0: {  	(pc) =	sbr.rel $0x88, $3  }
0x1: {  	(tag) =	ssettag $0x0;
	lr =	simm.s32 $0x1  }
0x2: {  	[smem:$0x3F97] =	sst lr;
	_ =	strace $0xD0000000  }
0x3: {  	_ = 	snop  }
0x4: {  	_ = 	snop  }
0x5: {  	_ = 	snop  }
0x6: {  	_ = 	snop  }
0x7: {  	_ = 	snop  }
__scs_overlays_trampoline_lowered:
0x8: {  	[smem:$0x3FA6] =	sst s0  }
0x9: {  	[smem:$0x3FA7] =	sst s1  }
0xa: {  	[smem:$0x3FA8] =	sst s2  }
0xb: {  	[smem:$0x3FA9] =	sst s3  }
0xc: {  	[smem:$0x3FAA] =	sst s4  }
0xd: {  	[smem:$0x3FAB] =	sst s5  }
0xe: {  	[smem:$0x3FAC] =	sst s6  }
0xf: {  	[smem:$0x3FAD] =	sst s7  }
0x10: {  	[smem:$0x3FAE] =	sst s8  }
0x11: {  	[smem:$0x3FAF] =	sst s9;
	s0 =	simm.s32 @!p0 $0x0  }
0x12: {  	s1 =	sld [smem:$0x3F95];
	s0 =	simm.s32 @p0 $0x1  }
0x13: {  	[smem:$0x3FB0] =	sst s0;
	s0 =	simm.s32 @!p1 $0x0  }
0x14: {  	s2 =	sld [smem:$0x3F94];
	s0 =	simm.s32 @p1 $0x1  }
0x15: {  	[smem:$0x3FB1] =	sst s0;
	s0 =	simm.s32 @!p2 $0x0  }
0x16: {  	s3 =	sld [smem:$0x3FDB];
	s0 =	simm.s32 @p2 $0x1  }
0x17: {  	s4 =	simm.s32 $0x1BF5;
	[smem:$0x3FB3] =	sst s0  }
0x18: {  	s0 =	sld [smem:$0x3F96];
	_ =	swait.ge [sflag:s4], $0x0  }
0x19: {  	s7 =	sld [smem:$0x3F97]  }
0x1a: {  	s8 =	sadd.s32 $0xFFFFE003, lr  }
0x1b: {  	s9 =	sadd.s32 $0xFFFFFEF7, lr;
	s5 =	simm.s32 $0xFFFFFFFF;
	p2 =	slt.u32 s8, $0xFFFFF086  }
0x1c: {  	p1 =	slt.u32 s9, $0xF7A;
	s5 =	simm.s32 @!p2 $0x0  }
0x1d: {  	s5 =	simm.s32 @p1 $0x1;
	p0 =	seq.s32 s7, s2  }
0x1e: {  	s7 =	smul.u32 @!p0 $0xF7A, s2;
	p2 =	seq.s32 @!p0 s5, $0x0  }
0x1f: {  	s9 =	smul.u32 $0xF7A, s1;
	s8 =	simm.s32 @!p0 $0x1BF5;
	p2 =	por !p2, p0  }
0x20: {  	[sflag:s8] =	ssyncset.s32 @!p0 $0xFFFFF086;
	s6 =	sadd.s32 @!p0 s3, s7;
	s7 =	simm.s32 @!p0 $0x108  }
0x21: {  	s3 =	sadd.s32 s3, s9;
	s6 =	sadd.s32 @!p0 $0x88, s6;
	s7 =	simm.s32 @p2 $0x1082  }
0x22: {  	[simem:s7], [sflag:s8] =	dma.local @!p0 [hbm:s6], $0xF7A  }
0x23: {  	s9 =	sor.u32 $0xD0000000, s2;
	s6 =	simm.s32 $0x108;
	_ =	swait.ge @!p0 [sflag:s8], $0x0  }
0x24: {  	s3 =	sadd.s32 $0x88, s3;
	s6 =	simm.s32 @!p1 $0x1082;
	[sflag:s4] =	ssyncset.s32 $0xFFFFF086  }
0x25: {  	[simem:s6], [sflag:s4] =	dma.local [hbm:s3], $0xF7A  }
0x26: {  	[smem:$0x3F97] =	sst s1;
	(tag) =	ssettag s2;
	_ =	strace s9  }
0x27: {  	s1 =	sld [smem:$0x3FA7]  }
0x28: {  	s2 =	sld [smem:$0x3FA8]  }
0x29: {  	s4 =	sld [smem:$0x3FAA]  }
0x2a: {  	p0 =	seq.s32 s5, $0x0;
	s5 =	sld [smem:$0x3FAB]  }
0x2b: {  	s6 =	sld [smem:$0x3FAC]  }
0x2c: {  	s7 =	sld [smem:$0x3FAD]  }
0x2d: {  	s3 =	simm.s32 $0x108;
	s8 =	sld [smem:$0x3FAE]  }
0x2e: {  	s3 =	simm.s32 @!p0 $0x1082;
	s9 =	sld [smem:$0x3FAF]  }
0x2f: {  	lr =	sadd.s32 s0, s3;
	s0 =	sld [smem:$0x3FA6]  }
0x30: {  	s3 =	sld [smem:$0x3FA9]  }
0x31: {  	[smem:$0x3FB2] =	sst s10  }
0x32: {  	s10 =	sld [smem:$0x3FB0];
	_ =	sdelay $0x3  }
0x33: {  	p0 =	seq.s32 s10, $0x1;
	s10 =	sld [smem:$0x3FB2];
	_ =	sdelay $0x3  }
0x34: {  	[smem:$0x3FB2] =	sst s10  }
0x35: {  	s10 =	sld [smem:$0x3FB1];
	_ =	sdelay $0x3  }
0x36: {  	p1 =	seq.s32 s10, $0x1;
	s10 =	sld [smem:$0x3FB2];
	_ =	sdelay $0x3  }
0x37: {  	[smem:$0x3FB2] =	sst s10  }
0x38: {  	s10 =	sld [smem:$0x3FB3]  }
0x39: {  	_ = 	snop;
	(pc) =	sbr.ind lr, $3  }
0x3a: {  	_ = 	snop  }
0x3b: {  	_ = 	snop  }
0x3c: {  	p2 =	seq.s32 s10, $0x1;
	s10 =	sld [smem:$0x3FB2]  }
0x3d: {  	_ =	shalt  }
0x3e: {  	_ =	shalt  }
0x3f: {  	_ =	shalt  }
0x40: {  	_ =	shalt  }
0x41: {  	_ =	shalt  }
0x42: {  	_ =	shalt  }
0x43: {  	_ =	shalt  }
0x44: {  	_ =	shalt  }
0x45: {  	_ =	shalt  }
0x46: {  	_ =	shalt  }
0x47: {  	_ =	shalt  }
0x48: {  	_ =	shalt  }
0x49: {  	_ =	shalt  }
0x4a: {  	_ =	shalt  }
0x4b: {  	_ =	shalt  }
0x4c: {  	_ =	shalt  }
0x4d: {  	_ =	shalt  }
0x4e: {  	_ =	shalt  }
0x4f: {  	_ =	shalt  }
0x50: {  	_ =	shalt  }
0x51: {  	_ =	shalt  }
0x52: {  	_ =	shalt  }
0x53: {  	_ =	shalt  }
0x54: {  	_ =	shalt  }
0x55: {  	_ =	shalt  }
0x56: {  	_ =	shalt  }
0x57: {  	_ =	shalt  }
0x58: {  	_ =	shalt  }
0x59: {  	_ =	shalt  }
0x5a: {  	_ =	shalt  }
0x5b: {  	_ =	shalt  }
0x5c: {  	_ =	shalt  }
0x5d: {  	_ =	shalt  }
0x5e: {  	_ =	shalt  }
0x5f: {  	_ =	shalt  }
0x60: {  	_ =	shalt  }
0x61: {  	_ =	shalt  }
0x62: {  	_ =	shalt  }
0x63: {  	_ =	shalt  }
0x64: {  	_ =	shalt  }
0x65: {  	_ =	shalt  }
0x66: {  	_ =	shalt  }
0x67: {  	_ =	shalt  }
0x68: {  	_ =	shalt  }
0x69: {  	_ =	shalt  }
0x6a: {  	_ =	shalt  }
0x6b: {  	_ =	shalt  }
0x6c: {  	_ =	shalt  }
0x6d: {  	_ =	shalt  }
0x6e: {  	_ =	shalt  }
0x6f: {  	_ =	shalt  }
0x70: {  	_ =	shalt  }
0x71: {  	_ =	shalt  }
0x72: {  	_ =	shalt  }
0x73: {  	_ =	shalt  }
0x74: {  	_ =	shalt  }
0x75: {  	_ =	shalt  }
0x76: {  	_ =	shalt  }
0x77: {  	_ =	shalt  }
0x78: {  	_ =	shalt  }
0x79: {  	_ =	shalt  }
0x7a: {  	_ =	shalt  }
0x7b: {  	_ =	shalt  }
0x7c: {  	_ =	shalt  }
0x7d: {  	_ =	shalt  }
0x7e: {  	_ =	shalt  }
0x7f: {  	_ =	shalt  }
0x80: {  	_ =	shalt  }
0x81: {  	_ =	shalt  }
0x82: {  	_ =	shalt  }
0x83: {  	_ =	shalt  }
0x84: {  	_ =	shalt  }
0x85: {  	_ =	shalt  }
0x86: {  	_ =	shalt  }
0x87: {  	_ =	shalt  }
.Lfunc_end0:
.L_simem_size_0:
called_computation.1_lowered:
.L_overlay_start_0:
0x88: {  	s2 =	sld [smem:$0x3FD9]  }
0x89: {  	s3 =	sld [smem:$0x3FFE];
	_ =	sdelay $0x1  }
0x8a: {  	s1 =	srdreg.scid  }
0x8b: {  	s0 =	sand.u32 $0x1, s1  }
0x8c: {  	s17 =	sshll.u32 s0, $0xA;
	s2 =	sadd.s32 s3, s2  }
0x8d: {  	s2 =	sadd.s32 s2, s17  }
0x8e: {  	[smem:$0x3FBE] =	sst s2  }
0x8f: {  	_ = 	snop  }
0x90: {  	s2 =	sld [smem:$0x3FD0];
	(tm) =	ssettm $0x1  }
0x91: {  	s18 =	sld [smem:$0x3FFB];
	_ =	sdelay $0x3  }
0x92: {  	_ =	strace s18  }
0x93: {  	s3 =	sld [smem:$0x3FFC];
	_ =	sdelay $0x3  }
0x94: {  	_ =	strace s3  }
0x95: {  	s3 =	sld [smem:$0x3FFD];
	_ =	sdelay $0x3  }
0x96: {  	_ =	strace s3  }
0x97: {  	_ =	strace $0x8FFFFFFF  }
0x98: {  	s19 =	sld [smem:$0x3FDB];
	_ =	sdelay $0x1  }
0x99: {  	s4 =	simm.s32 $_scs_section_size  }
0x9a: {  	s5 =	simm.s32 $_size__tile_overlayer_lowered;
	s6 =	simm.s32 $_tile_overlayer_lowered  }
0x9b: {  	s22 =	simm.s32 $0x1BFF;
	s21 =	sshll.u32 s6, $0x1;
	s3 =	sadd.s32 s4, s19  }
0x9c: {  	s7 =	simm.s32 $0x0;
	s20 =	sshll.u32 s5, $0x1;
	s5 =	sadd.s32 s21, s3  }
0x9d: {  	[timem:s7], [sflag:s22] =	dma.local [hbm:s5], s20  }
0x9e: {  	_ =	swait.ge [sflag:s22], s20  }
0x9f: {  	s4 =	ssub.s32 $0x0, s20;
	[sflag:s22] =	ssyncset.done $0x0  }
0xa0: {  	[sflag:s22] =	ssyncadd.s32 s4;
	_ =	sdelay $0x1  }
0xa1: {  	s23 =	simm.s32 $0x1B8B  }
0xa2: {  	_ =	swait.ge [sflag:s23], $0x1  }
0xa3: {  	[sflag:s23] =	ssyncset.done $0x0  }
0xa4: {  	s25 =	simm.s32 $0x1B8E;
	s24 =	sld [smem:$0x3FFE];
	[sflag:s23] =	ssyncadd.s32 $0xFFFFFFFF  }
0xa5: {  	s26 =	simm.s32 $execute0_lowered;
	[smem:$0x3FD2] =	sst s25  }
0xa6: {  	s5 =	sshll.u32 s26, $0x1;
	_ =	strace $0x80000049;
	[dreg:$0x1] =	wrdreg $0xFFFFFFFF  }
0xa7: {  	s28 =	simm.s32 $_size_execute0_lowered;
	s3 =	sadd.s32 s3, s5;
	[dreg:$0x0] =	wrdreg $0x0  }
0xa8: {  	s5 =	sshll.u32 s28, $0x1;
	[dreg:$0x2] =	wrdreg s3  }
0xa9: {  	[dreg:$0x3] =	wrdreg s5  }
0xaa: {  	[dreg:$0x4] =	wrdreg $0xC0  }
0xab: {  	_ =	task [dreg:s7], $0x5FFFF  }
0xac: {  	[dreg:$0x1] =	wrdreg $0xFFFFFFFF  }
0xad: {  	[dreg:$0x0] =	wrdreg $0x60  }
0xae: {  	[dreg:$0x2] =	wrdreg s2  }
0xaf: {  	[dreg:$0x3] =	wrdreg s24  }
0xb0: {  	[dreg:$0x4] =	wrdreg $0x0  }
0xb1: {  	[dreg:$0x5] =	wrdreg $0x9  }
0xb2: {  	_ =	task.clear_ibuf [dreg:s7], $0x6FFFF;
	_ =	strace $0x90000049  }
0xb3: {  	s29 =	simm.s32 $0x9;
	_ =	strace $0x8000004B  }
0xb4: {  	_ =	swait.ge [sflag:s29], $0x1  }
0xb5: {  	[sflag:s29] =	ssyncadd.s32 $0xFFFFFFFF  }
0xb6: {  	_ =	strace $0x9000004B  }
0xb7: {  	_ =	sfence  }
0xb8: {  	s30 =	sld [smem:$0x0];
	_ =	sdelay $0x2  }
0xb9: {  	s31 =	sshll.u32 s1, $0xD;
	s1 =	sshrl.u32 s1, $0x2  }
0xba: {  	s3 =	sand.u32 $0x4000, s31;
	s1 =	sadd.s32 s1, s30  }
0xbb: {  	s0 =	sor.u32 s3, s0;
	s1 =	sshll.u32 s1, $0x11  }
0xbc: {  	s0 =	sor.u32 s1, s0  }
0xbd: {  	s0 =	sadd.s32 $0x8F2B, s0  }
0xbe: {  	[sflag:s0] =	ssyncadd.remote.s32 $0x1  }
0xbf: {  	_ =	sfence.sel $0xFFFF  }
0xc0: {  	[dreg:$0x0] =	wrdreg $0xFFFFFFFF;
	(pc) =	sbr.abs _section_cstart, $3  }
0xc1: {  	[dreg:$0x1] =	wrdreg $0xFFFFFFFF  }
0xc2: {  	_ =	task.clear_ibuf [dreg:s7], $0x2FFFF;
	_ =	strace $0x9FFFFFFF  }
0xc3: {  	(tm) =	ssettm $0x7FFFFFFF  }
tec
execute0_lowered:
.L_overlay_start_1:
0x0: {  	(tag) =	ssettag $0x1  }
0x1: {  	s1 =	rddreg [dreg:$0x0]  }
0x2: {  	s0 =	rddreg [dreg:$0x1]  }
0x3: {  	s2 =	rddreg [dreg:$0x2];
	s4 =	simm.s32 $0x0  }
0x4: {  	s3 =	srdreg.scid;
	s9 =	stileid.u32;
	s12 =	simm.s32 $0x13A80  }
0x5: {  	s13 =	simm.s32 $0x9;
	s14 =	simm.s32 $0x40;
	s16 =	simm.s32 $0x16280  }
0x6: {  	s18 =	simm.s32 $0x18280;
	s20 =	simm.s32 $0x1A280;
	s22 =	simm.s32 $0x1C280  }
0x7: {  	s23 =	simm.s32 $0x1;
	s29 =	simm.s32 $0x6;
	s31 =	simm.s32 $0x3  }
0x8: {  	s15 =	simm.s32 $0x16100;
	s17 =	simm.s32 $0x16180;
	s19 =	simm.s32 $0x16200  }
0x9: {  	s21 =	simm.s32 $0x0;
	[smem:$0x7FF] =	sst s4;
	s5 =	smul.u32 $0x3E80, s9  }
0xa: {  	s3 =	sand.u32 $0x1, s3;
	s7 =	sadd.s32 $0x16800, s0;
	s25 =	smul.u32 $0x7D000, s9  }
0xb: {  	s8 =	sadd.s32 $0x2600, s0;
	p0 =	sgt.u32 s9, $0x9;
	s24 =	smul.u32 $0x27100, s3  }
0xc: {  	_ =	strace $0x8000004A;
	s6 =	sshll.u32 s3, $0x4;
	s3 =	ssub.s32 $0x2, s3  }
0xd: {  	[dreg:$0x4] =	wrdreg s7;
	s6 =	sor.u32 s9, s6;
	s28 =	sshrl.u32 s3, $0x1  }
0xe: {  	s7 =	sshrl.u32 s25, $0x2;
	s4 =	sadd.s32 s5, s24;
	s26 =	smul.u32 $0x5000, s6  }
0xf: {  	s6 =	smul.u32 $0xA00, s6;
	s3 =	ssub.s32 s3, s28;
	s24 =	simm.s32 $0x5  }
0x10: {  	s0 =	sadd.s32 s4, s0;
	s4 =	sadd.s32 s7, s2;
	s30 =	smax.u32 s3, $0x1  }
0x11: {  	s3 =	simm.s32 $0x7;
	s7 =	simm.s32 $0x8;
	s5 =	sshrl.u32 s26, $0x3  }
0x12: {  	s6 =	sadd.s32 s8, s6;
	s0 =	sadd.s32 $0x1A800, s0;
	[dreg:$0x8] =	wrdreg s30  }
0x13: {  	s11 =	sshrl.u32 @!p0 s4, $0x3;
	s26 =	simm.s32 $0x2;
	[dreg:$0x5] =	wrdreg s6  }
0x14: {  	s4 =	simm.s32 $0x13DC0;
	s5 =	sadd.s32 s8, s5;
	[dreg:$0x7] =	wrdreg s0  }
0x15: {  	s0 =	sshll.u32 @!p0 s9, $0x6;
	s6 =	simm.s32 $0x13C00;
	s8 =	simm.s32 $0x16240  }
0x16: {  	s9 =	simm.s32 $0x16080;
	s5 =	sadd.s32 $0x500, s5;
	s10 =	sor.u32 @!p0 $0x1C09, s0  }
0x17: {  	s0 =	simm.s32 $0x13B80;
	[dreg:$0x6] =	wrdreg s5;
	s5 =	simm.s32 $0x4  }
.LBB2_1:
0x18: {  	s25 =	rddreg [dreg:$0x4]  }
0x19: {  	[spmem:s11], [sflag:s10] =	dma.local @!p0 [hbm:s25], $0x3E80  }
0x1a: {  	s25 =	simm.s32 @!p0 $0x9  }
0x1b: {  	_ =	swait.ge @!p0 [sflag:s25], $0x3E80  }
0x1c: {  	[sflag:s25] =	ssyncset.done @!p0 $0x0  }
0x1d: {  	s30 =	simm.s32 $0x0;
	s28 =	rddreg [dreg:$0x5];
	[sflag:s25] =	ssyncadd.s32 @!p0 $0xFFFFC180  }
0x1e: {  	[tilespmem:s12], [sflag:$0x9] =	stream.linear.gather [hbm4b:s28+s30], $0x2800, $0x38;
	[tilespmem:$0x1E280] =	vst v63  }
0x1f: {  	_ =	swait.ge [sflag:s13], $0x2800  }
0x20: {  	[sflag:s13] =	ssyncset.done $0x0  }
0x21: {  	s30 =	simm.s32 $0x13AC0;
	[sflag:s13] =	ssyncadd.s32 $0xFFFFD800  }
0x22: {  	[tilespmem:s16], [sflag:$0x1] =	stream.indirect.gather [hbm4b:s1+s14], $0x80, s30, s14, $0xb8;
	[tilespmem:$0x1E280] =	vst v63  }
0x23: {  	s30 =	simm.s32 $0x13B40  }
0x24: {  	[tilespmem:s18], [sflag:$0x2] =	stream.indirect.gather [hbm4b:s1+s14], $0x80, s30, s14, $0xb8;
	[tilespmem:$0x1E280] =	vst v63  }
0x25: {  	s30 =	simm.s32 $0x13BC0  }
0x26: {  	[tilespmem:s20], [sflag:$0x3] =	stream.indirect.gather [hbm4b:s1+s14], $0x80, s30, s14, $0xb8;
	[tilespmem:$0x1E280] =	vst v63  }
0x27: {  	s30 =	simm.s32 $0x13C40;
	[bflag:$0x0] =	sbarrier.arrive $0xFFFF  }
0x28: {  	[tilespmem:s22], [sflag:$0x4] =	stream.indirect.gather [hbm4b:s1+s14], $0x80, s30, s14, $0xb8;
	[tilespmem:$0x1E280] =	vst v63  }
0x29: {  	_ =	swait.ge [sflag:s23], $0x2000  }
0x2a: {  	[sflag:s23] =	ssyncset.done $0x0  }
0x2b: {  	[sflag:s23] =	ssyncadd.s32 $0xFFFFE000  }
0x2c: {  	[spmem:s2] =	stream.indirect.scatter.add.f32 [tilespmem:s16], [sflag:$0x5], $0x80, s12, s14, $0xb8;
	[tilespmem:$0x1E280] =	vst v63  }
0x2d: {  	_ =	swait.ge [sflag:s24], $0x2000  }
0x2e: {  	[sflag:s24] =	ssyncset.done $0x0  }
0x2f: {  	s30 =	simm.s32 $0x13CC0;
	[sflag:s24] =	ssyncadd.s32 $0xFFFFE000  }
0x30: {  	[tilespmem:s16], [sflag:$0x1] =	stream.indirect.gather [hbm4b:s1+s14], $0x80, s30, s14, $0xb8;
	[tilespmem:$0x1E280] =	vst v63  }
0x31: {  	_ =	swait.ge [sflag:s26], $0x2000  }
0x32: {  	[sflag:s26] =	ssyncset.done $0x0  }
0x33: {  	s30 =	simm.s32 $0x13B00;
	[sflag:s26] =	ssyncadd.s32 $0xFFFFE000  }
0x34: {  	[spmem:s2] =	stream.indirect.scatter.add.f32 [tilespmem:s18], [sflag:$0x6], $0x80, s30, s14, $0xb8;
	[tilespmem:$0x1E280] =	vst v63  }
0x35: {  	_ =	swait.ge [sflag:s29], $0x2000  }
0x36: {  	[sflag:s29] =	ssyncset.done $0x0  }
0x37: {  	s30 =	simm.s32 $0x13D40;
	[sflag:s29] =	ssyncadd.s32 $0xFFFFE000  }
0x38: {  	[tilespmem:s18], [sflag:$0x2] =	stream.indirect.gather [hbm4b:s1+s14], $0x80, s30, s14, $0xb8;
	[tilespmem:$0x1E280] =	vst v63  }
0x39: {  	_ =	swait.ge [sflag:s31], $0x2000  }
0x3a: {  	[sflag:s31] =	ssyncset.done $0x0  }
0x3b: {  	[sflag:s31] =	ssyncadd.s32 $0xFFFFE000  }
0x3c: {  	[spmem:s2] =	stream.indirect.scatter.add.f32 [tilespmem:s20], [sflag:$0x7], $0x80, s0, s14, $0xb8;
	[tilespmem:$0x1E280] =	vst v63  }
0x3d: {  	_ =	swait.ge [sflag:s3], $0x2000  }
0x3e: {  	[sflag:s3] =	ssyncset.done $0x0  }
0x3f: {  	[sflag:s3] =	ssyncadd.s32 $0xFFFFE000  }
0x40: {  	[tilespmem:s20], [sflag:$0x3] =	stream.indirect.gather [hbm4b:s1+s14], $0x80, s4, s14, $0xb8;
	[tilespmem:$0x1E280] =	vst v63  }
0x41: {  	_ =	swait.ge [sflag:s5], $0x2000  }
0x42: {  	[sflag:s5] =	ssyncset.done $0x0  }
0x43: {  	[sflag:s5] =	ssyncadd.s32 $0xFFFFE000  }
0x44: {  	[spmem:s2] =	stream.indirect.scatter.add.f32 [tilespmem:s22], [sflag:$0x8], $0x80, s6, s14, $0xb8;
	[tilespmem:$0x1E280] =	vst v63  }
0x45: {  	_ =	swait.ge [sflag:s7], $0x2000  }
0x46: {  	[sflag:s7] =	ssyncset.done $0x0  }
0x47: {  	s30 =	simm.s32 $0x13E40;
	[sflag:s7] =	ssyncadd.s32 $0xFFFFE000  }
0x48: {  	[tilespmem:s22], [sflag:$0x4] =	stream.indirect.gather [hbm4b:s1+s14], $0x80, s30, s14, $0xb8;
	[tilespmem:$0x1E280] =	vst v63  }
0x49: {  	_ =	swait.ge [sflag:s23], $0x2000  }
0x4a: {  	[sflag:s23] =	ssyncset.done $0x0  }
0x4b: {  	s30 =	simm.s32 $0x13C80;
	[sflag:s23] =	ssyncadd.s32 $0xFFFFE000  }
0x4c: {  	[spmem:s2] =	stream.indirect.scatter.add.f32 [tilespmem:s16], [sflag:$0x5], $0x80, s30, s14, $0xb8;
	[tilespmem:$0x1E280] =	vst v63  }
0x4d: {  	_ =	swait.ge [sflag:s24], $0x2000  }
0x4e: {  	[sflag:s24] =	ssyncset.done $0x0  }
0x4f: {  	s30 =	simm.s32 $0x13EC0;
	[sflag:s24] =	ssyncadd.s32 $0xFFFFE000  }
0x50: {  	[tilespmem:s16], [sflag:$0x1] =	stream.indirect.gather [hbm4b:s1+s14], $0x80, s30, s14, $0xb8;
	[tilespmem:$0x1E280] =	vst v63  }
0x51: {  	_ =	swait.ge [sflag:s26], $0x2000  }
0x52: {  	[sflag:s26] =	ssyncset.done $0x0  }
0x53: {  	s30 =	simm.s32 $0x13D00;
	[sflag:s26] =	ssyncadd.s32 $0xFFFFE000  }
0x54: {  	[spmem:s2] =	stream.indirect.scatter.add.f32 [tilespmem:s18], [sflag:$0x6], $0x80, s30, s14, $0xb8;
	[tilespmem:$0x1E280] =	vst v63  }
0x55: {  	_ =	swait.ge [sflag:s29], $0x2000  }
0x56: {  	[sflag:s29] =	ssyncset.done $0x0  }
0x57: {  	s30 =	simm.s32 $0x13F40;
	[sflag:s29] =	ssyncadd.s32 $0xFFFFE000  }
0x58: {  	[tilespmem:s18], [sflag:$0x2] =	stream.indirect.gather [hbm4b:s1+s14], $0x80, s30, s14, $0xb8;
	[tilespmem:$0x1E280] =	vst v63  }
0x59: {  	_ =	swait.ge [sflag:s31], $0x2000  }
0x5a: {  	[sflag:s31] =	ssyncset.done $0x0  }
0x5b: {  	s30 =	simm.s32 $0x13D80;
	[sflag:s31] =	ssyncadd.s32 $0xFFFFE000  }
0x5c: {  	[spmem:s2] =	stream.indirect.scatter.add.f32 [tilespmem:s20], [sflag:$0x7], $0x80, s30, s14, $0xb8;
	[tilespmem:$0x1E280] =	vst v63  }
0x5d: {  	_ =	swait.ge [sflag:s3], $0x2000  }
0x5e: {  	[sflag:s3] =	ssyncset.done $0x0  }
0x5f: {  	s30 =	simm.s32 $0x13FC0;
	[sflag:s3] =	ssyncadd.s32 $0xFFFFE000  }
0x60: {  	[tilespmem:s20], [sflag:$0x3] =	stream.indirect.gather [hbm4b:s1+s14], $0x80, s30, s14, $0xb8;
	[tilespmem:$0x1E280] =	vst v63  }
0x61: {  	_ =	swait.ge [sflag:s5], $0x2000  }
0x62: {  	[sflag:s5] =	ssyncset.done $0x0  }
0x63: {  	s25 =	simm.s32 $0x800;
	s28 =	simm.s32 $0x13E00;
	[sflag:s5] =	ssyncadd.s32 $0xFFFFE000  }
.LBB2_2:
0x64: {  	[spmem:s2] =	stream.indirect.scatter.add.f32 [tilespmem:s22], [sflag:$0x8], $0x80, s28, s14, $0xb8;
	[tilespmem:$0x1E280] =	vst v63  }
0x65: {  	s28 =	smov.u32 s25  }
0x66: {  	p1 =	sne.s32 s25, $0x8800;
	s25 =	sadd.s32 $0x800, s25;
	_ =	swait.ge [sflag:s7], $0x2000  }
0x67: {  	s28 =	sshra.s32 s28, $0x2;
	[sflag:s7] =	ssyncset.done $0x0  }
0x68: {  	s30 =	sadd.s32 $0x13E40, s28;
	[sflag:s7] =	ssyncadd.s32 $0xFFFFE000  }
0x69: {  	[tilespmem:s22], [sflag:$0x4] =	stream.indirect.gather [hbm4b:s1+s14], $0x80, s30, s14, $0xb8;
	[tilespmem:$0x1E280] =	vst v63  }
0x6a: {  	_ =	swait.ge [sflag:s23], $0x2000  }
0x6b: {  	[sflag:s23] =	ssyncset.done $0x0  }
0x6c: {  	s30 =	sadd.s32 $0x13C80, s28;
	[sflag:s23] =	ssyncadd.s32 $0xFFFFE000  }
0x6d: {  	[spmem:s2] =	stream.indirect.scatter.add.f32 [tilespmem:s16], [sflag:$0x5], $0x80, s30, s14, $0xb8;
	[tilespmem:$0x1E280] =	vst v63  }
0x6e: {  	_ =	swait.ge [sflag:s24], $0x2000  }
0x6f: {  	[sflag:s24] =	ssyncset.done $0x0  }
0x70: {  	s30 =	sadd.s32 $0x13EC0, s28;
	[sflag:s24] =	ssyncadd.s32 $0xFFFFE000  }
0x71: {  	[tilespmem:s16], [sflag:$0x1] =	stream.indirect.gather [hbm4b:s1+s14], $0x80, s30, s14, $0xb8;
	[tilespmem:$0x1E280] =	vst v63  }
0x72: {  	_ =	swait.ge [sflag:s26], $0x2000  }
0x73: {  	[sflag:s26] =	ssyncset.done $0x0  }
0x74: {  	s30 =	sadd.s32 $0x13D00, s28;
	[sflag:s26] =	ssyncadd.s32 $0xFFFFE000  }
0x75: {  	[spmem:s2] =	stream.indirect.scatter.add.f32 [tilespmem:s18], [sflag:$0x6], $0x80, s30, s14, $0xb8;
	[tilespmem:$0x1E280] =	vst v63  }
0x76: {  	_ =	swait.ge [sflag:s29], $0x2000  }
0x77: {  	[sflag:s29] =	ssyncset.done $0x0  }
0x78: {  	s30 =	sadd.s32 $0x13F40, s28;
	[sflag:s29] =	ssyncadd.s32 $0xFFFFE000  }
0x79: {  	[tilespmem:s18], [sflag:$0x2] =	stream.indirect.gather [hbm4b:s1+s14], $0x80, s30, s14, $0xb8;
	[tilespmem:$0x1E280] =	vst v63  }
0x7a: {  	_ =	swait.ge [sflag:s31], $0x2000  }
0x7b: {  	[sflag:s31] =	ssyncset.done $0x0  }
0x7c: {  	s30 =	sadd.s32 $0x13D80, s28;
	[sflag:s31] =	ssyncadd.s32 $0xFFFFE000  }
0x7d: {  	[spmem:s2] =	stream.indirect.scatter.add.f32 [tilespmem:s20], [sflag:$0x7], $0x80, s30, s14, $0xb8;
	[tilespmem:$0x1E280] =	vst v63  }
0x7e: {  	_ =	swait.ge [sflag:s3], $0x2000  }
0x7f: {  	[sflag:s3] =	ssyncset.done $0x0  }
.Ltmp0:
0x80: {  	s30 =	sadd.s32 $0x13FC0, s28;
	[sflag:s3] =	ssyncadd.s32 $0xFFFFE000;
	(pc) =	sbr.rel @p1 .LBB2_2-.Ltmp0, $4  }
0x81: {  	[tilespmem:s20], [sflag:$0x3] =	stream.indirect.gather [hbm4b:s1+s14], $0x80, s30, s14, $0xb8;
	[tilespmem:$0x1E280] =	vst v63  }
0x82: {  	_ =	swait.ge [sflag:s5], $0x2000  }
0x83: {  	[sflag:s5] =	ssyncset.done $0x0  }
0x84: {  	s28 =	sadd.s32 $0x13E00, s28;
	[sflag:s5] =	ssyncadd.s32 $0xFFFFE000  }
0x85: {  	[spmem:s2] =	stream.indirect.scatter.add.f32 [tilespmem:s22], [sflag:$0x8], $0x80, s28, s14, $0xb8;
	[tilespmem:$0x1E280] =	vst v63  }
0x86: {  	_ =	swait.ge [sflag:s7], $0x2000  }
0x87: {  	[sflag:s7] =	ssyncset.done $0x0  }
0x88: {  	[sflag:s7] =	ssyncadd.s32 $0xFFFFE000  }
0x89: {  	[tilespmem:s22], [sflag:$0x4] =	stream.indirect.gather [hbm4b:s1+s14], $0x80, s8, s14, $0xb8;
	[tilespmem:$0x1E280] =	vst v63  }
0x8a: {  	_ =	swait.ge [sflag:s23], $0x2000  }
0x8b: {  	[sflag:s23] =	ssyncset.done $0x0  }
0x8c: {  	[sflag:s23] =	ssyncadd.s32 $0xFFFFE000  }
0x8d: {  	[spmem:s2] =	stream.indirect.scatter.add.f32 [tilespmem:s16], [sflag:$0x5], $0x80, s9, s14, $0xb8;
	[tilespmem:$0x1E280] =	vst v63  }
0x8e: {  	_ =	swait.ge [sflag:s24], $0x2000  }
0x8f: {  	[sflag:s24] =	ssyncset.done $0x0  }
0x90: {  	[sflag:s24] =	ssyncadd.s32 $0xFFFFE000  }
0x91: {  	_ =	swait.ge [sflag:s26], $0x2000  }
0x92: {  	[sflag:s26] =	ssyncset.done $0x0  }
0x93: {  	[sflag:s26] =	ssyncadd.s32 $0xFFFFE000  }
0x94: {  	[spmem:s2] =	stream.indirect.scatter.add.f32 [tilespmem:s18], [sflag:$0x6], $0x80, s15, s14, $0xb8;
	[tilespmem:$0x1E280] =	vst v63  }
0x95: {  	_ =	swait.ge [sflag:s29], $0x2000  }
0x96: {  	[sflag:s29] =	ssyncset.done $0x0  }
0x97: {  	[sflag:s29] =	ssyncadd.s32 $0xFFFFE000  }
0x98: {  	_ =	swait.ge [sflag:s31], $0x2000  }
0x99: {  	[sflag:s31] =	ssyncset.done $0x0  }
0x9a: {  	[sflag:s31] =	ssyncadd.s32 $0xFFFFE000  }
0x9b: {  	[spmem:s2] =	stream.indirect.scatter.add.f32 [tilespmem:s20], [sflag:$0x7], $0x80, s17, s14, $0xb8;
	[tilespmem:$0x1E280] =	vst v63  }
0x9c: {  	_ =	swait.ge [sflag:s3], $0x2000  }
0x9d: {  	[sflag:s3] =	ssyncset.done $0x0  }
0x9e: {  	[sflag:s3] =	ssyncadd.s32 $0xFFFFE000  }
0x9f: {  	_ =	swait.ge [sflag:s5], $0x2000  }
0xa0: {  	[sflag:s5] =	ssyncset.done $0x0  }
0xa1: {  	[sflag:s5] =	ssyncadd.s32 $0xFFFFE000  }
0xa2: {  	[spmem:s2] =	stream.indirect.scatter.add.f32 [tilespmem:s22], [sflag:$0x8], $0x80, s19, s14, $0xb8;
	[tilespmem:$0x1E280] =	vst v63  }
0xa3: {  	_ =	swait.ge [sflag:s7], $0x2000  }
0xa4: {  	[sflag:s7] =	ssyncset.done $0x0  }
0xa5: {  	s25 =	simm.s32 $0x0;
	s28 =	rddreg [dreg:$0x6];
	[sflag:s7] =	ssyncadd.s32 $0xFFFFE000  }
0xa6: {  	[tilespmem:s12], [sflag:$0x9] =	stream.linear.gather [hbm4b:s28+s25], $0x2800, $0x38;
	[tilespmem:$0x1E280] =	vst v63  }
0xa7: {  	_ =	swait.ge [sflag:s13], $0x2800  }
0xa8: {  	[sflag:s13] =	ssyncset.done $0x0  }
0xa9: {  	s30 =	simm.s32 $0x13AC0;
	[sflag:s13] =	ssyncadd.s32 $0xFFFFD800  }
0xaa: {  	[tilespmem:s16], [sflag:$0x1] =	stream.indirect.gather [hbm4b:s1+s14], $0x80, s30, s14, $0xb8;
	[tilespmem:$0x1E280] =	vst v63  }
0xab: {  	s30 =	simm.s32 $0x13B40  }
0xac: {  	[tilespmem:s18], [sflag:$0x2] =	stream.indirect.gather [hbm4b:s1+s14], $0x80, s30, s14, $0xb8;
	[tilespmem:$0x1E280] =	vst v63  }
0xad: {  	s30 =	simm.s32 $0x13BC0  }
0xae: {  	[tilespmem:s20], [sflag:$0x3] =	stream.indirect.gather [hbm4b:s1+s14], $0x80, s30, s14, $0xb8;
	[tilespmem:$0x1E280] =	vst v63  }
0xaf: {  	s30 =	simm.s32 $0x13C40  }
0xb0: {  	[tilespmem:s22], [sflag:$0x4] =	stream.indirect.gather [hbm4b:s1+s14], $0x80, s30, s14, $0xb8;
	[tilespmem:$0x1E280] =	vst v63  }
0xb1: {  	_ =	swait.ge [sflag:s23], $0x2000  }
0xb2: {  	[sflag:s23] =	ssyncset.done $0x0  }
0xb3: {  	[sflag:s23] =	ssyncadd.s32 $0xFFFFE000  }
0xb4: {  	[spmem:s2] =	stream.indirect.scatter.add.f32 [tilespmem:s16], [sflag:$0x5], $0x80, s12, s14, $0xb8;
	[tilespmem:$0x1E280] =	vst v63  }
0xb5: {  	_ =	swait.ge [sflag:s24], $0x2000  }
0xb6: {  	[sflag:s24] =	ssyncset.done $0x0  }
0xb7: {  	s30 =	simm.s32 $0x13CC0;
	[sflag:s24] =	ssyncadd.s32 $0xFFFFE000  }
0xb8: {  	[tilespmem:s16], [sflag:$0x1] =	stream.indirect.gather [hbm4b:s1+s14], $0x80, s30, s14, $0xb8;
	[tilespmem:$0x1E280] =	vst v63  }
0xb9: {  	_ =	swait.ge [sflag:s26], $0x2000  }
0xba: {  	[sflag:s26] =	ssyncset.done $0x0  }
0xbb: {  	s30 =	simm.s32 $0x13B00;
	[sflag:s26] =	ssyncadd.s32 $0xFFFFE000  }
0xbc: {  	[spmem:s2] =	stream.indirect.scatter.add.f32 [tilespmem:s18], [sflag:$0x6], $0x80, s30, s14, $0xb8;
	[tilespmem:$0x1E280] =	vst v63  }
0xbd: {  	_ =	swait.ge [sflag:s29], $0x2000  }
0xbe: {  	[sflag:s29] =	ssyncset.done $0x0  }
0xbf: {  	s30 =	simm.s32 $0x13D40;
	[sflag:s29] =	ssyncadd.s32 $0xFFFFE000  }
0xc0: {  	[tilespmem:s18], [sflag:$0x2] =	stream.indirect.gather [hbm4b:s1+s14], $0x80, s30, s14, $0xb8;
	[tilespmem:$0x1E280] =	vst v63  }
0xc1: {  	_ =	swait.ge [sflag:s31], $0x2000  }
0xc2: {  	[sflag:s31] =	ssyncset.done $0x0  }
0xc3: {  	[sflag:s31] =	ssyncadd.s32 $0xFFFFE000  }
0xc4: {  	[spmem:s2] =	stream.indirect.scatter.add.f32 [tilespmem:s20], [sflag:$0x7], $0x80, s0, s14, $0xb8;
	[tilespmem:$0x1E280] =	vst v63  }
0xc5: {  	_ =	swait.ge [sflag:s3], $0x2000  }
0xc6: {  	[sflag:s3] =	ssyncset.done $0x0  }
0xc7: {  	[sflag:s3] =	ssyncadd.s32 $0xFFFFE000  }
0xc8: {  	[tilespmem:s20], [sflag:$0x3] =	stream.indirect.gather [hbm4b:s1+s14], $0x80, s4, s14, $0xb8;
	[tilespmem:$0x1E280] =	vst v63  }
0xc9: {  	_ =	swait.ge [sflag:s5], $0x2000  }
0xca: {  	[sflag:s5] =	ssyncset.done $0x0  }
0xcb: {  	[sflag:s5] =	ssyncadd.s32 $0xFFFFE000  }
0xcc: {  	[spmem:s2] =	stream.indirect.scatter.add.f32 [tilespmem:s22], [sflag:$0x8], $0x80, s6, s14, $0xb8;
	[tilespmem:$0x1E280] =	vst v63  }
0xcd: {  	_ =	swait.ge [sflag:s7], $0x2000  }
0xce: {  	[sflag:s7] =	ssyncset.done $0x0  }
0xcf: {  	s30 =	simm.s32 $0x13E40;
	[sflag:s7] =	ssyncadd.s32 $0xFFFFE000  }
0xd0: {  	[tilespmem:s22], [sflag:$0x4] =	stream.indirect.gather [hbm4b:s1+s14], $0x80, s30, s14, $0xb8;
	[tilespmem:$0x1E280] =	vst v63  }
0xd1: {  	_ =	swait.ge [sflag:s23], $0x2000  }
0xd2: {  	[sflag:s23] =	ssyncset.done $0x0  }
0xd3: {  	s30 =	simm.s32 $0x13C80;
	[sflag:s23] =	ssyncadd.s32 $0xFFFFE000  }
0xd4: {  	[spmem:s2] =	stream.indirect.scatter.add.f32 [tilespmem:s16], [sflag:$0x5], $0x80, s30, s14, $0xb8;
	[tilespmem:$0x1E280] =	vst v63  }
0xd5: {  	_ =	swait.ge [sflag:s24], $0x2000  }
0xd6: {  	[sflag:s24] =	ssyncset.done $0x0  }
0xd7: {  	s30 =	simm.s32 $0x13EC0;
	[sflag:s24] =	ssyncadd.s32 $0xFFFFE000  }
0xd8: {  	[tilespmem:s16], [sflag:$0x1] =	stream.indirect.gather [hbm4b:s1+s14], $0x80, s30, s14, $0xb8;
	[tilespmem:$0x1E280] =	vst v63  }
0xd9: {  	_ =	swait.ge [sflag:s26], $0x2000  }
0xda: {  	[sflag:s26] =	ssyncset.done $0x0  }
0xdb: {  	s30 =	simm.s32 $0x13D00;
	[sflag:s26] =	ssyncadd.s32 $0xFFFFE000  }
0xdc: {  	[spmem:s2] =	stream.indirect.scatter.add.f32 [tilespmem:s18], [sflag:$0x6], $0x80, s30, s14, $0xb8;
	[tilespmem:$0x1E280] =	vst v63  }
0xdd: {  	_ =	swait.ge [sflag:s29], $0x2000  }
0xde: {  	[sflag:s29] =	ssyncset.done $0x0  }
0xdf: {  	s30 =	simm.s32 $0x13F40;
	[sflag:s29] =	ssyncadd.s32 $0xFFFFE000  }
0xe0: {  	[tilespmem:s18], [sflag:$0x2] =	stream.indirect.gather [hbm4b:s1+s14], $0x80, s30, s14, $0xb8;
	[tilespmem:$0x1E280] =	vst v63  }
0xe1: {  	_ =	swait.ge [sflag:s31], $0x2000  }
0xe2: {  	[sflag:s31] =	ssyncset.done $0x0  }
0xe3: {  	s30 =	simm.s32 $0x13D80;
	[sflag:s31] =	ssyncadd.s32 $0xFFFFE000  }
0xe4: {  	[spmem:s2] =	stream.indirect.scatter.add.f32 [tilespmem:s20], [sflag:$0x7], $0x80, s30, s14, $0xb8;
	[tilespmem:$0x1E280] =	vst v63  }
0xe5: {  	_ =	swait.ge [sflag:s3], $0x2000  }
0xe6: {  	[sflag:s3] =	ssyncset.done $0x0  }
0xe7: {  	s30 =	simm.s32 $0x13FC0;
	[sflag:s3] =	ssyncadd.s32 $0xFFFFE000  }
0xe8: {  	[tilespmem:s20], [sflag:$0x3] =	stream.indirect.gather [hbm4b:s1+s14], $0x80, s30, s14, $0xb8;
	[tilespmem:$0x1E280] =	vst v63  }
0xe9: {  	_ =	swait.ge [sflag:s5], $0x2000  }
0xea: {  	[sflag:s5] =	ssyncset.done $0x0  }
0xeb: {  	s25 =	simm.s32 $0x800;
	s28 =	simm.s32 $0x13E00;
	[sflag:s5] =	ssyncadd.s32 $0xFFFFE000  }
.LBB2_4:
0xec: {  	[spmem:s2] =	stream.indirect.scatter.add.f32 [tilespmem:s22], [sflag:$0x8], $0x80, s28, s14, $0xb8;
	[tilespmem:$0x1E280] =	vst v63  }
0xed: {  	s28 =	smov.u32 s25  }
0xee: {  	p1 =	sne.s32 s25, $0x8800;
	s25 =	sadd.s32 $0x800, s25;
	_ =	swait.ge [sflag:s7], $0x2000  }
0xef: {  	s28 =	sshra.s32 s28, $0x2;
	[sflag:s7] =	ssyncset.done $0x0  }
0xf0: {  	s30 =	sadd.s32 $0x13E40, s28;
	[sflag:s7] =	ssyncadd.s32 $0xFFFFE000  }
0xf1: {  	[tilespmem:s22], [sflag:$0x4] =	stream.indirect.gather [hbm4b:s1+s14], $0x80, s30, s14, $0xb8;
	[tilespmem:$0x1E280] =	vst v63  }
0xf2: {  	_ =	swait.ge [sflag:s23], $0x2000  }
0xf3: {  	[sflag:s23] =	ssyncset.done $0x0  }
0xf4: {  	s30 =	sadd.s32 $0x13C80, s28;
	[sflag:s23] =	ssyncadd.s32 $0xFFFFE000  }
0xf5: {  	[spmem:s2] =	stream.indirect.scatter.add.f32 [tilespmem:s16], [sflag:$0x5], $0x80, s30, s14, $0xb8;
	[tilespmem:$0x1E280] =	vst v63  }
0xf6: {  	_ =	swait.ge [sflag:s24], $0x2000  }
0xf7: {  	[sflag:s24] =	ssyncset.done $0x0  }
0xf8: {  	s30 =	sadd.s32 $0x13EC0, s28;
	[sflag:s24] =	ssyncadd.s32 $0xFFFFE000  }
0xf9: {  	[tilespmem:s16], [sflag:$0x1] =	stream.indirect.gather [hbm4b:s1+s14], $0x80, s30, s14, $0xb8;
	[tilespmem:$0x1E280] =	vst v63  }
0xfa: {  	_ =	swait.ge [sflag:s26], $0x2000  }
0xfb: {  	[sflag:s26] =	ssyncset.done $0x0  }
0xfc: {  	s30 =	sadd.s32 $0x13D00, s28;
	[sflag:s26] =	ssyncadd.s32 $0xFFFFE000  }
0xfd: {  	[spmem:s2] =	stream.indirect.scatter.add.f32 [tilespmem:s18], [sflag:$0x6], $0x80, s30, s14, $0xb8;
	[tilespmem:$0x1E280] =	vst v63  }
0xfe: {  	_ =	swait.ge [sflag:s29], $0x2000  }
0xff: {  	[sflag:s29] =	ssyncset.done $0x0  }
0x100: {  	s30 =	sadd.s32 $0x13F40, s28;
	[sflag:s29] =	ssyncadd.s32 $0xFFFFE000  }
0x101: {  	[tilespmem:s18], [sflag:$0x2] =	stream.indirect.gather [hbm4b:s1+s14], $0x80, s30, s14, $0xb8;
	[tilespmem:$0x1E280] =	vst v63  }
0x102: {  	_ =	swait.ge [sflag:s31], $0x2000  }
0x103: {  	[sflag:s31] =	ssyncset.done $0x0  }
0x104: {  	s30 =	sadd.s32 $0x13D80, s28;
	[sflag:s31] =	ssyncadd.s32 $0xFFFFE000  }
0x105: {  	[spmem:s2] =	stream.indirect.scatter.add.f32 [tilespmem:s20], [sflag:$0x7], $0x80, s30, s14, $0xb8;
	[tilespmem:$0x1E280] =	vst v63  }
0x106: {  	_ =	swait.ge [sflag:s3], $0x2000  }
0x107: {  	[sflag:s3] =	ssyncset.done $0x0  }
.Ltmp1:
0x108: {  	s30 =	sadd.s32 $0x13FC0, s28;
	[sflag:s3] =	ssyncadd.s32 $0xFFFFE000;
	(pc) =	sbr.rel @p1 .LBB2_4-.Ltmp1, $4  }
0x109: {  	[tilespmem:s20], [sflag:$0x3] =	stream.indirect.gather [hbm4b:s1+s14], $0x80, s30, s14, $0xb8;
	[tilespmem:$0x1E280] =	vst v63  }
0x10a: {  	_ =	swait.ge [sflag:s5], $0x2000  }
0x10b: {  	[sflag:s5] =	ssyncset.done $0x0  }
0x10c: {  	s28 =	sadd.s32 $0x13E00, s28;
	[sflag:s5] =	ssyncadd.s32 $0xFFFFE000  }
0x10d: {  	[spmem:s2] =	stream.indirect.scatter.add.f32 [tilespmem:s22], [sflag:$0x8], $0x80, s28, s14, $0xb8;
	[tilespmem:$0x1E280] =	vst v63  }
0x10e: {  	_ =	swait.ge [sflag:s7], $0x2000  }
0x10f: {  	[sflag:s7] =	ssyncset.done $0x0  }
0x110: {  	[sflag:s7] =	ssyncadd.s32 $0xFFFFE000  }
0x111: {  	[tilespmem:s22], [sflag:$0x4] =	stream.indirect.gather [hbm4b:s1+s14], $0x80, s8, s14, $0xb8;
	[tilespmem:$0x1E280] =	vst v63  }
0x112: {  	_ =	swait.ge [sflag:s23], $0x2000  }
0x113: {  	[sflag:s23] =	ssyncset.done $0x0  }
0x114: {  	[sflag:s23] =	ssyncadd.s32 $0xFFFFE000  }
0x115: {  	[spmem:s2] =	stream.indirect.scatter.add.f32 [tilespmem:s16], [sflag:$0x5], $0x80, s9, s14, $0xb8;
	[tilespmem:$0x1E280] =	vst v63  }
0x116: {  	_ =	swait.ge [sflag:s24], $0x2000  }
0x117: {  	[sflag:s24] =	ssyncset.done $0x0  }
0x118: {  	[sflag:s24] =	ssyncadd.s32 $0xFFFFE000  }
0x119: {  	_ =	swait.ge [sflag:s26], $0x2000  }
0x11a: {  	[sflag:s26] =	ssyncset.done $0x0  }
0x11b: {  	[sflag:s26] =	ssyncadd.s32 $0xFFFFE000  }
0x11c: {  	[spmem:s2] =	stream.indirect.scatter.add.f32 [tilespmem:s18], [sflag:$0x6], $0x80, s15, s14, $0xb8;
	[tilespmem:$0x1E280] =	vst v63  }
0x11d: {  	_ =	swait.ge [sflag:s29], $0x2000  }
0x11e: {  	[sflag:s29] =	ssyncset.done $0x0  }
0x11f: {  	[sflag:s29] =	ssyncadd.s32 $0xFFFFE000  }
0x120: {  	_ =	swait.ge [sflag:s31], $0x2000  }
0x121: {  	[sflag:s31] =	ssyncset.done $0x0  }
0x122: {  	[sflag:s31] =	ssyncadd.s32 $0xFFFFE000  }
0x123: {  	[spmem:s2] =	stream.indirect.scatter.add.f32 [tilespmem:s20], [sflag:$0x7], $0x80, s17, s14, $0xb8;
	[tilespmem:$0x1E280] =	vst v63  }
0x124: {  	_ =	swait.ge [sflag:s3], $0x2000  }
0x125: {  	[sflag:s3] =	ssyncset.done $0x0  }
0x126: {  	[sflag:s3] =	ssyncadd.s32 $0xFFFFE000  }
0x127: {  	_ =	swait.ge [sflag:s5], $0x2000  }
0x128: {  	[sflag:s5] =	ssyncset.done $0x0  }
0x129: {  	[sflag:s5] =	ssyncadd.s32 $0xFFFFE000  }
0x12a: {  	[spmem:s2] =	stream.indirect.scatter.add.f32 [tilespmem:s22], [sflag:$0x8], $0x80, s19, s14, $0xb8;
	[tilespmem:$0x1E280] =	vst v63  }
0x12b: {  	_ =	swait.ge [sflag:s7], $0x2000  }
0x12c: {  	[sflag:s7] =	ssyncset.done $0x0  }
0x12d: {  	[sflag:s7] =	ssyncadd.s32 $0xFFFFE000  }
0x12e: {  	[bflag:$0x0] =	sbarrier.arrive $0xFFFF  }
0x12f: {  	s25 =	rddreg [dreg:$0x7]  }
0x130: {  	[hbm:s25], [sflag:s10] =	dma.local @!p0 [spmem:s11], $0x3E80  }
0x131: {  	s25 =	simm.s32 @!p0 $0x9  }
0x132: {  	_ =	swait.ge @!p0 [sflag:s25], $0x3E80  }
0x133: {  	s21 =	sadd.s32 $0x1, s21;
	s30 =	rddreg [dreg:$0x8]  }
0x134: {  	p1 =	sne.s32 s21, s30  }
.Ltmp2:
0x135: {  	_ = 	snop;
	(pc) =	sbr.rel @p1 .LBB2_1-.Ltmp2, $3  }
0x136: {  	_ =	sdelay $0x1  }
0x137: {  	[sflag:s25] =	ssyncset.done @!p0 $0x0  }
0x138: {  	[sflag:s25] =	ssyncadd.s32 @!p0 $0xFFFFC180  }
0x139: {  	_ =	sfence.sel $0x180000  }
0x13a: {  	[bflag:$0x0] =	sbarrier.arrive $0xFFFF  }
0x13b: {  	_ =	strace $0x9000004A  }
0x13c: {  	s0 =	stileid.u32;
	[bflag:$0x2] =	sbarrier.arrive $0xFFFF  }
0x13d: {  	p0 =	sne.s32 s0, $0x0;
	s0 =	rddreg [dreg:$0x3]  }
0x13e: {  	s0 =	sadd.s32 @!p0 $0x100000, s0  }
0x13f: {  	[sflag:s0] =	ssyncadd.tile.s32 @!p0 $0x1;
	_ =	shalt  }
.Lfunc_end2:
_tile_overlayer_lowered:
.L_overlay_start_2:
0x140: {  	(tag) =	ssettag $0x2  }
0x141: {  	s0 =	rddreg [dreg:$0x0];
	s2 =	stileid.u32  }
0x142: {  	s1 =	rddreg [dreg:$0x1];
	p0 =	sne.s32 s2, $0x0  }
0x143: {  	s3 =	rddreg [dreg:$0x2];
	[bflag:$0x3] =	sbarrier.arrive $0xFFFF;
	s2 =	simm.s32 @!p0 $0x1C09  }
0x144: {  	[timem:s3], [sflag:s2] =	dma.local @!p0 [hbm:s0], s1  }
0x145: {  	s0 =	simm.s32 @!p0 $0x9  }
0x146: {  	_ =	swait.ge @!p0 [sflag:s0], s1  }
0x147: {  	s1 =	ssub.s32 @!p0 $0x0, s1;
	[sflag:s0] =	ssyncset.done @!p0 $0x0  }
0x148: {  	[sflag:s0] =	ssyncadd.s32 @!p0 s1  }
0x149: {  	[bflag:$0x3] =	sbarrier.arrive $0xFFFF  }
0x14a: {  	_ =	shalt  }

// kernel: kernel.7.cloned.1.call-start
scs
__scs_entry_jumppad:
0x0: {  	(pc) =	sbr.rel $0x88, $3  }
0x1: {  	(tag) =	ssettag $0x0;
	lr =	simm.s32 $0x1  }
0x2: {  	[smem:$0x3F97] =	sst lr;
	_ =	strace $0xD0000000  }
0x3: {  	_ = 	snop  }
0x4: {  	_ = 	snop  }
0x5: {  	_ = 	snop  }
0x6: {  	_ = 	snop  }
0x7: {  	_ = 	snop  }
__scs_overlays_trampoline_lowered:
0x8: {  	[smem:$0x3FA6] =	sst s0  }
0x9: {  	[smem:$0x3FA7] =	sst s1  }
0xa: {  	[smem:$0x3FA8] =	sst s2  }
0xb: {  	[smem:$0x3FA9] =	sst s3  }
0xc: {  	[smem:$0x3FAA] =	sst s4  }
0xd: {  	[smem:$0x3FAB] =	sst s5  }
0xe: {  	[smem:$0x3FAC] =	sst s6  }
0xf: {  	[smem:$0x3FAD] =	sst s7  }
0x10: {  	[smem:$0x3FAE] =	sst s8  }
0x11: {  	[smem:$0x3FAF] =	sst s9;
	s0 =	simm.s32 @!p0 $0x0  }
0x12: {  	s1 =	sld [smem:$0x3F95];
	s0 =	simm.s32 @p0 $0x1  }
0x13: {  	[smem:$0x3FB0] =	sst s0;
	s0 =	simm.s32 @!p1 $0x0  }
0x14: {  	s2 =	sld [smem:$0x3F94];
	s0 =	simm.s32 @p1 $0x1  }
0x15: {  	[smem:$0x3FB1] =	sst s0;
	s0 =	simm.s32 @!p2 $0x0  }
0x16: {  	s3 =	sld [smem:$0x3FDB];
	s0 =	simm.s32 @p2 $0x1  }
0x17: {  	s4 =	simm.s32 $0x1BF5;
	[smem:$0x3FB3] =	sst s0  }
0x18: {  	s0 =	sld [smem:$0x3F96];
	_ =	swait.ge [sflag:s4], $0x0  }
0x19: {  	s7 =	sld [smem:$0x3F97]  }
0x1a: {  	s8 =	sadd.s32 $0xFFFFE003, lr  }
0x1b: {  	s9 =	sadd.s32 $0xFFFFFEF7, lr;
	s5 =	simm.s32 $0xFFFFFFFF;
	p2 =	slt.u32 s8, $0xFFFFF086  }
0x1c: {  	p1 =	slt.u32 s9, $0xF7A;
	s5 =	simm.s32 @!p2 $0x0  }
0x1d: {  	s5 =	simm.s32 @p1 $0x1;
	p0 =	seq.s32 s7, s2  }
0x1e: {  	s7 =	smul.u32 @!p0 $0xF7A, s2;
	p2 =	seq.s32 @!p0 s5, $0x0  }
0x1f: {  	s9 =	smul.u32 $0xF7A, s1;
	s8 =	simm.s32 @!p0 $0x1BF5;
	p2 =	por !p2, p0  }
0x20: {  	[sflag:s8] =	ssyncset.s32 @!p0 $0xFFFFF086;
	s6 =	sadd.s32 @!p0 s3, s7;
	s7 =	simm.s32 @!p0 $0x108  }
0x21: {  	s3 =	sadd.s32 s3, s9;
	s6 =	sadd.s32 @!p0 $0x88, s6;
	s7 =	simm.s32 @p2 $0x1082  }
0x22: {  	[simem:s7], [sflag:s8] =	dma.local @!p0 [hbm:s6], $0xF7A  }
0x23: {  	s9 =	sor.u32 $0xD0000000, s2;
	s6 =	simm.s32 $0x108;
	_ =	swait.ge @!p0 [sflag:s8], $0x0  }
0x24: {  	s3 =	sadd.s32 $0x88, s3;
	s6 =	simm.s32 @!p1 $0x1082;
	[sflag:s4] =	ssyncset.s32 $0xFFFFF086  }
0x25: {  	[simem:s6], [sflag:s4] =	dma.local [hbm:s3], $0xF7A  }
0x26: {  	[smem:$0x3F97] =	sst s1;
	(tag) =	ssettag s2;
	_ =	strace s9  }
0x27: {  	s1 =	sld [smem:$0x3FA7]  }
0x28: {  	s2 =	sld [smem:$0x3FA8]  }
0x29: {  	s4 =	sld [smem:$0x3FAA]  }
0x2a: {  	p0 =	seq.s32 s5, $0x0;
	s5 =	sld [smem:$0x3FAB]  }
0x2b: {  	s6 =	sld [smem:$0x3FAC]  }
0x2c: {  	s7 =	sld [smem:$0x3FAD]  }
0x2d: {  	s3 =	simm.s32 $0x108;
	s8 =	sld [smem:$0x3FAE]  }
0x2e: {  	s3 =	simm.s32 @!p0 $0x1082;
	s9 =	sld [smem:$0x3FAF]  }
0x2f: {  	lr =	sadd.s32 s0, s3;
	s0 =	sld [smem:$0x3FA6]  }
0x30: {  	s3 =	sld [smem:$0x3FA9]  }
0x31: {  	[smem:$0x3FB2] =	sst s10  }
0x32: {  	s10 =	sld [smem:$0x3FB0];
	_ =	sdelay $0x3  }
0x33: {  	p0 =	seq.s32 s10, $0x1;
	s10 =	sld [smem:$0x3FB2];
	_ =	sdelay $0x3  }
0x34: {  	[smem:$0x3FB2] =	sst s10  }
0x35: {  	s10 =	sld [smem:$0x3FB1];
	_ =	sdelay $0x3  }
0x36: {  	p1 =	seq.s32 s10, $0x1;
	s10 =	sld [smem:$0x3FB2];
	_ =	sdelay $0x3  }
0x37: {  	[smem:$0x3FB2] =	sst s10  }
0x38: {  	s10 =	sld [smem:$0x3FB3]  }
0x39: {  	_ = 	snop;
	(pc) =	sbr.ind lr, $3  }
0x3a: {  	_ = 	snop  }
0x3b: {  	_ = 	snop  }
0x3c: {  	p2 =	seq.s32 s10, $0x1;
	s10 =	sld [smem:$0x3FB2]  }
0x3d: {  	_ =	shalt  }
0x3e: {  	_ =	shalt  }
0x3f: {  	_ =	shalt  }
0x40: {  	_ =	shalt  }
0x41: {  	_ =	shalt  }
0x42: {  	_ =	shalt  }
0x43: {  	_ =	shalt  }
0x44: {  	_ =	shalt  }
0x45: {  	_ =	shalt  }
0x46: {  	_ =	shalt  }
0x47: {  	_ =	shalt  }
0x48: {  	_ =	shalt  }
0x49: {  	_ =	shalt  }
0x4a: {  	_ =	shalt  }
0x4b: {  	_ =	shalt  }
0x4c: {  	_ =	shalt  }
0x4d: {  	_ =	shalt  }
0x4e: {  	_ =	shalt  }
0x4f: {  	_ =	shalt  }
0x50: {  	_ =	shalt  }
0x51: {  	_ =	shalt  }
0x52: {  	_ =	shalt  }
0x53: {  	_ =	shalt  }
0x54: {  	_ =	shalt  }
0x55: {  	_ =	shalt  }
0x56: {  	_ =	shalt  }
0x57: {  	_ =	shalt  }
0x58: {  	_ =	shalt  }
0x59: {  	_ =	shalt  }
0x5a: {  	_ =	shalt  }
0x5b: {  	_ =	shalt  }
0x5c: {  	_ =	shalt  }
0x5d: {  	_ =	shalt  }
0x5e: {  	_ =	shalt  }
0x5f: {  	_ =	shalt  }
0x60: {  	_ =	shalt  }
0x61: {  	_ =	shalt  }
0x62: {  	_ =	shalt  }
0x63: {  	_ =	shalt  }
0x64: {  	_ =	shalt  }
0x65: {  	_ =	shalt  }
0x66: {  	_ =	shalt  }
0x67: {  	_ =	shalt  }
0x68: {  	_ =	shalt  }
0x69: {  	_ =	shalt  }
0x6a: {  	_ =	shalt  }
0x6b: {  	_ =	shalt  }
0x6c: {  	_ =	shalt  }
0x6d: {  	_ =	shalt  }
0x6e: {  	_ =	shalt  }
0x6f: {  	_ =	shalt  }
0x70: {  	_ =	shalt  }
0x71: {  	_ =	shalt  }
0x72: {  	_ =	shalt  }
0x73: {  	_ =	shalt  }
0x74: {  	_ =	shalt  }
0x75: {  	_ =	shalt  }
0x76: {  	_ =	shalt  }
0x77: {  	_ =	shalt  }
0x78: {  	_ =	shalt  }
0x79: {  	_ =	shalt  }
0x7a: {  	_ =	shalt  }
0x7b: {  	_ =	shalt  }
0x7c: {  	_ =	shalt  }
0x7d: {  	_ =	shalt  }
0x7e: {  	_ =	shalt  }
0x7f: {  	_ =	shalt  }
0x80: {  	_ =	shalt  }
0x81: {  	_ =	shalt  }
0x82: {  	_ =	shalt  }
0x83: {  	_ =	shalt  }
0x84: {  	_ =	shalt  }
0x85: {  	_ =	shalt  }
0x86: {  	_ =	shalt  }
0x87: {  	_ =	shalt  }
.Lfunc_end0:
.L_simem_size_0:
called_computation_lowered:
.L_overlay_start_0:
0x88: {  	s2 =	sld [smem:$0x3FD9]  }
0x89: {  	s3 =	sld [smem:$0x3FFE];
	_ =	sdelay $0x1  }
0x8a: {  	s1 =	srdreg.scid  }
0x8b: {  	s0 =	sand.u32 $0x1, s1  }
0x8c: {  	s17 =	sshll.u32 s0, $0xA;
	s2 =	sadd.s32 s3, s2  }
0x8d: {  	s2 =	sadd.s32 s2, s17  }
0x8e: {  	[smem:$0x3FBE] =	sst s2  }
0x8f: {  	_ = 	snop  }
0x90: {  	s2 =	sld [smem:$0x3FD0];
	(tm) =	ssettm $0x1  }
0x91: {  	s18 =	sld [smem:$0x3FFB];
	_ =	sdelay $0x3  }
0x92: {  	_ =	strace s18  }
0x93: {  	s3 =	sld [smem:$0x3FFC];
	_ =	sdelay $0x3  }
0x94: {  	_ =	strace s3  }
0x95: {  	s3 =	sld [smem:$0x3FFD];
	_ =	sdelay $0x3  }
0x96: {  	_ =	strace s3  }
0x97: {  	_ =	strace $0x8FFFFFFF  }
0x98: {  	s19 =	sld [smem:$0x3FDB];
	_ =	sdelay $0x1  }
0x99: {  	s4 =	simm.s32 $_scs_section_size  }
0x9a: {  	s5 =	simm.s32 $_size__tile_overlayer_lowered;
	s6 =	simm.s32 $_tile_overlayer_lowered  }
0x9b: {  	s22 =	simm.s32 $0x1BFF;
	s21 =	sshll.u32 s6, $0x1;
	s3 =	sadd.s32 s4, s19  }
0x9c: {  	s7 =	simm.s32 $0x0;
	s20 =	sshll.u32 s5, $0x1;
	s5 =	sadd.s32 s21, s3  }
0x9d: {  	[timem:s7], [sflag:s22] =	dma.local [hbm:s5], s20  }
0x9e: {  	_ =	swait.ge [sflag:s22], s20  }
0x9f: {  	s4 =	ssub.s32 $0x0, s20;
	[sflag:s22] =	ssyncset.done $0x0  }
0xa0: {  	[sflag:s22] =	ssyncadd.s32 s4;
	_ =	sdelay $0x1  }
0xa1: {  	s23 =	simm.s32 $0x1B8B  }
0xa2: {  	_ =	swait.ge [sflag:s23], $0x1  }
0xa3: {  	[sflag:s23] =	ssyncset.done $0x0  }
0xa4: {  	s25 =	simm.s32 $0x1B8E;
	s24 =	sld [smem:$0x3FFE];
	[sflag:s23] =	ssyncadd.s32 $0xFFFFFFFF  }
0xa5: {  	s26 =	simm.s32 $execute0_lowered;
	[smem:$0x3FD2] =	sst s25  }
0xa6: {  	s5 =	sshll.u32 s26, $0x1;
	_ =	strace $0x80000046;
	[dreg:$0x1] =	wrdreg $0xFFFFFFFF  }
0xa7: {  	s28 =	simm.s32 $_size_execute0_lowered;
	s3 =	sadd.s32 s3, s5;
	[dreg:$0x0] =	wrdreg $0x0  }
0xa8: {  	s5 =	sshll.u32 s28, $0x1;
	[dreg:$0x2] =	wrdreg s3  }
0xa9: {  	[dreg:$0x3] =	wrdreg s5  }
0xaa: {  	[dreg:$0x4] =	wrdreg $0xC0  }
0xab: {  	_ =	task [dreg:s7], $0x5FFFF  }
0xac: {  	[dreg:$0x1] =	wrdreg $0xFFFFFFFF  }
0xad: {  	[dreg:$0x0] =	wrdreg $0x60  }
0xae: {  	[dreg:$0x2] =	wrdreg s2  }
0xaf: {  	[dreg:$0x3] =	wrdreg s24  }
0xb0: {  	[dreg:$0x4] =	wrdreg $0x0  }
0xb1: {  	[dreg:$0x5] =	wrdreg $0x1E2800  }
0xb2: {  	[dreg:$0x6] =	wrdreg $0x9  }
0xb3: {  	_ =	task.clear_ibuf [dreg:s7], $0x7FFFF;
	_ =	strace $0x90000046  }
0xb4: {  	s29 =	simm.s32 $0x9;
	_ =	strace $0x80000048  }
0xb5: {  	_ =	swait.ge [sflag:s29], $0x1  }
0xb6: {  	[sflag:s29] =	ssyncadd.s32 $0xFFFFFFFF  }
0xb7: {  	_ =	strace $0x90000048  }
0xb8: {  	_ =	sfence  }
0xb9: {  	s30 =	sld [smem:$0x0];
	_ =	sdelay $0x2  }
0xba: {  	s31 =	sshll.u32 s1, $0xD;
	s1 =	sshrl.u32 s1, $0x2  }
0xbb: {  	s3 =	sand.u32 $0x4000, s31;
	s1 =	sadd.s32 s1, s30  }
0xbc: {  	s0 =	sor.u32 s3, s0;
	s1 =	sshll.u32 s1, $0x11  }
0xbd: {  	s0 =	sor.u32 s1, s0  }
0xbe: {  	s0 =	sadd.s32 $0x8F2B, s0  }
0xbf: {  	[sflag:s0] =	ssyncadd.remote.s32 $0x1  }
0xc0: {  	_ =	sfence.sel $0xFFFF  }
0xc1: {  	[dreg:$0x0] =	wrdreg $0xFFFFFFFF;
	(pc) =	sbr.abs _section_cstart, $3  }
0xc2: {  	[dreg:$0x1] =	wrdreg $0xFFFFFFFF  }
0xc3: {  	_ =	task.clear_ibuf [dreg:s7], $0x2FFFF;
	_ =	strace $0x9FFFFFFF  }
0xc4: {  	(tm) =	ssettm $0x7FFFFFFF  }
0xc5: {  	_ =	shalt  }
tec
execute0_lowered:
.L_overlay_start_1:
0x0: {  	(tag) =	ssettag $0x1  }
0x1: {  	s0 =	rddreg [dreg:$0x0]  }
0x2: {  	s1 =	rddreg [dreg:$0x1]  }
0x3: {  	s3 =	rddreg [dreg:$0x2];
	s2 =	srdreg.scid  }
0x4: {  	s4 =	rddreg [dreg:$0x3];
	s14 =	stileid.u32;
	s7 =	simm.s32 $0x0  }
0x5: {  	s28 =	simm.s32 $0x1C280;
	s29 =	simm.s32 $0x1;
	s30 =	simm.s32 $0x1E4F8  }
0x6: {  	s31 =	simm.s32 $0x5;
	s2 =	sand.u32 $0x1, s2;
	s6 =	smul.u32 $0x3E8, s14  }
0x7: {  	[smem:$0x7FF] =	sst s7;
	s17 =	sadd.s32 $0x16800, s1;
	s10 =	smul.u32 $0x7D000, s14  }
0x8: {  	s18 =	sadd.s32 $0x16600, s1;
	s19 =	sadd.s32 $0x2600, s1;
	s11 =	smul.u32 $0xFA0, s14  }
0x9: {  	p0 =	sgt.u32 s14, $0x9;
	_ =	strace $0x80000047;
	[dreg:$0x5] =	wrdreg s17  }
0xa: {  	s5 =	smul.u32 $0x2710, s2;
	[dreg:$0x6] =	wrdreg s18;
	s9 =	sshll.u32 s2, $0x4  }
0xb: {  	s2 =	ssub.s32 $0x2, s2;
	s17 =	simm.s32 $0x13A80;
	s18 =	simm.s32 $0x9  }
0xc: {  	s9 =	sor.u32 s14, s9;
	s12 =	sshrl.u32 s2, $0x1;
	s20 =	sshrl.u32 s10, $0x2  }
0xd: {  	s21 =	sshrl.u32 s11, $0x2;
	s5 =	sadd.s32 s6, s5;
	s13 =	smul.u32 $0x5000, s9  }
0xe: {  	s2 =	ssub.s32 s2, s12;
	s9 =	smul.u32 $0xA00, s9;
	s10 =	sadd.s32 s21, s4  }
0xf: {  	s6 =	sadd.s32 s6, s4;
	s21 =	simm.s32 $0x16280;
	s12 =	simm.s32 $0x13C00  }
0x10: {  	s8 =	sshll.u32 s5, $0x4;
	s5 =	sshrl.u32 s5, $0x3;
	[dreg:$0x7] =	wrdreg s10  }
0x11: {  	[dreg:$0xb] =	wrdreg s6;
	s6 =	sshll.u32 @!p0 s14, $0x6;
	s26 =	smax.u32 s2, $0x1  }
0x12: {  	s2 =	simm.s32 $0x2;
	s10 =	simm.s32 $0x7;
	s14 =	simm.s32 $0x16080  }
0x13: {  	s8 =	sadd.s32 s8, s1;
	s1 =	sadd.s32 s5, s1;
	s22 =	sshrl.u32 s13, $0x3  }
0x14: {  	s5 =	sadd.s32 s20, s3;
	s7 =	sadd.s32 s19, s9;
	[dreg:$0xd] =	wrdreg s26  }
0x15: {  	s13 =	sor.u32 @!p0 $0x1C09, s6;
	s6 =	simm.s32 $0x6;
	s20 =	simm.s32 $0x4  }
0x16: {  	s26 =	simm.s32 $0x16180;
	s23 =	sadd.s32 s19, s22;
	[dreg:$0x8] =	wrdreg s7  }
0x17: {  	s25 =	sadd.s32 $0x1B200, s8;
	s1 =	sadd.s32 $0x1A800, s1;
	s15 =	sshrl.u32 @!p0 s5, $0x3  }
0x18: {  	s19 =	simm.s32 $0x40;
	s8 =	simm.s32 $0x3;
	s22 =	simm.s32 $0x8  }
0x19: {  	s7 =	simm.s32 $0x0;
	s24 =	sadd.s32 $0x500, s23;
	[dreg:$0xa] =	wrdreg s25  }
0x1a: {  	[dreg:$0xc] =	wrdreg s1;
	s23 =	simm.s32 $0x18280;
	s25 =	simm.s32 $0x1A280  }
0x1b: {  	v0 =	vimm.f32 $1.000000000e+00;
	s1 =	simm.s32 $0x16200;
	[dreg:$0x9] =	wrdreg s24;
	s24 =	simm.s32 $0x16100  }
.LBB2_1:
0x1c: {  	[tilespmem:$0x1E4F8] =	vst v0  }
0x1d: {  	[tilespmem:$0x1E508] =	vst v0  }
0x1e: {  	[tilespmem:$0x1E518] =	vst v0  }
0x1f: {  	[tilespmem:$0x1E528] =	vst v0;
	s11 =	rddreg [dreg:$0x5]  }
0x20: {  	[spmem:s15], [sflag:s13] =	dma.local @!p0 [hbm:s11], $0x3E80  }
0x21: {  	s11 =	simm.s32 @!p0 $0x9  }
0x22: {  	s5 =	smov.u32 s13;
	_ =	swait.ge @!p0 [sflag:s11], $0x3E80  }
0x23: {  	s9 =	smov.u32 s15;
	s13 =	simm.s32 @!p0 $0x0;
	[sflag:s11] =	ssyncset.done @!p0 $0x0  }
0x24: {  	s15 =	simm.s32 @!p0 $0x1E578;
	s16 =	rddreg [dreg:$0x6];
	[sflag:s11] =	ssyncadd.s32 @!p0 $0xFFFFC180  }
0x25: {  	[tilespmem:s15], [sflag:$0x9] =	stream.linear.gather @!p0 [hbm4b:s16+s13], $0x400, $0x38;
	[tilespmem:$0x1E978] =	vst v63  }
0x26: {  	_ =	swait.ge @!p0 [sflag:s11], $0x400  }
0x27: {  	[sflag:s11] =	ssyncset.done @!p0 $0x0  }
0x28: {  	s13 =	rddreg [dreg:$0x7];
	[sflag:s11] =	ssyncadd.s32 @!p0 $0xFFFFFC00  }
0x29: {  	[spmem:s13] =	stream.linear.scatter @!p0 [tilespmem:s15], [sflag:$0x9], $0x3E8, $0x38;
	[tilespmem:$0x1E978] =	vst v63  }
0x2a: {  	_ =	swait.ge @!p0 [sflag:s11], $0x3E8  }
0x2b: {  	[sflag:s11] =	ssyncset.done @!p0 $0x0  }
0x2c: {  	s13 =	simm.s32 $0x0;
	s15 =	rddreg [dreg:$0x8];
	[sflag:s11] =	ssyncadd.s32 @!p0 $0xFFFFFC18  }
0x2d: {  	[tilespmem:s17], [sflag:$0x9] =	stream.linear.gather [hbm4b:s15+s13], $0x2800, $0x38;
	[tilespmem:$0x1E978] =	vst v63  }
0x2e: {  	_ =	swait.ge [sflag:s18], $0x2800  }
0x2f: {  	[sflag:s18] =	ssyncset.done $0x0  }
0x30: {  	s16 =	simm.s32 $0x13AC0;
	[sflag:s18] =	ssyncadd.s32 $0xFFFFD800  }
0x31: {  	[tilespmem:s21], [sflag:$0x1] =	stream.indirect.gather [hbm4b:s0+s19], $0x80, s16, s19, $0xb8;
	[tilespmem:$0x1E978] =	vst v63  }
0x32: {  	s13 =	simm.s32 $0x13B40  }
0x33: {  	[tilespmem:s23], [sflag:$0x2] =	stream.indirect.gather [hbm4b:s0+s19], $0x80, s13, s19, $0xb8;
	[tilespmem:$0x1E978] =	vst v63  }
0x34: {  	s15 =	simm.s32 $0x13BC0  }
0x35: {  	[tilespmem:s25], [sflag:$0x3] =	stream.indirect.gather [hbm4b:s0+s19], $0x80, s15, s19, $0xb8;
	[tilespmem:$0x1E978] =	vst v63  }
0x36: {  	s16 =	simm.s32 $0x13C40;
	[bflag:$0x0] =	sbarrier.arrive $0xFFFF  }
0x37: {  	[tilespmem:s28], [sflag:$0x4] =	stream.indirect.gather [hbm4b:s0+s19], $0x80, s16, s19, $0xb8;
	[tilespmem:$0x1E978] =	vst v63  }
0x38: {  	_ =	swait.ge [sflag:s29], $0x2000  }
0x39: {  	[sflag:s29] =	ssyncset.done $0x0  }
0x3a: {  	[sflag:s29] =	ssyncadd.s32 $0xFFFFE000  }
0x3b: {  	[spmem:s3] =	stream.indirect.scatter.add.f32 [tilespmem:s21], [sflag:$0x5], $0x80, s17, s19, $0xb8;
	[tilespmem:$0x1E978] =	vst v63  }
0x3c: {  	_ = 	snop  }
0x3d: {  	[spmem:s4] =	stream.indirect.scatter.add.f32 [tilespmem:s30], [sflag:$0x5], $0x1, s17, s19, $0xb8;
	[tilespmem:$0x1E978] =	vst v63  }
0x3e: {  	_ =	swait.ge [sflag:s31], $0x2000  }
0x3f: {  	[sflag:s31] =	ssyncset.done $0x0  }
0x40: {  	[sflag:s31] =	ssyncadd.s32 $0xFFFFE000  }
0x41: {  	_ =	swait.ge [sflag:s31], $0x40  }
0x42: {  	[sflag:s31] =	ssyncset.done $0x0  }
0x43: {  	s13 =	simm.s32 $0x13CC0;
	[sflag:s31] =	ssyncadd.s32 $0xFFFFFFC0  }
0x44: {  	[tilespmem:s21], [sflag:$0x1] =	stream.indirect.gather [hbm4b:s0+s19], $0x80, s13, s19, $0xb8;
	[tilespmem:$0x1E978] =	vst v63  }
0x45: {  	_ =	swait.ge [sflag:s2], $0x2000  }
0x46: {  	[sflag:s2] =	ssyncset.done $0x0  }
0x47: {  	s15 =	simm.s32 $0x13B00;
	[sflag:s2] =	ssyncadd.s32 $0xFFFFE000  }
0x48: {  	[spmem:s3] =	stream.indirect.scatter.add.f32 [tilespmem:s23], [sflag:$0x6], $0x80, s15, s19, $0xb8;
	[tilespmem:$0x1E978] =	vst v63  }
0x49: {  	_ = 	snop  }
0x4a: {  	[spmem:s4] =	stream.indirect.scatter.add.f32 [tilespmem:s30], [sflag:$0x6], $0x1, s15, s19, $0xb8;
	[tilespmem:$0x1E978] =	vst v63  }
0x4b: {  	_ =	swait.ge [sflag:s6], $0x2000  }
0x4c: {  	[sflag:s6] =	ssyncset.done $0x0  }
0x4d: {  	[sflag:s6] =	ssyncadd.s32 $0xFFFFE000  }
0x4e: {  	_ =	swait.ge [sflag:s6], $0x40  }
0x4f: {  	[sflag:s6] =	ssyncset.done $0x0  }
0x50: {  	s16 =	simm.s32 $0x13D40;
	[sflag:s6] =	ssyncadd.s32 $0xFFFFFFC0  }
0x51: {  	[tilespmem:s23], [sflag:$0x2] =	stream.indirect.gather [hbm4b:s0+s19], $0x80, s16, s19, $0xb8;
	[tilespmem:$0x1E978] =	vst v63  }
0x52: {  	_ =	swait.ge [sflag:s8], $0x2000  }
0x53: {  	[sflag:s8] =	ssyncset.done $0x0  }
0x54: {  	s13 =	simm.s32 $0x13B80;
	[sflag:s8] =	ssyncadd.s32 $0xFFFFE000  }
0x55: {  	[spmem:s3] =	stream.indirect.scatter.add.f32 [tilespmem:s25], [sflag:$0x7], $0x80, s13, s19, $0xb8;
	[tilespmem:$0x1E978] =	vst v63  }
0x56: {  	_ = 	snop  }
0x57: {  	[spmem:s4] =	stream.indirect.scatter.add.f32 [tilespmem:s30], [sflag:$0x7], $0x1, s13, s19, $0xb8;
	[tilespmem:$0x1E978] =	vst v63  }
0x58: {  	_ =	swait.ge [sflag:s10], $0x2000  }
0x59: {  	[sflag:s10] =	ssyncset.done $0x0  }
0x5a: {  	[sflag:s10] =	ssyncadd.s32 $0xFFFFE000  }
0x5b: {  	_ =	swait.ge [sflag:s10], $0x40  }
0x5c: {  	[sflag:s10] =	ssyncset.done $0x0  }
0x5d: {  	s15 =	simm.s32 $0x13DC0;
	[sflag:s10] =	ssyncadd.s32 $0xFFFFFFC0  }
0x5e: {  	[tilespmem:s25], [sflag:$0x3] =	stream.indirect.gather [hbm4b:s0+s19], $0x80, s15, s19, $0xb8;
	[tilespmem:$0x1E978] =	vst v63  }
0x5f: {  	_ =	swait.ge [sflag:s20], $0x2000  }
0x60: {  	[sflag:s20] =	ssyncset.done $0x0  }
0x61: {  	[sflag:s20] =	ssyncadd.s32 $0xFFFFE000  }
0x62: {  	[spmem:s3] =	stream.indirect.scatter.add.f32 [tilespmem:s28], [sflag:$0x8], $0x80, s12, s19, $0xb8;
	[tilespmem:$0x1E978] =	vst v63  }
0x63: {  	_ = 	snop  }
0x64: {  	[spmem:s4] =	stream.indirect.scatter.add.f32 [tilespmem:s30], [sflag:$0x8], $0x1, s12, s19, $0xb8;
	[tilespmem:$0x1E978] =	vst v63  }
0x65: {  	_ =	swait.ge [sflag:s22], $0x2000  }
0x66: {  	[sflag:s22] =	ssyncset.done $0x0  }
0x67: {  	[sflag:s22] =	ssyncadd.s32 $0xFFFFE000  }
0x68: {  	_ =	swait.ge [sflag:s22], $0x40  }
0x69: {  	[sflag:s22] =	ssyncset.done $0x0  }
0x6a: {  	s16 =	simm.s32 $0x13E40;
	[sflag:s22] =	ssyncadd.s32 $0xFFFFFFC0  }
0x6b: {  	[tilespmem:s28], [sflag:$0x4] =	stream.indirect.gather [hbm4b:s0+s19], $0x80, s16, s19, $0xb8;
	[tilespmem:$0x1E978] =	vst v63  }
0x6c: {  	_ =	swait.ge [sflag:s29], $0x2000  }
0x6d: {  	[sflag:s29] =	ssyncset.done $0x0  }
0x6e: {  	s13 =	simm.s32 $0x13C80;
	[sflag:s29] =	ssyncadd.s32 $0xFFFFE000  }
0x6f: {  	[spmem:s3] =	stream.indirect.scatter.add.f32 [tilespmem:s21], [sflag:$0x5], $0x80, s13, s19, $0xb8;
	[tilespmem:$0x1E978] =	vst v63  }
0x70: {  	_ = 	snop  }
0x71: {  	[spmem:s4] =	stream.indirect.scatter.add.f32 [tilespmem:s30], [sflag:$0x5], $0x1, s13, s19, $0xb8;
	[tilespmem:$0x1E978] =	vst v63  }
0x72: {  	_ =	swait.ge [sflag:s31], $0x2000  }
0x73: {  	[sflag:s31] =	ssyncset.done $0x0  }
0x74: {  	[sflag:s31] =	ssyncadd.s32 $0xFFFFE000  }
0x75: {  	_ =	swait.ge [sflag:s31], $0x40  }
0x76: {  	[sflag:s31] =	ssyncset.done $0x0  }
0x77: {  	s15 =	simm.s32 $0x13EC0;
	[sflag:s31] =	ssyncadd.s32 $0xFFFFFFC0  }
0x78: {  	[tilespmem:s21], [sflag:$0x1] =	stream.indirect.gather [hbm4b:s0+s19], $0x80, s15, s19, $0xb8;
	[tilespmem:$0x1E978] =	vst v63  }
0x79: {  	_ =	swait.ge [sflag:s2], $0x2000  }
0x7a: {  	[sflag:s2] =	ssyncset.done $0x0  }
0x7b: {  	s16 =	simm.s32 $0x13D00;
	[sflag:s2] =	ssyncadd.s32 $0xFFFFE000  }
0x7c: {  	[spmem:s3] =	stream.indirect.scatter.add.f32 [tilespmem:s23], [sflag:$0x6], $0x80, s16, s19, $0xb8;
	[tilespmem:$0x1E978] =	vst v63  }
0x7d: {  	_ = 	snop  }
0x7e: {  	[spmem:s4] =	stream.indirect.scatter.add.f32 [tilespmem:s30], [sflag:$0x6], $0x1, s16, s19, $0xb8;
	[tilespmem:$0x1E978] =	vst v63  }
0x7f: {  	_ =	swait.ge [sflag:s6], $0x2000  }
0x80: {  	[sflag:s6] =	ssyncset.done $0x0  }
0x81: {  	[sflag:s6] =	ssyncadd.s32 $0xFFFFE000  }
0x82: {  	_ =	swait.ge [sflag:s6], $0x40  }
0x83: {  	[sflag:s6] =	ssyncset.done $0x0  }
0x84: {  	s13 =	simm.s32 $0x13F40;
	[sflag:s6] =	ssyncadd.s32 $0xFFFFFFC0  }
0x85: {  	[tilespmem:s23], [sflag:$0x2] =	stream.indirect.gather [hbm4b:s0+s19], $0x80, s13, s19, $0xb8;
	[tilespmem:$0x1E978] =	vst v63  }
0x86: {  	_ =	swait.ge [sflag:s8], $0x2000  }
0x87: {  	[sflag:s8] =	ssyncset.done $0x0  }
0x88: {  	s15 =	simm.s32 $0x13D80;
	[sflag:s8] =	ssyncadd.s32 $0xFFFFE000  }
0x89: {  	[spmem:s3] =	stream.indirect.scatter.add.f32 [tilespmem:s25], [sflag:$0x7], $0x80, s15, s19, $0xb8;
	[tilespmem:$0x1E978] =	vst v63  }
0x8a: {  	_ = 	snop  }
0x8b: {  	[spmem:s4] =	stream.indirect.scatter.add.f32 [tilespmem:s30], [sflag:$0x7], $0x1, s15, s19, $0xb8;
	[tilespmem:$0x1E978] =	vst v63  }
0x8c: {  	_ =	swait.ge [sflag:s10], $0x2000  }
0x8d: {  	[sflag:s10] =	ssyncset.done $0x0  }
0x8e: {  	[sflag:s10] =	ssyncadd.s32 $0xFFFFE000  }
0x8f: {  	_ =	swait.ge [sflag:s10], $0x40  }
0x90: {  	[sflag:s10] =	ssyncset.done $0x0  }
0x91: {  	s16 =	simm.s32 $0x13FC0;
	[sflag:s10] =	ssyncadd.s32 $0xFFFFFFC0  }
0x92: {  	[tilespmem:s25], [sflag:$0x3] =	stream.indirect.gather [hbm4b:s0+s19], $0x80, s16, s19, $0xb8;
	[tilespmem:$0x1E978] =	vst v63  }
0x93: {  	_ =	swait.ge [sflag:s20], $0x2000  }
0x94: {  	[sflag:s20] =	ssyncset.done $0x0  }
0x95: {  	s11 =	simm.s32 $0x800;
	s13 =	simm.s32 $0x13E00;
	[sflag:s20] =	ssyncadd.s32 $0xFFFFE000  }
0x96: {  	[spmem:s3] =	stream.indirect.scatter.add.f32 [tilespmem:s28], [sflag:$0x8], $0x80, s13, s19, $0xb8;
	[tilespmem:$0x1E978] =	vst v63  }
.LBB2_2:
0x97: {  	[spmem:s4] =	stream.indirect.scatter.add.f32 [tilespmem:s30], [sflag:$0x8], $0x1, s13, s19, $0xb8;
	[tilespmem:$0x1E978] =	vst v63  }
0x98: {  	s13 =	smov.u32 s11  }
0x99: {  	p1 =	sne.s32 s11, $0x8800;
	s11 =	sadd.s32 $0x800, s11;
	_ =	swait.ge [sflag:s22], $0x2000  }
0x9a: {  	[sflag:s22] =	ssyncset.done $0x0  }
0x9b: {  	[sflag:s22] =	ssyncadd.s32 $0xFFFFE000  }
0x9c: {  	_ =	swait.ge [sflag:s22], $0x40  }
0x9d: {  	s13 =	sshra.s32 s13, $0x2;
	[sflag:s22] =	ssyncset.done $0x0  }
0x9e: {  	s15 =	sadd.s32 $0x13E40, s13;
	[sflag:s22] =	ssyncadd.s32 $0xFFFFFFC0  }
0x9f: {  	[tilespmem:s28], [sflag:$0x4] =	stream.indirect.gather [hbm4b:s0+s19], $0x80, s15, s19, $0xb8;
	[tilespmem:$0x1E978] =	vst v63  }
0xa0: {  	_ =	swait.ge [sflag:s29], $0x2000  }
0xa1: {  	[sflag:s29] =	ssyncset.done $0x0  }
0xa2: {  	s15 =	sadd.s32 $0x13C80, s13;
	[sflag:s29] =	ssyncadd.s32 $0xFFFFE000  }
0xa3: {  	[spmem:s3] =	stream.indirect.scatter.add.f32 [tilespmem:s21], [sflag:$0x5], $0x80, s15, s19, $0xb8;
	[tilespmem:$0x1E978] =	vst v63  }
0xa4: {  	_ = 	snop  }
0xa5: {  	[spmem:s4] =	stream.indirect.scatter.add.f32 [tilespmem:s30], [sflag:$0x5], $0x1, s15, s19, $0xb8;
	[tilespmem:$0x1E978] =	vst v63  }
0xa6: {  	_ =	swait.ge [sflag:s31], $0x2000  }
0xa7: {  	[sflag:s31] =	ssyncset.done $0x0  }
0xa8: {  	[sflag:s31] =	ssyncadd.s32 $0xFFFFE000  }
0xa9: {  	_ =	swait.ge [sflag:s31], $0x40  }
0xaa: {  	[sflag:s31] =	ssyncset.done $0x0  }
0xab: {  	s15 =	sadd.s32 $0x13EC0, s13;
	[sflag:s31] =	ssyncadd.s32 $0xFFFFFFC0  }
0xac: {  	[tilespmem:s21], [sflag:$0x1] =	stream.indirect.gather [hbm4b:s0+s19], $0x80, s15, s19, $0xb8;
	[tilespmem:$0x1E978] =	vst v63  }
0xad: {  	_ =	swait.ge [sflag:s2], $0x2000  }
0xae: {  	[sflag:s2] =	ssyncset.done $0x0  }
0xaf: {  	s15 =	sadd.s32 $0x13D00, s13;
	[sflag:s2] =	ssyncadd.s32 $0xFFFFE000  }
0xb0: {  	[spmem:s3] =	stream.indirect.scatter.add.f32 [tilespmem:s23], [sflag:$0x6], $0x80, s15, s19, $0xb8;
	[tilespmem:$0x1E978] =	vst v63  }
0xb1: {  	_ = 	snop  }
0xb2: {  	[spmem:s4] =	stream.indirect.scatter.add.f32 [tilespmem:s30], [sflag:$0x6], $0x1, s15, s19, $0xb8;
	[tilespmem:$0x1E978] =	vst v63  }
0xb3: {  	_ =	swait.ge [sflag:s6], $0x2000  }
0xb4: {  	[sflag:s6] =	ssyncset.done $0x0  }
0xb5: {  	[sflag:s6] =	ssyncadd.s32 $0xFFFFE000  }
0xb6: {  	_ =	swait.ge [sflag:s6], $0x40  }
0xb7: {  	[sflag:s6] =	ssyncset.done $0x0  }
0xb8: {  	s15 =	sadd.s32 $0x13F40, s13;
	[sflag:s6] =	ssyncadd.s32 $0xFFFFFFC0  }
0xb9: {  	[tilespmem:s23], [sflag:$0x2] =	stream.indirect.gather [hbm4b:s0+s19], $0x80, s15, s19, $0xb8;
	[tilespmem:$0x1E978] =	vst v63  }
0xba: {  	_ =	swait.ge [sflag:s8], $0x2000  }
0xbb: {  	[sflag:s8] =	ssyncset.done $0x0  }
0xbc: {  	s15 =	sadd.s32 $0x13D80, s13;
	[sflag:s8] =	ssyncadd.s32 $0xFFFFE000  }
0xbd: {  	[spmem:s3] =	stream.indirect.scatter.add.f32 [tilespmem:s25], [sflag:$0x7], $0x80, s15, s19, $0xb8;
	[tilespmem:$0x1E978] =	vst v63  }
0xbe: {  	_ = 	snop  }
0xbf: {  	[spmem:s4] =	stream.indirect.scatter.add.f32 [tilespmem:s30], [sflag:$0x7], $0x1, s15, s19, $0xb8;
	[tilespmem:$0x1E978] =	vst v63  }
0xc0: {  	_ =	swait.ge [sflag:s10], $0x2000  }
0xc1: {  	[sflag:s10] =	ssyncset.done $0x0  }
0xc2: {  	[sflag:s10] =	ssyncadd.s32 $0xFFFFE000  }
0xc3: {  	_ =	swait.ge [sflag:s10], $0x40  }
0xc4: {  	[sflag:s10] =	ssyncset.done $0x0  }
0xc5: {  	s15 =	sadd.s32 $0x13FC0, s13;
	[sflag:s10] =	ssyncadd.s32 $0xFFFFFFC0  }
0xc6: {  	[tilespmem:s25], [sflag:$0x3] =	stream.indirect.gather [hbm4b:s0+s19], $0x80, s15, s19, $0xb8;
	[tilespmem:$0x1E978] =	vst v63  }
.Ltmp0:
0xc7: {  	_ = 	snop;
	(pc) =	sbr.rel @p1 .LBB2_2-.Ltmp0, $4  }
0xc8: {  	_ =	swait.ge [sflag:s20], $0x2000  }
0xc9: {  	[sflag:s20] =	ssyncset.done $0x0  }
0xca: {  	s13 =	sadd.s32 $0x13E00, s13;
	[sflag:s20] =	ssyncadd.s32 $0xFFFFE000  }
0xcb: {  	[spmem:s3] =	stream.indirect.scatter.add.f32 [tilespmem:s28], [sflag:$0x8], $0x80, s13, s19, $0xb8;
	[tilespmem:$0x1E978] =	vst v63  }
0xcc: {  	[spmem:s4] =	stream.indirect.scatter.add.f32 [tilespmem:s30], [sflag:$0x8], $0x1, s13, s19, $0xb8;
	[tilespmem:$0x1E978] =	vst v63  }
0xcd: {  	_ =	swait.ge [sflag:s22], $0x2000  }
0xce: {  	[sflag:s22] =	ssyncset.done $0x0  }
0xcf: {  	[sflag:s22] =	ssyncadd.s32 $0xFFFFE000  }
0xd0: {  	_ =	swait.ge [sflag:s22], $0x40  }
0xd1: {  	[sflag:s22] =	ssyncset.done $0x0  }
0xd2: {  	s11 =	simm.s32 $0x16240;
	[sflag:s22] =	ssyncadd.s32 $0xFFFFFFC0  }
0xd3: {  	[tilespmem:s28], [sflag:$0x4] =	stream.indirect.gather [hbm4b:s0+s19], $0x80, s11, s19, $0xb8;
	[tilespmem:$0x1E978] =	vst v63  }
0xd4: {  	_ =	swait.ge [sflag:s29], $0x2000  }
0xd5: {  	[sflag:s29] =	ssyncset.done $0x0  }
0xd6: {  	[sflag:s29] =	ssyncadd.s32 $0xFFFFE000  }
0xd7: {  	[spmem:s3] =	stream.indirect.scatter.add.f32 [tilespmem:s21], [sflag:$0x5], $0x80, s14, s19, $0xb8;
	[tilespmem:$0x1E978] =	vst v63  }
0xd8: {  	_ = 	snop  }
0xd9: {  	[spmem:s4] =	stream.indirect.scatter.add.f32 [tilespmem:s30], [sflag:$0x5], $0x1, s14, s19, $0xb8;
	[tilespmem:$0x1E978] =	vst v63  }
0xda: {  	_ =	swait.ge [sflag:s31], $0x2000  }
0xdb: {  	[sflag:s31] =	ssyncset.done $0x0  }
0xdc: {  	[sflag:s31] =	ssyncadd.s32 $0xFFFFE000  }
0xdd: {  	_ =	swait.ge [sflag:s31], $0x40  }
0xde: {  	[sflag:s31] =	ssyncset.done $0x0  }
0xdf: {  	[sflag:s31] =	ssyncadd.s32 $0xFFFFFFC0  }
0xe0: {  	_ =	swait.ge [sflag:s2], $0x2000  }
0xe1: {  	[sflag:s2] =	ssyncset.done $0x0  }
0xe2: {  	[sflag:s2] =	ssyncadd.s32 $0xFFFFE000  }
0xe3: {  	[spmem:s3] =	stream.indirect.scatter.add.f32 [tilespmem:s23], [sflag:$0x6], $0x80, s24, s19, $0xb8;
	[tilespmem:$0x1E978] =	vst v63  }
0xe4: {  	_ = 	snop  }
0xe5: {  	[spmem:s4] =	stream.indirect.scatter.add.f32 [tilespmem:s30], [sflag:$0x6], $0x1, s24, s19, $0xb8;
	[tilespmem:$0x1E978] =	vst v63  }
0xe6: {  	_ =	swait.ge [sflag:s6], $0x2000  }
0xe7: {  	[sflag:s6] =	ssyncset.done $0x0  }
0xe8: {  	[sflag:s6] =	ssyncadd.s32 $0xFFFFE000  }
0xe9: {  	_ =	swait.ge [sflag:s6], $0x40  }
0xea: {  	[sflag:s6] =	ssyncset.done $0x0  }
0xeb: {  	[sflag:s6] =	ssyncadd.s32 $0xFFFFFFC0  }
0xec: {  	_ =	swait.ge [sflag:s8], $0x2000  }
0xed: {  	[sflag:s8] =	ssyncset.done $0x0  }
0xee: {  	[sflag:s8] =	ssyncadd.s32 $0xFFFFE000  }
0xef: {  	[spmem:s3] =	stream.indirect.scatter.add.f32 [tilespmem:s25], [sflag:$0x7], $0x80, s26, s19, $0xb8;
	[tilespmem:$0x1E978] =	vst v63  }
0xf0: {  	_ = 	snop  }
0xf1: {  	[spmem:s4] =	stream.indirect.scatter.add.f32 [tilespmem:s30], [sflag:$0x7], $0x1, s26, s19, $0xb8;
	[tilespmem:$0x1E978] =	vst v63  }
0xf2: {  	_ =	swait.ge [sflag:s10], $0x2000  }
0xf3: {  	[sflag:s10] =	ssyncset.done $0x0  }
0xf4: {  	[sflag:s10] =	ssyncadd.s32 $0xFFFFE000  }
0xf5: {  	_ =	swait.ge [sflag:s10], $0x40  }
0xf6: {  	[sflag:s10] =	ssyncset.done $0x0  }
0xf7: {  	[sflag:s10] =	ssyncadd.s32 $0xFFFFFFC0  }
0xf8: {  	_ =	swait.ge [sflag:s20], $0x2000  }
0xf9: {  	[sflag:s20] =	ssyncset.done $0x0  }
0xfa: {  	[sflag:s20] =	ssyncadd.s32 $0xFFFFE000  }
0xfb: {  	[spmem:s3] =	stream.indirect.scatter.add.f32 [tilespmem:s28], [sflag:$0x8], $0x80, s1, s19, $0xb8;
	[tilespmem:$0x1E978] =	vst v63  }
0xfc: {  	_ = 	snop  }
0xfd: {  	[spmem:s4] =	stream.indirect.scatter.add.f32 [tilespmem:s30], [sflag:$0x8], $0x1, s1, s19, $0xb8;
	[tilespmem:$0x1E978] =	vst v63  }
0xfe: {  	_ =	swait.ge [sflag:s22], $0x2000  }
0xff: {  	[sflag:s22] =	ssyncset.done $0x0  }
0x100: {  	[sflag:s22] =	ssyncadd.s32 $0xFFFFE000  }
0x101: {  	_ =	swait.ge [sflag:s22], $0x40  }
0x102: {  	[sflag:s22] =	ssyncset.done $0x0  }
0x103: {  	s13 =	simm.s32 $0x0;
	s15 =	rddreg [dreg:$0x9];
	[sflag:s22] =	ssyncadd.s32 $0xFFFFFFC0  }
0x104: {  	[tilespmem:s17], [sflag:$0x9] =	stream.linear.gather [hbm4b:s15+s13], $0x2800, $0x38;
	[tilespmem:$0x1E978] =	vst v63  }
0x105: {  	_ =	swait.ge [sflag:s18], $0x2800  }
0x106: {  	[sflag:s18] =	ssyncset.done $0x0  }
0x107: {  	s16 =	simm.s32 $0x13AC0;
	[sflag:s18] =	ssyncadd.s32 $0xFFFFD800  }
0x108: {  	[tilespmem:s21], [sflag:$0x1] =	stream.indirect.gather [hbm4b:s0+s19], $0x80, s16, s19, $0xb8;
	[tilespmem:$0x1E978] =	vst v63  }
0x109: {  	s13 =	simm.s32 $0x13B40  }
0x10a: {  	[tilespmem:s23], [sflag:$0x2] =	stream.indirect.gather [hbm4b:s0+s19], $0x80, s13, s19, $0xb8;
	[tilespmem:$0x1E978] =	vst v63  }
0x10b: {  	s15 =	simm.s32 $0x13BC0  }
0x10c: {  	[tilespmem:s25], [sflag:$0x3] =	stream.indirect.gather [hbm4b:s0+s19], $0x80, s15, s19, $0xb8;
	[tilespmem:$0x1E978] =	vst v63  }
0x10d: {  	s16 =	simm.s32 $0x13C40  }
0x10e: {  	[tilespmem:s28], [sflag:$0x4] =	stream.indirect.gather [hbm4b:s0+s19], $0x80, s16, s19, $0xb8;
	[tilespmem:$0x1E978] =	vst v63  }
0x10f: {  	_ =	swait.ge [sflag:s29], $0x2000  }
0x110: {  	[sflag:s29] =	ssyncset.done $0x0  }
0x111: {  	[sflag:s29] =	ssyncadd.s32 $0xFFFFE000  }
0x112: {  	[spmem:s3] =	stream.indirect.scatter.add.f32 [tilespmem:s21], [sflag:$0x5], $0x80, s17, s19, $0xb8;
	[tilespmem:$0x1E978] =	vst v63  }
0x113: {  	_ = 	snop  }
0x114: {  	[spmem:s4] =	stream.indirect.scatter.add.f32 [tilespmem:s30], [sflag:$0x5], $0x1, s17, s19, $0xb8;
	[tilespmem:$0x1E978] =	vst v63  }
0x115: {  	_ =	swait.ge [sflag:s31], $0x2000  }
0x116: {  	[sflag:s31] =	ssyncset.done $0x0  }
0x117: {  	[sflag:s31] =	ssyncadd.s32 $0xFFFFE000  }
0x118: {  	_ =	swait.ge [sflag:s31], $0x40  }
0x119: {  	[sflag:s31] =	ssyncset.done $0x0  }
0x11a: {  	s13 =	simm.s32 $0x13CC0;
	[sflag:s31] =	ssyncadd.s32 $0xFFFFFFC0  }
0x11b: {  	[tilespmem:s21], [sflag:$0x1] =	stream.indirect.gather [hbm4b:s0+s19], $0x80, s13, s19, $0xb8;
	[tilespmem:$0x1E978] =	vst v63  }
0x11c: {  	_ =	swait.ge [sflag:s2], $0x2000  }
0x11d: {  	[sflag:s2] =	ssyncset.done $0x0  }
0x11e: {  	s15 =	simm.s32 $0x13B00;
	[sflag:s2] =	ssyncadd.s32 $0xFFFFE000  }
0x11f: {  	[spmem:s3] =	stream.indirect.scatter.add.f32 [tilespmem:s23], [sflag:$0x6], $0x80, s15, s19, $0xb8;
	[tilespmem:$0x1E978] =	vst v63  }
0x120: {  	_ = 	snop  }
0x121: {  	[spmem:s4] =	stream.indirect.scatter.add.f32 [tilespmem:s30], [sflag:$0x6], $0x1, s15, s19, $0xb8;
	[tilespmem:$0x1E978] =	vst v63  }
0x122: {  	_ =	swait.ge [sflag:s6], $0x2000  }
0x123: {  	[sflag:s6] =	ssyncset.done $0x0  }
0x124: {  	[sflag:s6] =	ssyncadd.s32 $0xFFFFE000  }
0x125: {  	_ =	swait.ge [sflag:s6], $0x40  }
0x126: {  	[sflag:s6] =	ssyncset.done $0x0  }
0x127: {  	s16 =	simm.s32 $0x13D40;
	[sflag:s6] =	ssyncadd.s32 $0xFFFFFFC0  }
0x128: {  	[tilespmem:s23], [sflag:$0x2] =	stream.indirect.gather [hbm4b:s0+s19], $0x80, s16, s19, $0xb8;
	[tilespmem:$0x1E978] =	vst v63  }
0x129: {  	_ =	swait.ge [sflag:s8], $0x2000  }
0x12a: {  	[sflag:s8] =	ssyncset.done $0x0  }
0x12b: {  	s13 =	simm.s32 $0x13B80;
	[sflag:s8] =	ssyncadd.s32 $0xFFFFE000  }
0x12c: {  	[spmem:s3] =	stream.indirect.scatter.add.f32 [tilespmem:s25], [sflag:$0x7], $0x80, s13, s19, $0xb8;
	[tilespmem:$0x1E978] =	vst v63  }
0x12d: {  	_ = 	snop  }
0x12e: {  	[spmem:s4] =	stream.indirect.scatter.add.f32 [tilespmem:s30], [sflag:$0x7], $0x1, s13, s19, $0xb8;
	[tilespmem:$0x1E978] =	vst v63  }
0x12f: {  	_ =	swait.ge [sflag:s10], $0x2000  }
0x130: {  	[sflag:s10] =	ssyncset.done $0x0  }
0x131: {  	[sflag:s10] =	ssyncadd.s32 $0xFFFFE000  }
0x132: {  	_ =	swait.ge [sflag:s10], $0x40  }
0x133: {  	[sflag:s10] =	ssyncset.done $0x0  }
0x134: {  	s15 =	simm.s32 $0x13DC0;
	[sflag:s10] =	ssyncadd.s32 $0xFFFFFFC0  }
0x135: {  	[tilespmem:s25], [sflag:$0x3] =	stream.indirect.gather [hbm4b:s0+s19], $0x80, s15, s19, $0xb8;
	[tilespmem:$0x1E978] =	vst v63  }
0x136: {  	_ =	swait.ge [sflag:s20], $0x2000  }
0x137: {  	[sflag:s20] =	ssyncset.done $0x0  }
0x138: {  	[sflag:s20] =	ssyncadd.s32 $0xFFFFE000  }
0x139: {  	[spmem:s3] =	stream.indirect.scatter.add.f32 [tilespmem:s28], [sflag:$0x8], $0x80, s12, s19, $0xb8;
	[tilespmem:$0x1E978] =	vst v63  }
0x13a: {  	_ = 	snop  }
0x13b: {  	[spmem:s4] =	stream.indirect.scatter.add.f32 [tilespmem:s30], [sflag:$0x8], $0x1, s12, s19, $0xb8;
	[tilespmem:$0x1E978] =	vst v63  }
0x13c: {  	_ =	swait.ge [sflag:s22], $0x2000  }
0x13d: {  	[sflag:s22] =	ssyncset.done $0x0  }
0x13e: {  	[sflag:s22] =	ssyncadd.s32 $0xFFFFE000  }
0x13f: {  	_ =	swait.ge [sflag:s22], $0x40  }
0x140: {  	[sflag:s22] =	ssyncset.done $0x0  }
0x141: {  	s16 =	simm.s32 $0x13E40;
	[sflag:s22] =	ssyncadd.s32 $0xFFFFFFC0  }
0x142: {  	[tilespmem:s28], [sflag:$0x4] =	stream.indirect.gather [hbm4b:s0+s19], $0x80, s16, s19, $0xb8;
	[tilespmem:$0x1E978] =	vst v63  }
0x143: {  	_ =	swait.ge [sflag:s29], $0x2000  }
0x144: {  	[sflag:s29] =	ssyncset.done $0x0  }
0x145: {  	s13 =	simm.s32 $0x13C80;
	[sflag:s29] =	ssyncadd.s32 $0xFFFFE000  }
0x146: {  	[spmem:s3] =	stream.indirect.scatter.add.f32 [tilespmem:s21], [sflag:$0x5], $0x80, s13, s19, $0xb8;
	[tilespmem:$0x1E978] =	vst v63  }
0x147: {  	_ = 	snop  }
0x148: {  	[spmem:s4] =	stream.indirect.scatter.add.f32 [tilespmem:s30], [sflag:$0x5], $0x1, s13, s19, $0xb8;
	[tilespmem:$0x1E978] =	vst v63  }
0x149: {  	_ =	swait.ge [sflag:s31], $0x2000  }
0x14a: {  	[sflag:s31] =	ssyncset.done $0x0  }
0x14b: {  	[sflag:s31] =	ssyncadd.s32 $0xFFFFE000  }
0x14c: {  	_ =	swait.ge [sflag:s31], $0x40  }
0x14d: {  	[sflag:s31] =	ssyncset.done $0x0  }
0x14e: {  	s15 =	simm.s32 $0x13EC0;
	[sflag:s31] =	ssyncadd.s32 $0xFFFFFFC0  }
0x14f: {  	[tilespmem:s21], [sflag:$0x1] =	stream.indirect.gather [hbm4b:s0+s19], $0x80, s15, s19, $0xb8;
	[tilespmem:$0x1E978] =	vst v63  }
0x150: {  	_ =	swait.ge [sflag:s2], $0x2000  }
0x151: {  	[sflag:s2] =	ssyncset.done $0x0  }
0x152: {  	s16 =	simm.s32 $0x13D00;
	[sflag:s2] =	ssyncadd.s32 $0xFFFFE000  }
0x153: {  	[spmem:s3] =	stream.indirect.scatter.add.f32 [tilespmem:s23], [sflag:$0x6], $0x80, s16, s19, $0xb8;
	[tilespmem:$0x1E978] =	vst v63  }
0x154: {  	_ = 	snop  }
0x155: {  	[spmem:s4] =	stream.indirect.scatter.add.f32 [tilespmem:s30], [sflag:$0x6], $0x1, s16, s19, $0xb8;
	[tilespmem:$0x1E978] =	vst v63  }
0x156: {  	_ =	swait.ge [sflag:s6], $0x2000  }
0x157: {  	[sflag:s6] =	ssyncset.done $0x0  }
0x158: {  	[sflag:s6] =	ssyncadd.s32 $0xFFFFE000  }
0x159: {  	_ =	swait.ge [sflag:s6], $0x40  }
0x15a: {  	[sflag:s6] =	ssyncset.done $0x0  }
0x15b: {  	s13 =	simm.s32 $0x13F40;
	[sflag:s6] =	ssyncadd.s32 $0xFFFFFFC0  }
0x15c: {  	[tilespmem:s23], [sflag:$0x2] =	stream.indirect.gather [hbm4b:s0+s19], $0x80, s13, s19, $0xb8;
	[tilespmem:$0x1E978] =	vst v63  }
0x15d: {  	_ =	swait.ge [sflag:s8], $0x2000  }
0x15e: {  	[sflag:s8] =	ssyncset.done $0x0  }
0x15f: {  	s15 =	simm.s32 $0x13D80;
	[sflag:s8] =	ssyncadd.s32 $0xFFFFE000  }
0x160: {  	[spmem:s3] =	stream.indirect.scatter.add.f32 [tilespmem:s25], [sflag:$0x7], $0x80, s15, s19, $0xb8;
	[tilespmem:$0x1E978] =	vst v63  }
0x161: {  	_ = 	snop  }
0x162: {  	[spmem:s4] =	stream.indirect.scatter.add.f32 [tilespmem:s30], [sflag:$0x7], $0x1, s15, s19, $0xb8;
	[tilespmem:$0x1E978] =	vst v63  }
0x163: {  	_ =	swait.ge [sflag:s10], $0x2000  }
0x164: {  	[sflag:s10] =	ssyncset.done $0x0  }
0x165: {  	[sflag:s10] =	ssyncadd.s32 $0xFFFFE000  }
0x166: {  	_ =	swait.ge [sflag:s10], $0x40  }
0x167: {  	[sflag:s10] =	ssyncset.done $0x0  }
0x168: {  	s16 =	simm.s32 $0x13FC0;
	[sflag:s10] =	ssyncadd.s32 $0xFFFFFFC0  }
0x169: {  	[tilespmem:s25], [sflag:$0x3] =	stream.indirect.gather [hbm4b:s0+s19], $0x80, s16, s19, $0xb8;
	[tilespmem:$0x1E978] =	vst v63  }
0x16a: {  	_ =	swait.ge [sflag:s20], $0x2000  }
0x16b: {  	[sflag:s20] =	ssyncset.done $0x0  }
0x16c: {  	s11 =	simm.s32 $0x800;
	s13 =	simm.s32 $0x13E00;
	[sflag:s20] =	ssyncadd.s32 $0xFFFFE000  }
0x16d: {  	[spmem:s3] =	stream.indirect.scatter.add.f32 [tilespmem:s28], [sflag:$0x8], $0x80, s13, s19, $0xb8;
	[tilespmem:$0x1E978] =	vst v63  }
.LBB2_4:
0x16e: {  	[spmem:s4] =	stream.indirect.scatter.add.f32 [tilespmem:s30], [sflag:$0x8], $0x1, s13, s19, $0xb8;
	[tilespmem:$0x1E978] =	vst v63  }
0x16f: {  	s13 =	smov.u32 s11  }
0x170: {  	p1 =	sne.s32 s11, $0x8800;
	s11 =	sadd.s32 $0x800, s11;
	_ =	swait.ge [sflag:s22], $0x2000  }
0x171: {  	[sflag:s22] =	ssyncset.done $0x0  }
0x172: {  	[sflag:s22] =	ssyncadd.s32 $0xFFFFE000  }
0x173: {  	_ =	swait.ge [sflag:s22], $0x40  }
0x174: {  	s13 =	sshra.s32 s13, $0x2;
	[sflag:s22] =	ssyncset.done $0x0  }
0x175: {  	s15 =	sadd.s32 $0x13E40, s13;
	[sflag:s22] =	ssyncadd.s32 $0xFFFFFFC0  }
0x176: {  	[tilespmem:s28], [sflag:$0x4] =	stream.indirect.gather [hbm4b:s0+s19], $0x80, s15, s19, $0xb8;
	[tilespmem:$0x1E978] =	vst v63  }
0x177: {  	_ =	swait.ge [sflag:s29], $0x2000  }
0x178: {  	[sflag:s29] =	ssyncset.done $0x0  }
0x179: {  	s15 =	sadd.s32 $0x13C80, s13;
	[sflag:s29] =	ssyncadd.s32 $0xFFFFE000  }
0x17a: {  	[spmem:s3] =	stream.indirect.scatter.add.f32 [tilespmem:s21], [sflag:$0x5], $0x80, s15, s19, $0xb8;
	[tilespmem:$0x1E978] =	vst v63  }
0x17b: {  	_ = 	snop  }
0x17c: {  	[spmem:s4] =	stream.indirect.scatter.add.f32 [tilespmem:s30], [sflag:$0x5], $0x1, s15, s19, $0xb8;
	[tilespmem:$0x1E978] =	vst v63  }
0x17d: {  	_ =	swait.ge [sflag:s31], $0x2000  }
0x17e: {  	[sflag:s31] =	ssyncset.done $0x0  }
0x17f: {  	[sflag:s31] =	ssyncadd.s32 $0xFFFFE000  }
0x180: {  	_ =	swait.ge [sflag:s31], $0x40  }
0x181: {  	[sflag:s31] =	ssyncset.done $0x0  }
0x182: {  	s15 =	sadd.s32 $0x13EC0, s13;
	[sflag:s31] =	ssyncadd.s32 $0xFFFFFFC0  }
0x183: {  	[tilespmem:s21], [sflag:$0x1] =	stream.indirect.gather [hbm4b:s0+s19], $0x80, s15, s19, $0xb8;
	[tilespmem:$0x1E978] =	vst v63  }
0x184: {  	_ =	swait.ge [sflag:s2], $0x2000  }
0x185: {  	[sflag:s2] =	ssyncset.done $0x0  }
0x186: {  	s15 =	sadd.s32 $0x13D00, s13;
	[sflag:s2] =	ssyncadd.s32 $0xFFFFE000  }
0x187: {  	[spmem:s3] =	stream.indirect.scatter.add.f32 [tilespmem:s23], [sflag:$0x6], $0x80, s15, s19, $0xb8;
	[tilespmem:$0x1E978] =	vst v63  }
0x188: {  	_ = 	snop  }
0x189: {  	[spmem:s4] =	stream.indirect.scatter.add.f32 [tilespmem:s30], [sflag:$0x6], $0x1, s15, s19, $0xb8;
	[tilespmem:$0x1E978] =	vst v63  }
0x18a: {  	_ =	swait.ge [sflag:s6], $0x2000  }
0x18b: {  	[sflag:s6] =	ssyncset.done $0x0  }
0x18c: {  	[sflag:s6] =	ssyncadd.s32 $0xFFFFE000  }
0x18d: {  	_ =	swait.ge [sflag:s6], $0x40  }
0x18e: {  	[sflag:s6] =	ssyncset.done $0x0  }
0x18f: {  	s15 =	sadd.s32 $0x13F40, s13;
	[sflag:s6] =	ssyncadd.s32 $0xFFFFFFC0  }
0x190: {  	[tilespmem:s23], [sflag:$0x2] =	stream.indirect.gather [hbm4b:s0+s19], $0x80, s15, s19, $0xb8;
	[tilespmem:$0x1E978] =	vst v63  }
0x191: {  	_ =	swait.ge [sflag:s8], $0x2000  }
0x192: {  	[sflag:s8] =	ssyncset.done $0x0  }
0x193: {  	s15 =	sadd.s32 $0x13D80, s13;
	[sflag:s8] =	ssyncadd.s32 $0xFFFFE000  }
0x194: {  	[spmem:s3] =	stream.indirect.scatter.add.f32 [tilespmem:s25], [sflag:$0x7], $0x80, s15, s19, $0xb8;
	[tilespmem:$0x1E978] =	vst v63  }
0x195: {  	_ = 	snop  }
0x196: {  	[spmem:s4] =	stream.indirect.scatter.add.f32 [tilespmem:s30], [sflag:$0x7], $0x1, s15, s19, $0xb8;
	[tilespmem:$0x1E978] =	vst v63  }
0x197: {  	_ =	swait.ge [sflag:s10], $0x2000  }
0x198: {  	[sflag:s10] =	ssyncset.done $0x0  }
0x199: {  	[sflag:s10] =	ssyncadd.s32 $0xFFFFE000  }
0x19a: {  	_ =	swait.ge [sflag:s10], $0x40  }
0x19b: {  	[sflag:s10] =	ssyncset.done $0x0  }
0x19c: {  	s15 =	sadd.s32 $0x13FC0, s13;
	[sflag:s10] =	ssyncadd.s32 $0xFFFFFFC0  }
0x19d: {  	[tilespmem:s25], [sflag:$0x3] =	stream.indirect.gather [hbm4b:s0+s19], $0x80, s15, s19, $0xb8;
	[tilespmem:$0x1E978] =	vst v63  }
.Ltmp1:
0x19e: {  	_ = 	snop;
	(pc) =	sbr.rel @p1 .LBB2_4-.Ltmp1, $4  }
0x19f: {  	_ =	swait.ge [sflag:s20], $0x2000  }
0x1a0: {  	[sflag:s20] =	ssyncset.done $0x0  }
0x1a1: {  	s13 =	sadd.s32 $0x13E00, s13;
	[sflag:s20] =	ssyncadd.s32 $0xFFFFE000  }
0x1a2: {  	[spmem:s3] =	stream.indirect.scatter.add.f32 [tilespmem:s28], [sflag:$0x8], $0x80, s13, s19, $0xb8;
	[tilespmem:$0x1E978] =	vst v63  }
0x1a3: {  	[spmem:s4] =	stream.indirect.scatter.add.f32 [tilespmem:s30], [sflag:$0x8], $0x1, s13, s19, $0xb8;
	[tilespmem:$0x1E978] =	vst v63  }
0x1a4: {  	_ =	swait.ge [sflag:s22], $0x2000  }
0x1a5: {  	[sflag:s22] =	ssyncset.done $0x0  }
0x1a6: {  	[sflag:s22] =	ssyncadd.s32 $0xFFFFE000  }
0x1a7: {  	_ =	swait.ge [sflag:s22], $0x40  }
0x1a8: {  	[sflag:s22] =	ssyncset.done $0x0  }
0x1a9: {  	s11 =	simm.s32 $0x16240;
	[sflag:s22] =	ssyncadd.s32 $0xFFFFFFC0  }
0x1aa: {  	[tilespmem:s28], [sflag:$0x4] =	stream.indirect.gather [hbm4b:s0+s19], $0x80, s11, s19, $0xb8;
	[tilespmem:$0x1E978] =	vst v63  }
0x1ab: {  	_ =	swait.ge [sflag:s29], $0x2000  }
0x1ac: {  	[sflag:s29] =	ssyncset.done $0x0  }
0x1ad: {  	[sflag:s29] =	ssyncadd.s32 $0xFFFFE000  }
0x1ae: {  	[spmem:s3] =	stream.indirect.scatter.add.f32 [tilespmem:s21], [sflag:$0x5], $0x80, s14, s19, $0xb8;
	[tilespmem:$0x1E978] =	vst v63  }
0x1af: {  	_ = 	snop  }
0x1b0: {  	[spmem:s4] =	stream.indirect.scatter.add.f32 [tilespmem:s30], [sflag:$0x5], $0x1, s14, s19, $0xb8;
	[tilespmem:$0x1E978] =	vst v63  }
0x1b1: {  	_ =	swait.ge [sflag:s31], $0x2000  }
0x1b2: {  	[sflag:s31] =	ssyncset.done $0x0  }
0x1b3: {  	[sflag:s31] =	ssyncadd.s32 $0xFFFFE000  }
0x1b4: {  	_ =	swait.ge [sflag:s31], $0x40  }
0x1b5: {  	[sflag:s31] =	ssyncset.done $0x0  }
0x1b6: {  	[sflag:s31] =	ssyncadd.s32 $0xFFFFFFC0  }
0x1b7: {  	_ =	swait.ge [sflag:s2], $0x2000  }
0x1b8: {  	[sflag:s2] =	ssyncset.done $0x0  }
0x1b9: {  	[sflag:s2] =	ssyncadd.s32 $0xFFFFE000  }
0x1ba: {  	[spmem:s3] =	stream.indirect.scatter.add.f32 [tilespmem:s23], [sflag:$0x6], $0x80, s24, s19, $0xb8;
	[tilespmem:$0x1E978] =	vst v63  }
0x1bb: {  	_ = 	snop  }
0x1bc: {  	[spmem:s4] =	stream.indirect.scatter.add.f32 [tilespmem:s30], [sflag:$0x6], $0x1, s24, s19, $0xb8;
	[tilespmem:$0x1E978] =	vst v63  }
0x1bd: {  	_ =	swait.ge [sflag:s6], $0x2000  }
0x1be: {  	[sflag:s6] =	ssyncset.done $0x0  }
0x1bf: {  	[sflag:s6] =	ssyncadd.s32 $0xFFFFE000  }
0x1c0: {  	_ =	swait.ge [sflag:s6], $0x40  }
0x1c1: {  	[sflag:s6] =	ssyncset.done $0x0  }
0x1c2: {  	[sflag:s6] =	ssyncadd.s32 $0xFFFFFFC0  }
0x1c3: {  	_ =	swait.ge [sflag:s8], $0x2000  }
0x1c4: {  	[sflag:s8] =	ssyncset.done $0x0  }
0x1c5: {  	[sflag:s8] =	ssyncadd.s32 $0xFFFFE000  }
0x1c6: {  	[spmem:s3] =	stream.indirect.scatter.add.f32 [tilespmem:s25], [sflag:$0x7], $0x80, s26, s19, $0xb8;
	[tilespmem:$0x1E978] =	vst v63  }
0x1c7: {  	_ = 	snop  }
0x1c8: {  	[spmem:s4] =	stream.indirect.scatter.add.f32 [tilespmem:s30], [sflag:$0x7], $0x1, s26, s19, $0xb8;
	[tilespmem:$0x1E978] =	vst v63  }
0x1c9: {  	_ =	swait.ge [sflag:s10], $0x2000  }
0x1ca: {  	[sflag:s10] =	ssyncset.done $0x0  }
0x1cb: {  	[sflag:s10] =	ssyncadd.s32 $0xFFFFE000  }
0x1cc: {  	_ =	swait.ge [sflag:s10], $0x40  }
0x1cd: {  	[sflag:s10] =	ssyncset.done $0x0  }
0x1ce: {  	[sflag:s10] =	ssyncadd.s32 $0xFFFFFFC0  }
0x1cf: {  	_ =	swait.ge [sflag:s20], $0x2000  }
0x1d0: {  	[sflag:s20] =	ssyncset.done $0x0  }
0x1d1: {  	[sflag:s20] =	ssyncadd.s32 $0xFFFFE000  }
0x1d2: {  	[spmem:s3] =	stream.indirect.scatter.add.f32 [tilespmem:s28], [sflag:$0x8], $0x80, s1, s19, $0xb8;
	[tilespmem:$0x1E978] =	vst v63  }
0x1d3: {  	_ = 	snop  }
0x1d4: {  	[spmem:s4] =	stream.indirect.scatter.add.f32 [tilespmem:s30], [sflag:$0x8], $0x1, s1, s19, $0xb8;
	[tilespmem:$0x1E978] =	vst v63  }
0x1d5: {  	_ =	swait.ge [sflag:s22], $0x2000  }
0x1d6: {  	[sflag:s22] =	ssyncset.done $0x0  }
0x1d7: {  	[sflag:s22] =	ssyncadd.s32 $0xFFFFE000  }
0x1d8: {  	_ =	swait.ge [sflag:s22], $0x40  }
0x1d9: {  	[sflag:s22] =	ssyncset.done $0x0  }
0x1da: {  	[sflag:s22] =	ssyncadd.s32 $0xFFFFFFC0  }
0x1db: {  	[bflag:$0x0] =	sbarrier.arrive $0xFFFF  }
0x1dc: {  	s11 =	rddreg [dreg:$0xa]  }
0x1dd: {  	[hbm:s11], [sflag:s5] =	dma.local @!p0 [spmem:s9], $0x3E80  }
0x1de: {  	s11 =	simm.s32 @!p0 $0x9  }
0x1df: {  	_ =	swait.ge @!p0 [sflag:s11], $0x3E80  }
0x1e0: {  	[sflag:s11] =	ssyncset.done @!p0 $0x0  }
0x1e1: {  	s13 =	simm.s32 @!p0 $0x1E578;
	s15 =	rddreg [dreg:$0xb];
	[sflag:s11] =	ssyncadd.s32 @!p0 $0xFFFFC180  }
0x1e2: {  	[tilespmem:s13], [sflag:$0x9] =	stream.linear.gather @!p0 [spmem:s15], $0x3E8, $0x38;
	[tilespmem:$0x1E978] =	vst v63  }
0x1e3: {  	_ =	swait.ge @!p0 [sflag:s11], $0x3E8  }
0x1e4: {  	[sflag:s11] =	ssyncset.done @!p0 $0x0  }
0x1e5: {  	s15 =	simm.s32 @!p0 $0x0;
	s16 =	rddreg [dreg:$0xc];
	[sflag:s11] =	ssyncadd.s32 @!p0 $0xFFFFFC18  }
0x1e6: {  	[hbm4b:s16+s15] =	stream.linear.scatter @!p0 [tilespmem:s13], [sflag:$0x9], $0x3E8, $0x38;
	[tilespmem:$0x1E978] =	vst v63  }
0x1e7: {  	_ =	swait.ge @!p0 [sflag:s11], $0x3E8  }
0x1e8: {  	s7 =	sadd.s32 $0x1, s7;
	s16 =	rddreg [dreg:$0xd]  }
0x1e9: {  	p1 =	sne.s32 s7, s16  }
.Ltmp2:
0x1ea: {  	_ = 	snop;
	(pc) =	sbr.rel @p1 .LBB2_1-.Ltmp2, $3  }
0x1eb: {  	_ =	sdelay $0x1  }
0x1ec: {  	[sflag:s11] =	ssyncset.done @!p0 $0x0  }
0x1ed: {  	s15 =	smov.u32 s9;
	s13 =	smov.u32 s5;
	[sflag:s11] =	ssyncadd.s32 @!p0 $0xFFFFFC18  }
0x1ee: {  	_ =	sfence.sel $0x180000  }
0x1ef: {  	[bflag:$0x0] =	sbarrier.arrive $0xFFFF  }
0x1f0: {  	_ =	strace $0x90000047  }
0x1f1: {  	s0 =	stileid.u32;
	[bflag:$0x2] =	sbarrier.arrive $0xFFFF  }
0x1f2: {  	p0 =	sne.s32 s0, $0x0;
	s0 =	rddreg [dreg:$0x4]  }
0x1f3: {  	s0 =	sadd.s32 @!p0 $0x100000, s0  }
0x1f4: {  	[sflag:s0] =	ssyncadd.tile.s32 @!p0 $0x1;
	_ =	shalt  }
.Lfunc_end2:
_tile_overlayer_lowered:
.L_overlay_start_2:
0x1f5: {  	(tag) =	ssettag $0x2  }
0x1f6: {  	s0 =	rddreg [dreg:$0x0];
	s2 =	stileid.u32  }
0x1f7: {  	s1 =	rddreg [dreg:$0x1];
	p0 =	sne.s32 s2, $0x0  }
0x1f8: {  	s3 =	rddreg [dreg:$0x2];
	[bflag:$0x3] =	sbarrier.arrive $0xFFFF;
	s2 =	simm.s32 @!p0 $0x1C09  }
0x1f9: {  	[timem:s3], [sflag:s2] =	dma.local @!p0 [hbm:s0], s1  }
0x1fa: {  	s0 =	simm.s32 @!p0 $0x9  }
0x1fb: {  	_ =	swait.ge @!p0 [sflag:s0], s1  }
0x1fc: {  	s1 =	ssub.s32 @!p0 $0x0, s1;
	[sflag:s0] =	ssyncset.done @!p0 $0x0  }
0x1fd: {  	[sflag:s0] =	ssyncadd.s32 @!p0 s1  }
0x1fe: {  	[bflag:$0x3] =	sbarrier.arrive $0xFFFF  }
0x1ff: {  	_ =	shalt  }

</sc_bundles>
